<compile_context>
chip_gen: v7x
topology: tpu7x:2x2x1
jax: 0.10.2.dev20260603
libtpu: 0.0.44.dev20260713+nightly
codegen_flags: <defaults>
</compile_context>

<pallas_src>
import jax
import jax.numpy as jnp
from jax import lax
from jax.experimental import pallas as pl
from jax.experimental.pallas import tpu as pltpu
from jax.experimental.pallas import tpu_sc as plsc

NUM_CONT = 13
NUM_CAT = 26
NCOL = NUM_CONT + NUM_CAT
VOCAB1 = 100001
VOCAB1P = 100008
TW = 128
D = 16
B = 16384
OUT_W = NUM_CONT + NUM_CAT * D
OUT_WP = 512

NC = 2
NS = 16
NW = NC * NS
BPW = B // NW
SB = 16
NSUB = BPW // SB
XROW = B * NCOL // 128
XPW = BPW * NCOL // 128
XST = 160


def _body(x_hbm, tab_hbm, out_hbm, xf_v, idx_v, rows_v, out_v, sem):
  wid = lax.axis_index("s") * NC + lax.axis_index("c")
  base = wid * BPW

  ofs = (wid * XPW) % 8
  pltpu.sync_copy(x_hbm.at[pl.ds(wid * XPW - ofs, XST)], xf_v)
  eoff = ofs * 128

  lanes = lax.iota(jnp.int32, 16)
  for f in range(NUM_CAT):

    @pl.loop(0, BPW // 16)
    def _transp(k):
      p = (k * 16 + lanes) * NCOL + (NUM_CONT + f) + eoff
      idx_v[f, pl.ds(k * 16, 16)] = plsc.load_gather(xf_v, [p >> 7, p & 127])

  @pl.loop(0, NSUB)
  def _round(t):
    row0 = base + t * SB

    @pl.loop(0, NUM_CAT)
    def _fire(f):
      pltpu.make_async_copy(
          tab_hbm.at[f].at[idx_v.at[f, pl.ds(t * SB, SB)]],
          rows_v.at[pl.ds(f * SB, SB)],
          sem,
      ).start()

    @pl.loop(0, SB)
    def _cont(j):
      p = (t * SB + j) * NCOL + lanes + eoff
      vals = plsc.load_gather(xf_v, [p >> 7, p & 127])
      out_v[j, pl.ds(0, D)] = vals.astype(jnp.float32)

    @pl.loop(0, NUM_CAT)
    def _drain(f):
      pltpu.make_async_copy(
          tab_hbm.at[0].at[idx_v.at[0, pl.ds(0, SB)]],
          rows_v.at[pl.ds(0, SB)],
          sem,
      ).wait()

    for f in range(NUM_CAT):

      @pl.loop(0, SB)
      def _repack(j):
        out_v[j, pl.ds(NUM_CONT + D * f, D)] = rows_v[f * SB + j, pl.ds(0, D)]

    pltpu.sync_copy(out_v, out_hbm.at[pl.ds(row0, SB)])


@jax.jit
def _run(xfull, tab):
  mesh = plsc.VectorSubcoreMesh(
      core_axis_name="c", subcore_axis_name="s", num_cores=NC)
  f = pl.kernel(
      _body,
      out_type=jax.ShapeDtypeStruct((B, OUT_WP), jnp.float32),
      mesh=mesh,
      compiler_params=pltpu.CompilerParams(
          use_tc_tiling_on_sc=False, needs_layout_passes=False),
      scratch_types=[
          pltpu.VMEM((XST, 128), jnp.int32),
          pltpu.VMEM((NUM_CAT, BPW), jnp.int32),
          pltpu.VMEM((NUM_CAT * SB, TW), jnp.float32),
          pltpu.VMEM((SB, OUT_WP), jnp.float32),
          pltpu.SemaphoreType.DMA,
      ],
  )
  return f(xfull, tab)


def kernel(input_x, tables):
  xfull = input_x.astype(jnp.int32).reshape(XROW, 128)
  tabp = jnp.pad(tables, ((0, 0), (0, VOCAB1P - VOCAB1), (0, TW - D)))
  return _run(xfull, tabp)[:, :OUT_W]

# --- scband reference (transcript-rebuilt; emitter-appended) ---
"""Pipeline reference for scband-embedding-generator-64957085385011 (READ-ONLY COPY).

The authoritative reference and input builder live on the scoring server;
editing this copy changes nothing except your own understanding.
"""

import jax, jax.numpy as jnp
import numpy as np

INPUT_DIMENSIONS = 39
NUM_CONTINUOUS = 13
NUM_CATEGORICAL = 26
VOCAB = 100000
EMBED_DIM = 16
BATCH = 16384


def setup_inputs(seed: int = 0) -> dict:
    key = jax.random.key(seed)
    k_idx, k_tab = jax.random.split(key)
    # input table: first 13 columns are 'continuous' (int-valued here, cast to float in forward),
    # last 26 columns are categorical indices into per-field vocabularies.
    input_x = jax.random.randint(k_idx, (BATCH, INPUT_DIMENSIONS), 0, VOCAB, dtype=jnp.int64)
    # 26 embedding tables, each (VOCAB + 1, EMBED_DIM), normal(stddev=1.0) init like nn.initializers.normal(1**0.5)
    tables = jax.random.normal(k_tab, (NUM_CATEGORICAL, VOCAB + 1, EMBED_DIM), dtype=jnp.float32)
    return {"input_x": input_x, "tables": tables}


def reference(input_x, tables):
    # Faithful translation of EmbeddingGenerator.__call__:
    # iterate over input columns in order; continuous columns pass through as float32
    # (reshaped to (-1, 1)); categorical columns are cast to int32 and looked up in the
    # corresponding embedding table; everything is concatenated along axis=1.
    columns = []
    categorical_feature_counter = 0
    for feature_initial_index in range(INPUT_DIMENSIONS):
        is_continuous = feature_initial_index < NUM_CONTINUOUS
        if is_continuous:
            output = input_x[:, feature_initial_index].astype(jnp.float32).reshape(-1, 1)
            columns.append(output)
        else:
            embedding_input = input_x[:, feature_initial_index].astype(jnp.int32)
            table = tables[categorical_feature_counter]
            embedding_output = jnp.take(table, embedding_input, axis=0)
            columns.append(embedding_output)
            categorical_feature_counter += 1
    return jnp.concatenate(columns, axis=1)

if __name__ == "__main__":
    import jax
    _d = setup_inputs()
    print(jax.jit(kernel)(*tuple(_d.values())))

</pallas_src>

<mosaic_0001>
#map = affine_map<(d0, d1) -> (0, 0)>
#map1 = affine_map<(d0, d1) -> (0, 0, 0)>
module attributes {stable_mosaic.version = 14 : i64} {
  func.func @_body(%arg0: i32, %arg1: i32, %arg2: memref<4992x128xi32, #tpu.memory_space<hbm>>, %arg3: memref<26x100008x128xf32, #tpu.memory_space<hbm>>, %arg4: memref<16384x512xf32, #tpu.memory_space<hbm>>, %arg5: memref<160x128xi32, #tpu.memory_space<vmem>>, %arg6: memref<26x512xi32, #tpu.memory_space<vmem>>, %arg7: memref<416x128xf32, #tpu.memory_space<vmem>>, %arg8: memref<16x512xf32, #tpu.memory_space<vmem>>, %arg9: memref<!tpu.dma_semaphore, #tpu.memory_space<semaphore_mem>>) attributes {dimension_semantics = [#tpu.dimension_semantics<core_parallel>, #tpu.dimension_semantics<subcore_parallel>], iteration_bounds = array<i64: 2, 16>, scalar_prefetch = 0 : i64, scratch_operands = 5 : i64, tpu.core_type = #tpu.core_type<sc_vector_subcore>, window_params = [{transform_indices = #map}, {transform_indices = #map1}, {transform_indices = #map}]} {
    %mul3A = arith.constant 2 : i32
    %mul3A_0 = arith.muli %arg1, %mul3A : i32
    %add3A = arith.addi %mul3A_0, %arg0 : i32
    %mul3A_1 = arith.constant 512 : i32
    %mul3A_2 = arith.muli %add3A, %mul3A_1 : i32
    %mul3A_3 = arith.constant 156 : i32
    %mul3A_4 = arith.muli %add3A, %mul3A_3 : i32
    %jit3A = arith.constant 8 : i32
    %eq3A = arith.constant 0 : i32
    %eq3A_5 = arith.cmpi eq, %jit3A, %eq3A : i32
    %jit3A_6 = arith.constant 1 : i32
    %select_n3A = arith.select %eq3A_5, %jit3A_6, %jit3A : i32
    %rem3A = arith.remsi %mul3A_4, %select_n3A : i32
    %ne3A = arith.constant 0 : i32
    %ne3A_7 = arith.cmpi ne, %rem3A, %ne3A : i32
    %lt3A = arith.constant 0 : i32
    %lt3A_8 = arith.cmpi slt, %rem3A, %lt3A : i32
    %lt3A_9 = arith.constant 0 : i32
    %lt3A_10 = arith.cmpi slt, %select_n3A, %lt3A_9 : i32
    %ne3A_11 = arith.xori %lt3A_8, %lt3A_10 : i1
    %and3A = arith.andi %ne3A_11, %ne3A_7 : i1
    %add3A_12 = arith.addi %rem3A, %select_n3A : i32
    %select_n3A_13 = arith.select %and3A, %add3A_12, %rem3A : i32
    %mul3A_14 = arith.constant 156 : i32
    %mul3A_15 = arith.muli %add3A, %mul3A_14 : i32
    %sub3A = arith.subi %mul3A_15, %select_n3A_13 : i32
    "tpu.region"() ({
      %run_scoped3A = tpu.sem_alloc : memref<!tpu.dma_semaphore, #tpu.memory_space<semaphore_mem>>
      %dma_start3A = arith.constant 0 : i32
      %dma_start3A_152 = tpu.memref_slice %arg2[%sub3A, %dma_start3A] : memref<4992x128xi32, #tpu.memory_space<hbm>> -> memref<160x128xi32, #tpu.memory_space<hbm>>
      %dma_start3A_153 = arith.constant 0 : i32
      %dma_start3A_154 = tpu.memref_slice %arg2[%sub3A, %dma_start3A_153] : memref<4992x128xi32, #tpu.memory_space<hbm>> -> memref<160x128xi32, #tpu.memory_space<hbm>>
      tpu.enqueue_dma source(%dma_start3A_154 : memref<160x128xi32, #tpu.memory_space<hbm>>) target(%arg5 : memref<160x128xi32, #tpu.memory_space<vmem>>) target_semaphore(%run_scoped3A : memref<!tpu.dma_semaphore, #tpu.memory_space<semaphore_mem>>)
      %dma_wait3A = arith.constant 0 : i32
      %dma_wait3A_155 = tpu.memref_slice %arg2[%sub3A, %dma_wait3A] : memref<4992x128xi32, #tpu.memory_space<hbm>> -> memref<160x128xi32, #tpu.memory_space<hbm>>
      %dma_wait3A_156 = arith.constant 0 : i32
      %dma_wait3A_157 = tpu.memref_slice %arg2[%sub3A, %dma_wait3A_156] : memref<4992x128xi32, #tpu.memory_space<hbm>> -> memref<160x128xi32, #tpu.memory_space<hbm>>
      tpu.wait_dma2 semaphore(%run_scoped3A : memref<!tpu.dma_semaphore, #tpu.memory_space<semaphore_mem>>) src(%dma_wait3A_157 : memref<160x128xi32, #tpu.memory_space<hbm>>) dst(%arg5 : memref<160x128xi32, #tpu.memory_space<vmem>>)
      tpu.yield
    }) : () -> ()
    %mul3A_16 = arith.constant 128 : i32
    %mul3A_17 = arith.muli %select_n3A_13, %mul3A_16 : i32
    %iota3A = tpu.iota {dimensions = array<i32: 0>} : vector<16xi32>
    %scan3A = arith.constant 0 : i32
    %scan3A_18 = arith.constant 32 : i32
    %scan3A_19 = arith.addi %scan3A, %scan3A_18 : i32
    %scan3A_20 = arith.constant 1 : i32
    scf.for %scan3A_152 = %scan3A to %scan3A_19 step %scan3A_20  : i32 {
      %mul3A_153 = arith.constant 1 : i32
      %mul3A_154 = arith.muli %scan3A_152, %mul3A_153 : i32
      %add3A_155 = arith.constant 0 : i32
      %add3A_156 = arith.addi %add3A_155, %mul3A_154 : i32
      %mul3A_157 = arith.constant 16 : i32
      %mul3A_158 = arith.muli %add3A_156, %mul3A_157 : i32
      %add3A_159 = vector.broadcast %mul3A_158 : i32 to vector<16xi32>
      %add3A_160 = arith.addi %add3A_159, %iota3A : vector<16xi32>
      %mul3A_161 = arith.constant 39 : i32
      %mul3A_162 = vector.broadcast %mul3A_161 : i32 to vector<16xi32>
      %mul3A_163 = arith.muli %add3A_160, %mul3A_162 : vector<16xi32>
      %add3A_164 = arith.constant 13 : i32
      %add3A_165 = vector.broadcast %add3A_164 : i32 to vector<16xi32>
      %add3A_166 = arith.addi %mul3A_163, %add3A_165 : vector<16xi32>
      %add3A_167 = vector.broadcast %mul3A_17 : i32 to vector<16xi32>
      %add3A_168 = arith.addi %add3A_166, %add3A_167 : vector<16xi32>
      %shift_right_arithmetic3A = arith.constant 7 : i32
      %shift_right_arithmetic3A_169 = vector.broadcast %shift_right_arithmetic3A : i32 to vector<16xi32>
      %shift_right_arithmetic3A_170 = arith.shrsi %add3A_168, %shift_right_arithmetic3A_169 : vector<16xi32>
      %and3A_171 = arith.constant 127 : i32
      %and3A_172 = vector.broadcast %and3A_171 : i32 to vector<16xi32>
      %and3A_173 = arith.andi %add3A_168, %and3A_172 : vector<16xi32>
      %gather3A = tpu.vector_load_idx %arg5[%shift_right_arithmetic3A_170, %and3A_173] : memref<160x128xi32, #tpu.memory_space<vmem>>[vector<16xi32>, vector<16xi32>], vector<16xi32>,
      %mul3A_174 = arith.constant 16 : i32
      %mul3A_175 = arith.muli %add3A_156, %mul3A_174 : i32
      %swap3A = arith.constant 0 : i32
      %swap3A_176 = arith.index_cast %swap3A : i32 to index
      %swap3A_177 = arith.index_cast %mul3A_175 : i32 to index
      %swap3A_178 = tpu.vector_load %arg6[%swap3A_176, %swap3A_177] {strides = array<i32>} : memref<26x512xi32, #tpu.memory_space<vmem>>, vector<16xi32>,
      tpu.vector_store %arg6[%swap3A_176, %swap3A_177], %gather3A {strides = array<i32>} : memref<26x512xi32, #tpu.memory_space<vmem>>, vector<16xi32>,
    }
    %scan3A_21 = arith.constant 32 : i32
    %scan3A_22 = arith.constant 0 : i32
    %scan3A_23 = arith.constant 32 : i32
    %scan3A_24 = arith.addi %scan3A_22, %scan3A_23 : i32
    %scan3A_25 = arith.constant 1 : i32
    scf.for %scan3A_152 = %scan3A_22 to %scan3A_24 step %scan3A_25  : i32 {
      %mul3A_153 = arith.constant 1 : i32
      %mul3A_154 = arith.muli %scan3A_152, %mul3A_153 : i32
      %add3A_155 = arith.constant 0 : i32
      %add3A_156 = arith.addi %add3A_155, %mul3A_154 : i32
      %mul3A_157 = arith.constant 16 : i32
      %mul3A_158 = arith.muli %add3A_156, %mul3A_157 : i32
      %add3A_159 = vector.broadcast %mul3A_158 : i32 to vector<16xi32>
      %add3A_160 = arith.addi %add3A_159, %iota3A : vector<16xi32>
      %mul3A_161 = arith.constant 39 : i32
      %mul3A_162 = vector.broadcast %mul3A_161 : i32 to vector<16xi32>
      %mul3A_163 = arith.muli %add3A_160, %mul3A_162 : vector<16xi32>
      %add3A_164 = arith.constant 14 : i32
      %add3A_165 = vector.broadcast %add3A_164 : i32 to vector<16xi32>
      %add3A_166 = arith.addi %mul3A_163, %add3A_165 : vector<16xi32>
      %add3A_167 = vector.broadcast %mul3A_17 : i32 to vector<16xi32>
      %add3A_168 = arith.addi %add3A_166, %add3A_167 : vector<16xi32>
      %shift_right_arithmetic3A = arith.constant 7 : i32
      %shift_right_arithmetic3A_169 = vector.broadcast %shift_right_arithmetic3A : i32 to vector<16xi32>
      %shift_right_arithmetic3A_170 = arith.shrsi %add3A_168, %shift_right_arithmetic3A_169 : vector<16xi32>
      %and3A_171 = arith.constant 127 : i32
      %and3A_172 = vector.broadcast %and3A_171 : i32 to vector<16xi32>
      %and3A_173 = arith.andi %add3A_168, %and3A_172 : vector<16xi32>
      %gather3A = tpu.vector_load_idx %arg5[%shift_right_arithmetic3A_170, %and3A_173] : memref<160x128xi32, #tpu.memory_space<vmem>>[vector<16xi32>, vector<16xi32>], vector<16xi32>,
      %mul3A_174 = arith.constant 16 : i32
      %mul3A_175 = arith.muli %add3A_156, %mul3A_174 : i32
      %swap3A = arith.constant 1 : i32
      %swap3A_176 = arith.index_cast %swap3A : i32 to index
      %swap3A_177 = arith.index_cast %mul3A_175 : i32 to index
      %swap3A_178 = tpu.vector_load %arg6[%swap3A_176, %swap3A_177] {strides = array<i32>} : memref<26x512xi32, #tpu.memory_space<vmem>>, vector<16xi32>,
      tpu.vector_store %arg6[%swap3A_176, %swap3A_177], %gather3A {strides = array<i32>} : memref<26x512xi32, #tpu.memory_space<vmem>>, vector<16xi32>,
    }
    %scan3A_26 = arith.constant 32 : i32
    %scan3A_27 = arith.constant 0 : i32
    %scan3A_28 = arith.constant 32 : i32
    %scan3A_29 = arith.addi %scan3A_27, %scan3A_28 : i32
    %scan3A_30 = arith.constant 1 : i32
    scf.for %scan3A_152 = %scan3A_27 to %scan3A_29 step %scan3A_30  : i32 {
      %mul3A_153 = arith.constant 1 : i32
      %mul3A_154 = arith.muli %scan3A_152, %mul3A_153 : i32
      %add3A_155 = arith.constant 0 : i32
      %add3A_156 = arith.addi %add3A_155, %mul3A_154 : i32
      %mul3A_157 = arith.constant 16 : i32
      %mul3A_158 = arith.muli %add3A_156, %mul3A_157 : i32
      %add3A_159 = vector.broadcast %mul3A_158 : i32 to vector<16xi32>
      %add3A_160 = arith.addi %add3A_159, %iota3A : vector<16xi32>
      %mul3A_161 = arith.constant 39 : i32
      %mul3A_162 = vector.broadcast %mul3A_161 : i32 to vector<16xi32>
      %mul3A_163 = arith.muli %add3A_160, %mul3A_162 : vector<16xi32>
      %add3A_164 = arith.constant 15 : i32
      %add3A_165 = vector.broadcast %add3A_164 : i32 to vector<16xi32>
      %add3A_166 = arith.addi %mul3A_163, %add3A_165 : vector<16xi32>
      %add3A_167 = vector.broadcast %mul3A_17 : i32 to vector<16xi32>
      %add3A_168 = arith.addi %add3A_166, %add3A_167 : vector<16xi32>
      %shift_right_arithmetic3A = arith.constant 7 : i32
      %shift_right_arithmetic3A_169 = vector.broadcast %shift_right_arithmetic3A : i32 to vector<16xi32>
      %shift_right_arithmetic3A_170 = arith.shrsi %add3A_168, %shift_right_arithmetic3A_169 : vector<16xi32>
      %and3A_171 = arith.constant 127 : i32
      %and3A_172 = vector.broadcast %and3A_171 : i32 to vector<16xi32>
      %and3A_173 = arith.andi %add3A_168, %and3A_172 : vector<16xi32>
      %gather3A = tpu.vector_load_idx %arg5[%shift_right_arithmetic3A_170, %and3A_173] : memref<160x128xi32, #tpu.memory_space<vmem>>[vector<16xi32>, vector<16xi32>], vector<16xi32>,
      %mul3A_174 = arith.constant 16 : i32
      %mul3A_175 = arith.muli %add3A_156, %mul3A_174 : i32
      %swap3A = arith.constant 2 : i32
      %swap3A_176 = arith.index_cast %swap3A : i32 to index
      %swap3A_177 = arith.index_cast %mul3A_175 : i32 to index
      %swap3A_178 = tpu.vector_load %arg6[%swap3A_176, %swap3A_177] {strides = array<i32>} : memref<26x512xi32, #tpu.memory_space<vmem>>, vector<16xi32>,
      tpu.vector_store %arg6[%swap3A_176, %swap3A_177], %gather3A {strides = array<i32>} : memref<26x512xi32, #tpu.memory_space<vmem>>, vector<16xi32>,
    }
    %scan3A_31 = arith.constant 32 : i32
    %scan3A_32 = arith.constant 0 : i32
    %scan3A_33 = arith.constant 32 : i32
    %scan3A_34 = arith.addi %scan3A_32, %scan3A_33 : i32
    %scan3A_35 = arith.constant 1 : i32
    scf.for %scan3A_152 = %scan3A_32 to %scan3A_34 step %scan3A_35  : i32 {
      %mul3A_153 = arith.constant 1 : i32
      %mul3A_154 = arith.muli %scan3A_152, %mul3A_153 : i32
      %add3A_155 = arith.constant 0 : i32
      %add3A_156 = arith.addi %add3A_155, %mul3A_154 : i32
      %mul3A_157 = arith.constant 16 : i32
      %mul3A_158 = arith.muli %add3A_156, %mul3A_157 : i32
      %add3A_159 = vector.broadcast %mul3A_158 : i32 to vector<16xi32>
      %add3A_160 = arith.addi %add3A_159, %iota3A : vector<16xi32>
      %mul3A_161 = arith.constant 39 : i32
      %mul3A_162 = vector.broadcast %mul3A_161 : i32 to vector<16xi32>
      %mul3A_163 = arith.muli %add3A_160, %mul3A_162 : vector<16xi32>
      %add3A_164 = arith.constant 16 : i32
      %add3A_165 = vector.broadcast %add3A_164 : i32 to vector<16xi32>
      %add3A_166 = arith.addi %mul3A_163, %add3A_165 : vector<16xi32>
      %add3A_167 = vector.broadcast %mul3A_17 : i32 to vector<16xi32>
      %add3A_168 = arith.addi %add3A_166, %add3A_167 : vector<16xi32>
      %shift_right_arithmetic3A = arith.constant 7 : i32
      %shift_right_arithmetic3A_169 = vector.broadcast %shift_right_arithmetic3A : i32 to vector<16xi32>
      %shift_right_arithmetic3A_170 = arith.shrsi %add3A_168, %shift_right_arithmetic3A_169 : vector<16xi32>
      %and3A_171 = arith.constant 127 : i32
      %and3A_172 = vector.broadcast %and3A_171 : i32 to vector<16xi32>
      %and3A_173 = arith.andi %add3A_168, %and3A_172 : vector<16xi32>
      %gather3A = tpu.vector_load_idx %arg5[%shift_right_arithmetic3A_170, %and3A_173] : memref<160x128xi32, #tpu.memory_space<vmem>>[vector<16xi32>, vector<16xi32>], vector<16xi32>,
      %mul3A_174 = arith.constant 16 : i32
      %mul3A_175 = arith.muli %add3A_156, %mul3A_174 : i32
      %swap3A = arith.constant 3 : i32
      %swap3A_176 = arith.index_cast %swap3A : i32 to index
      %swap3A_177 = arith.index_cast %mul3A_175 : i32 to index
      %swap3A_178 = tpu.vector_load %arg6[%swap3A_176, %swap3A_177] {strides = array<i32>} : memref<26x512xi32, #tpu.memory_space<vmem>>, vector<16xi32>,
      tpu.vector_store %arg6[%swap3A_176, %swap3A_177], %gather3A {strides = array<i32>} : memref<26x512xi32, #tpu.memory_space<vmem>>, vector<16xi32>,
    }
    %scan3A_36 = arith.constant 32 : i32
    %scan3A_37 = arith.constant 0 : i32
    %scan3A_38 = arith.constant 32 : i32
    %scan3A_39 = arith.addi %scan3A_37, %scan3A_38 : i32
    %scan3A_40 = arith.constant 1 : i32
    scf.for %scan3A_152 = %scan3A_37 to %scan3A_39 step %scan3A_40  : i32 {
      %mul3A_153 = arith.constant 1 : i32
      %mul3A_154 = arith.muli %scan3A_152, %mul3A_153 : i32
      %add3A_155 = arith.constant 0 : i32
      %add3A_156 = arith.addi %add3A_155, %mul3A_154 : i32
      %mul3A_157 = arith.constant 16 : i32
      %mul3A_158 = arith.muli %add3A_156, %mul3A_157 : i32
      %add3A_159 = vector.broadcast %mul3A_158 : i32 to vector<16xi32>
      %add3A_160 = arith.addi %add3A_159, %iota3A : vector<16xi32>
      %mul3A_161 = arith.constant 39 : i32
      %mul3A_162 = vector.broadcast %mul3A_161 : i32 to vector<16xi32>
      %mul3A_163 = arith.muli %add3A_160, %mul3A_162 : vector<16xi32>
      %add3A_164 = arith.constant 17 : i32
      %add3A_165 = vector.broadcast %add3A_164 : i32 to vector<16xi32>
      %add3A_166 = arith.addi %mul3A_163, %add3A_165 : vector<16xi32>
      %add3A_167 = vector.broadcast %mul3A_17 : i32 to vector<16xi32>
      %add3A_168 = arith.addi %add3A_166, %add3A_167 : vector<16xi32>
      %shift_right_arithmetic3A = arith.constant 7 : i32
      %shift_right_arithmetic3A_169 = vector.broadcast %shift_right_arithmetic3A : i32 to vector<16xi32>
      %shift_right_arithmetic3A_170 = arith.shrsi %add3A_168, %shift_right_arithmetic3A_169 : vector<16xi32>
      %and3A_171 = arith.constant 127 : i32
      %and3A_172 = vector.broadcast %and3A_171 : i32 to vector<16xi32>
      %and3A_173 = arith.andi %add3A_168, %and3A_172 : vector<16xi32>
      %gather3A = tpu.vector_load_idx %arg5[%shift_right_arithmetic3A_170, %and3A_173] : memref<160x128xi32, #tpu.memory_space<vmem>>[vector<16xi32>, vector<16xi32>], vector<16xi32>,
      %mul3A_174 = arith.constant 16 : i32
      %mul3A_175 = arith.muli %add3A_156, %mul3A_174 : i32
      %swap3A = arith.constant 4 : i32
      %swap3A_176 = arith.index_cast %swap3A : i32 to index
      %swap3A_177 = arith.index_cast %mul3A_175 : i32 to index
      %swap3A_178 = tpu.vector_load %arg6[%swap3A_176, %swap3A_177] {strides = array<i32>} : memref<26x512xi32, #tpu.memory_space<vmem>>, vector<16xi32>,
      tpu.vector_store %arg6[%swap3A_176, %swap3A_177], %gather3A {strides = array<i32>} : memref<26x512xi32, #tpu.memory_space<vmem>>, vector<16xi32>,
    }
    %scan3A_41 = arith.constant 32 : i32
    %scan3A_42 = arith.constant 0 : i32
    %scan3A_43 = arith.constant 32 : i32
    %scan3A_44 = arith.addi %scan3A_42, %scan3A_43 : i32
    %scan3A_45 = arith.constant 1 : i32
    scf.for %scan3A_152 = %scan3A_42 to %scan3A_44 step %scan3A_45  : i32 {
      %mul3A_153 = arith.constant 1 : i32
      %mul3A_154 = arith.muli %scan3A_152, %mul3A_153 : i32
      %add3A_155 = arith.constant 0 : i32
      %add3A_156 = arith.addi %add3A_155, %mul3A_154 : i32
      %mul3A_157 = arith.constant 16 : i32
      %mul3A_158 = arith.muli %add3A_156, %mul3A_157 : i32
      %add3A_159 = vector.broadcast %mul3A_158 : i32 to vector<16xi32>
      %add3A_160 = arith.addi %add3A_159, %iota3A : vector<16xi32>
      %mul3A_161 = arith.constant 39 : i32
      %mul3A_162 = vector.broadcast %mul3A_161 : i32 to vector<16xi32>
      %mul3A_163 = arith.muli %add3A_160, %mul3A_162 : vector<16xi32>
      %add3A_164 = arith.constant 18 : i32
      %add3A_165 = vector.broadcast %add3A_164 : i32 to vector<16xi32>
      %add3A_166 = arith.addi %mul3A_163, %add3A_165 : vector<16xi32>
      %add3A_167 = vector.broadcast %mul3A_17 : i32 to vector<16xi32>
      %add3A_168 = arith.addi %add3A_166, %add3A_167 : vector<16xi32>
      %shift_right_arithmetic3A = arith.constant 7 : i32
      %shift_right_arithmetic3A_169 = vector.broadcast %shift_right_arithmetic3A : i32 to vector<16xi32>
      %shift_right_arithmetic3A_170 = arith.shrsi %add3A_168, %shift_right_arithmetic3A_169 : vector<16xi32>
      %and3A_171 = arith.constant 127 : i32
      %and3A_172 = vector.broadcast %and3A_171 : i32 to vector<16xi32>
      %and3A_173 = arith.andi %add3A_168, %and3A_172 : vector<16xi32>
      %gather3A = tpu.vector_load_idx %arg5[%shift_right_arithmetic3A_170, %and3A_173] : memref<160x128xi32, #tpu.memory_space<vmem>>[vector<16xi32>, vector<16xi32>], vector<16xi32>,
      %mul3A_174 = arith.constant 16 : i32
      %mul3A_175 = arith.muli %add3A_156, %mul3A_174 : i32
      %swap3A = arith.constant 5 : i32
      %swap3A_176 = arith.index_cast %swap3A : i32 to index
      %swap3A_177 = arith.index_cast %mul3A_175 : i32 to index
      %swap3A_178 = tpu.vector_load %arg6[%swap3A_176, %swap3A_177] {strides = array<i32>} : memref<26x512xi32, #tpu.memory_space<vmem>>, vector<16xi32>,
      tpu.vector_store %arg6[%swap3A_176, %swap3A_177], %gather3A {strides = array<i32>} : memref<26x512xi32, #tpu.memory_space<vmem>>, vector<16xi32>,
    }
    %scan3A_46 = arith.constant 32 : i32
    %scan3A_47 = arith.constant 0 : i32
    %scan3A_48 = arith.constant 32 : i32
    %scan3A_49 = arith.addi %scan3A_47, %scan3A_48 : i32
    %scan3A_50 = arith.constant 1 : i32
    scf.for %scan3A_152 = %scan3A_47 to %scan3A_49 step %scan3A_50  : i32 {
      %mul3A_153 = arith.constant 1 : i32
      %mul3A_154 = arith.muli %scan3A_152, %mul3A_153 : i32
      %add3A_155 = arith.constant 0 : i32
      %add3A_156 = arith.addi %add3A_155, %mul3A_154 : i32
      %mul3A_157 = arith.constant 16 : i32
      %mul3A_158 = arith.muli %add3A_156, %mul3A_157 : i32
      %add3A_159 = vector.broadcast %mul3A_158 : i32 to vector<16xi32>
      %add3A_160 = arith.addi %add3A_159, %iota3A : vector<16xi32>
      %mul3A_161 = arith.constant 39 : i32
      %mul3A_162 = vector.broadcast %mul3A_161 : i32 to vector<16xi32>
      %mul3A_163 = arith.muli %add3A_160, %mul3A_162 : vector<16xi32>
      %add3A_164 = arith.constant 19 : i32
      %add3A_165 = vector.broadcast %add3A_164 : i32 to vector<16xi32>
      %add3A_166 = arith.addi %mul3A_163, %add3A_165 : vector<16xi32>
      %add3A_167 = vector.broadcast %mul3A_17 : i32 to vector<16xi32>
      %add3A_168 = arith.addi %add3A_166, %add3A_167 : vector<16xi32>
      %shift_right_arithmetic3A = arith.constant 7 : i32
      %shift_right_arithmetic3A_169 = vector.broadcast %shift_right_arithmetic3A : i32 to vector<16xi32>
      %shift_right_arithmetic3A_170 = arith.shrsi %add3A_168, %shift_right_arithmetic3A_169 : vector<16xi32>
      %and3A_171 = arith.constant 127 : i32
      %and3A_172 = vector.broadcast %and3A_171 : i32 to vector<16xi32>
      %and3A_173 = arith.andi %add3A_168, %and3A_172 : vector<16xi32>
      %gather3A = tpu.vector_load_idx %arg5[%shift_right_arithmetic3A_170, %and3A_173] : memref<160x128xi32, #tpu.memory_space<vmem>>[vector<16xi32>, vector<16xi32>], vector<16xi32>,
      %mul3A_174 = arith.constant 16 : i32
      %mul3A_175 = arith.muli %add3A_156, %mul3A_174 : i32
      %swap3A = arith.constant 6 : i32
      %swap3A_176 = arith.index_cast %swap3A : i32 to index
      %swap3A_177 = arith.index_cast %mul3A_175 : i32 to index
      %swap3A_178 = tpu.vector_load %arg6[%swap3A_176, %swap3A_177] {strides = array<i32>} : memref<26x512xi32, #tpu.memory_space<vmem>>, vector<16xi32>,
      tpu.vector_store %arg6[%swap3A_176, %swap3A_177], %gather3A {strides = array<i32>} : memref<26x512xi32, #tpu.memory_space<vmem>>, vector<16xi32>,
    }
    %scan3A_51 = arith.constant 32 : i32
    %scan3A_52 = arith.constant 0 : i32
    %scan3A_53 = arith.constant 32 : i32
    %scan3A_54 = arith.addi %scan3A_52, %scan3A_53 : i32
    %scan3A_55 = arith.constant 1 : i32
    scf.for %scan3A_152 = %scan3A_52 to %scan3A_54 step %scan3A_55  : i32 {
      %mul3A_153 = arith.constant 1 : i32
      %mul3A_154 = arith.muli %scan3A_152, %mul3A_153 : i32
      %add3A_155 = arith.constant 0 : i32
      %add3A_156 = arith.addi %add3A_155, %mul3A_154 : i32
      %mul3A_157 = arith.constant 16 : i32
      %mul3A_158 = arith.muli %add3A_156, %mul3A_157 : i32
      %add3A_159 = vector.broadcast %mul3A_158 : i32 to vector<16xi32>
      %add3A_160 = arith.addi %add3A_159, %iota3A : vector<16xi32>
      %mul3A_161 = arith.constant 39 : i32
      %mul3A_162 = vector.broadcast %mul3A_161 : i32 to vector<16xi32>
      %mul3A_163 = arith.muli %add3A_160, %mul3A_162 : vector<16xi32>
      %add3A_164 = arith.constant 20 : i32
      %add3A_165 = vector.broadcast %add3A_164 : i32 to vector<16xi32>
      %add3A_166 = arith.addi %mul3A_163, %add3A_165 : vector<16xi32>
      %add3A_167 = vector.broadcast %mul3A_17 : i32 to vector<16xi32>
      %add3A_168 = arith.addi %add3A_166, %add3A_167 : vector<16xi32>
      %shift_right_arithmetic3A = arith.constant 7 : i32
      %shift_right_arithmetic3A_169 = vector.broadcast %shift_right_arithmetic3A : i32 to vector<16xi32>
      %shift_right_arithmetic3A_170 = arith.shrsi %add3A_168, %shift_right_arithmetic3A_169 : vector<16xi32>
      %and3A_171 = arith.constant 127 : i32
      %and3A_172 = vector.broadcast %and3A_171 : i32 to vector<16xi32>
      %and3A_173 = arith.andi %add3A_168, %and3A_172 : vector<16xi32>
      %gather3A = tpu.vector_load_idx %arg5[%shift_right_arithmetic3A_170, %and3A_173] : memref<160x128xi32, #tpu.memory_space<vmem>>[vector<16xi32>, vector<16xi32>], vector<16xi32>,
      %mul3A_174 = arith.constant 16 : i32
      %mul3A_175 = arith.muli %add3A_156, %mul3A_174 : i32
      %swap3A = arith.constant 7 : i32
      %swap3A_176 = arith.index_cast %swap3A : i32 to index
      %swap3A_177 = arith.index_cast %mul3A_175 : i32 to index
      %swap3A_178 = tpu.vector_load %arg6[%swap3A_176, %swap3A_177] {strides = array<i32>} : memref<26x512xi32, #tpu.memory_space<vmem>>, vector<16xi32>,
      tpu.vector_store %arg6[%swap3A_176, %swap3A_177], %gather3A {strides = array<i32>} : memref<26x512xi32, #tpu.memory_space<vmem>>, vector<16xi32>,
    }
    %scan3A_56 = arith.constant 32 : i32
    %scan3A_57 = arith.constant 0 : i32
    %scan3A_58 = arith.constant 32 : i32
    %scan3A_59 = arith.addi %scan3A_57, %scan3A_58 : i32
    %scan3A_60 = arith.constant 1 : i32
    scf.for %scan3A_152 = %scan3A_57 to %scan3A_59 step %scan3A_60  : i32 {
      %mul3A_153 = arith.constant 1 : i32
      %mul3A_154 = arith.muli %scan3A_152, %mul3A_153 : i32
      %add3A_155 = arith.constant 0 : i32
      %add3A_156 = arith.addi %add3A_155, %mul3A_154 : i32
      %mul3A_157 = arith.constant 16 : i32
      %mul3A_158 = arith.muli %add3A_156, %mul3A_157 : i32
      %add3A_159 = vector.broadcast %mul3A_158 : i32 to vector<16xi32>
      %add3A_160 = arith.addi %add3A_159, %iota3A : vector<16xi32>
      %mul3A_161 = arith.constant 39 : i32
      %mul3A_162 = vector.broadcast %mul3A_161 : i32 to vector<16xi32>
      %mul3A_163 = arith.muli %add3A_160, %mul3A_162 : vector<16xi32>
      %add3A_164 = arith.constant 21 : i32
      %add3A_165 = vector.broadcast %add3A_164 : i32 to vector<16xi32>
      %add3A_166 = arith.addi %mul3A_163, %add3A_165 : vector<16xi32>
      %add3A_167 = vector.broadcast %mul3A_17 : i32 to vector<16xi32>
      %add3A_168 = arith.addi %add3A_166, %add3A_167 : vector<16xi32>
      %shift_right_arithmetic3A = arith.constant 7 : i32
      %shift_right_arithmetic3A_169 = vector.broadcast %shift_right_arithmetic3A : i32 to vector<16xi32>
      %shift_right_arithmetic3A_170 = arith.shrsi %add3A_168, %shift_right_arithmetic3A_169 : vector<16xi32>
      %and3A_171 = arith.constant 127 : i32
      %and3A_172 = vector.broadcast %and3A_171 : i32 to vector<16xi32>
      %and3A_173 = arith.andi %add3A_168, %and3A_172 : vector<16xi32>
      %gather3A = tpu.vector_load_idx %arg5[%shift_right_arithmetic3A_170, %and3A_173] : memref<160x128xi32, #tpu.memory_space<vmem>>[vector<16xi32>, vector<16xi32>], vector<16xi32>,
      %mul3A_174 = arith.constant 16 : i32
      %mul3A_175 = arith.muli %add3A_156, %mul3A_174 : i32
      %swap3A = arith.constant 8 : i32
      %swap3A_176 = arith.index_cast %swap3A : i32 to index
      %swap3A_177 = arith.index_cast %mul3A_175 : i32 to index
      %swap3A_178 = tpu.vector_load %arg6[%swap3A_176, %swap3A_177] {strides = array<i32>} : memref<26x512xi32, #tpu.memory_space<vmem>>, vector<16xi32>,
      tpu.vector_store %arg6[%swap3A_176, %swap3A_177], %gather3A {strides = array<i32>} : memref<26x512xi32, #tpu.memory_space<vmem>>, vector<16xi32>,
    }
    %scan3A_61 = arith.constant 32 : i32
    %scan3A_62 = arith.constant 0 : i32
    %scan3A_63 = arith.constant 32 : i32
    %scan3A_64 = arith.addi %scan3A_62, %scan3A_63 : i32
    %scan3A_65 = arith.constant 1 : i32
    scf.for %scan3A_152 = %scan3A_62 to %scan3A_64 step %scan3A_65  : i32 {
      %mul3A_153 = arith.constant 1 : i32
      %mul3A_154 = arith.muli %scan3A_152, %mul3A_153 : i32
      %add3A_155 = arith.constant 0 : i32
      %add3A_156 = arith.addi %add3A_155, %mul3A_154 : i32
      %mul3A_157 = arith.constant 16 : i32
      %mul3A_158 = arith.muli %add3A_156, %mul3A_157 : i32
      %add3A_159 = vector.broadcast %mul3A_158 : i32 to vector<16xi32>
      %add3A_160 = arith.addi %add3A_159, %iota3A : vector<16xi32>
      %mul3A_161 = arith.constant 39 : i32
      %mul3A_162 = vector.broadcast %mul3A_161 : i32 to vector<16xi32>
      %mul3A_163 = arith.muli %add3A_160, %mul3A_162 : vector<16xi32>
      %add3A_164 = arith.constant 22 : i32
      %add3A_165 = vector.broadcast %add3A_164 : i32 to vector<16xi32>
      %add3A_166 = arith.addi %mul3A_163, %add3A_165 : vector<16xi32>
      %add3A_167 = vector.broadcast %mul3A_17 : i32 to vector<16xi32>
      %add3A_168 = arith.addi %add3A_166, %add3A_167 : vector<16xi32>
      %shift_right_arithmetic3A = arith.constant 7 : i32
      %shift_right_arithmetic3A_169 = vector.broadcast %shift_right_arithmetic3A : i32 to vector<16xi32>
      %shift_right_arithmetic3A_170 = arith.shrsi %add3A_168, %shift_right_arithmetic3A_169 : vector<16xi32>
      %and3A_171 = arith.constant 127 : i32
      %and3A_172 = vector.broadcast %and3A_171 : i32 to vector<16xi32>
      %and3A_173 = arith.andi %add3A_168, %and3A_172 : vector<16xi32>
      %gather3A = tpu.vector_load_idx %arg5[%shift_right_arithmetic3A_170, %and3A_173] : memref<160x128xi32, #tpu.memory_space<vmem>>[vector<16xi32>, vector<16xi32>], vector<16xi32>,
      %mul3A_174 = arith.constant 16 : i32
      %mul3A_175 = arith.muli %add3A_156, %mul3A_174 : i32
      %swap3A = arith.constant 9 : i32
      %swap3A_176 = arith.index_cast %swap3A : i32 to index
      %swap3A_177 = arith.index_cast %mul3A_175 : i32 to index
      %swap3A_178 = tpu.vector_load %arg6[%swap3A_176, %swap3A_177] {strides = array<i32>} : memref<26x512xi32, #tpu.memory_space<vmem>>, vector<16xi32>,
      tpu.vector_store %arg6[%swap3A_176, %swap3A_177], %gather3A {strides = array<i32>} : memref<26x512xi32, #tpu.memory_space<vmem>>, vector<16xi32>,
    }
    %scan3A_66 = arith.constant 32 : i32
    %scan3A_67 = arith.constant 0 : i32
    %scan3A_68 = arith.constant 32 : i32
    %scan3A_69 = arith.addi %scan3A_67, %scan3A_68 : i32
    %scan3A_70 = arith.constant 1 : i32
    scf.for %scan3A_152 = %scan3A_67 to %scan3A_69 step %scan3A_70  : i32 {
      %mul3A_153 = arith.constant 1 : i32
      %mul3A_154 = arith.muli %scan3A_152, %mul3A_153 : i32
      %add3A_155 = arith.constant 0 : i32
      %add3A_156 = arith.addi %add3A_155, %mul3A_154 : i32
      %mul3A_157 = arith.constant 16 : i32
      %mul3A_158 = arith.muli %add3A_156, %mul3A_157 : i32
      %add3A_159 = vector.broadcast %mul3A_158 : i32 to vector<16xi32>
      %add3A_160 = arith.addi %add3A_159, %iota3A : vector<16xi32>
      %mul3A_161 = arith.constant 39 : i32
      %mul3A_162 = vector.broadcast %mul3A_161 : i32 to vector<16xi32>
      %mul3A_163 = arith.muli %add3A_160, %mul3A_162 : vector<16xi32>
      %add3A_164 = arith.constant 23 : i32
      %add3A_165 = vector.broadcast %add3A_164 : i32 to vector<16xi32>
      %add3A_166 = arith.addi %mul3A_163, %add3A_165 : vector<16xi32>
      %add3A_167 = vector.broadcast %mul3A_17 : i32 to vector<16xi32>
      %add3A_168 = arith.addi %add3A_166, %add3A_167 : vector<16xi32>
      %shift_right_arithmetic3A = arith.constant 7 : i32
      %shift_right_arithmetic3A_169 = vector.broadcast %shift_right_arithmetic3A : i32 to vector<16xi32>
      %shift_right_arithmetic3A_170 = arith.shrsi %add3A_168, %shift_right_arithmetic3A_169 : vector<16xi32>
      %and3A_171 = arith.constant 127 : i32
      %and3A_172 = vector.broadcast %and3A_171 : i32 to vector<16xi32>
      %and3A_173 = arith.andi %add3A_168, %and3A_172 : vector<16xi32>
      %gather3A = tpu.vector_load_idx %arg5[%shift_right_arithmetic3A_170, %and3A_173] : memref<160x128xi32, #tpu.memory_space<vmem>>[vector<16xi32>, vector<16xi32>], vector<16xi32>,
      %mul3A_174 = arith.constant 16 : i32
      %mul3A_175 = arith.muli %add3A_156, %mul3A_174 : i32
      %swap3A = arith.constant 10 : i32
      %swap3A_176 = arith.index_cast %swap3A : i32 to index
      %swap3A_177 = arith.index_cast %mul3A_175 : i32 to index
      %swap3A_178 = tpu.vector_load %arg6[%swap3A_176, %swap3A_177] {strides = array<i32>} : memref<26x512xi32, #tpu.memory_space<vmem>>, vector<16xi32>,
      tpu.vector_store %arg6[%swap3A_176, %swap3A_177], %gather3A {strides = array<i32>} : memref<26x512xi32, #tpu.memory_space<vmem>>, vector<16xi32>,
    }
    %scan3A_71 = arith.constant 32 : i32
    %scan3A_72 = arith.constant 0 : i32
    %scan3A_73 = arith.constant 32 : i32
    %scan3A_74 = arith.addi %scan3A_72, %scan3A_73 : i32
    %scan3A_75 = arith.constant 1 : i32
    scf.for %scan3A_152 = %scan3A_72 to %scan3A_74 step %scan3A_75  : i32 {
      %mul3A_153 = arith.constant 1 : i32
      %mul3A_154 = arith.muli %scan3A_152, %mul3A_153 : i32
      %add3A_155 = arith.constant 0 : i32
      %add3A_156 = arith.addi %add3A_155, %mul3A_154 : i32
      %mul3A_157 = arith.constant 16 : i32
      %mul3A_158 = arith.muli %add3A_156, %mul3A_157 : i32
      %add3A_159 = vector.broadcast %mul3A_158 : i32 to vector<16xi32>
      %add3A_160 = arith.addi %add3A_159, %iota3A : vector<16xi32>
      %mul3A_161 = arith.constant 39 : i32
      %mul3A_162 = vector.broadcast %mul3A_161 : i32 to vector<16xi32>
      %mul3A_163 = arith.muli %add3A_160, %mul3A_162 : vector<16xi32>
      %add3A_164 = arith.constant 24 : i32
      %add3A_165 = vector.broadcast %add3A_164 : i32 to vector<16xi32>
      %add3A_166 = arith.addi %mul3A_163, %add3A_165 : vector<16xi32>
      %add3A_167 = vector.broadcast %mul3A_17 : i32 to vector<16xi32>
      %add3A_168 = arith.addi %add3A_166, %add3A_167 : vector<16xi32>
      %shift_right_arithmetic3A = arith.constant 7 : i32
      %shift_right_arithmetic3A_169 = vector.broadcast %shift_right_arithmetic3A : i32 to vector<16xi32>
      %shift_right_arithmetic3A_170 = arith.shrsi %add3A_168, %shift_right_arithmetic3A_169 : vector<16xi32>
      %and3A_171 = arith.constant 127 : i32
      %and3A_172 = vector.broadcast %and3A_171 : i32 to vector<16xi32>
      %and3A_173 = arith.andi %add3A_168, %and3A_172 : vector<16xi32>
      %gather3A = tpu.vector_load_idx %arg5[%shift_right_arithmetic3A_170, %and3A_173] : memref<160x128xi32, #tpu.memory_space<vmem>>[vector<16xi32>, vector<16xi32>], vector<16xi32>,
      %mul3A_174 = arith.constant 16 : i32
      %mul3A_175 = arith.muli %add3A_156, %mul3A_174 : i32
      %swap3A = arith.constant 11 : i32
      %swap3A_176 = arith.index_cast %swap3A : i32 to index
      %swap3A_177 = arith.index_cast %mul3A_175 : i32 to index
      %swap3A_178 = tpu.vector_load %arg6[%swap3A_176, %swap3A_177] {strides = array<i32>} : memref<26x512xi32, #tpu.memory_space<vmem>>, vector<16xi32>,
      tpu.vector_store %arg6[%swap3A_176, %swap3A_177], %gather3A {strides = array<i32>} : memref<26x512xi32, #tpu.memory_space<vmem>>, vector<16xi32>,
    }
    %scan3A_76 = arith.constant 32 : i32
    %scan3A_77 = arith.constant 0 : i32
    %scan3A_78 = arith.constant 32 : i32
    %scan3A_79 = arith.addi %scan3A_77, %scan3A_78 : i32
    %scan3A_80 = arith.constant 1 : i32
    scf.for %scan3A_152 = %scan3A_77 to %scan3A_79 step %scan3A_80  : i32 {
      %mul3A_153 = arith.constant 1 : i32
      %mul3A_154 = arith.muli %scan3A_152, %mul3A_153 : i32
      %add3A_155 = arith.constant 0 : i32
      %add3A_156 = arith.addi %add3A_155, %mul3A_154 : i32
      %mul3A_157 = arith.constant 16 : i32
      %mul3A_158 = arith.muli %add3A_156, %mul3A_157 : i32
      %add3A_159 = vector.broadcast %mul3A_158 : i32 to vector<16xi32>
      %add3A_160 = arith.addi %add3A_159, %iota3A : vector<16xi32>
      %mul3A_161 = arith.constant 39 : i32
      %mul3A_162 = vector.broadcast %mul3A_161 : i32 to vector<16xi32>
      %mul3A_163 = arith.muli %add3A_160, %mul3A_162 : vector<16xi32>
      %add3A_164 = arith.constant 25 : i32
      %add3A_165 = vector.broadcast %add3A_164 : i32 to vector<16xi32>
      %add3A_166 = arith.addi %mul3A_163, %add3A_165 : vector<16xi32>
      %add3A_167 = vector.broadcast %mul3A_17 : i32 to vector<16xi32>
      %add3A_168 = arith.addi %add3A_166, %add3A_167 : vector<16xi32>
      %shift_right_arithmetic3A = arith.constant 7 : i32
      %shift_right_arithmetic3A_169 = vector.broadcast %shift_right_arithmetic3A : i32 to vector<16xi32>
      %shift_right_arithmetic3A_170 = arith.shrsi %add3A_168, %shift_right_arithmetic3A_169 : vector<16xi32>
      %and3A_171 = arith.constant 127 : i32
      %and3A_172 = vector.broadcast %and3A_171 : i32 to vector<16xi32>
      %and3A_173 = arith.andi %add3A_168, %and3A_172 : vector<16xi32>
      %gather3A = tpu.vector_load_idx %arg5[%shift_right_arithmetic3A_170, %and3A_173] : memref<160x128xi32, #tpu.memory_space<vmem>>[vector<16xi32>, vector<16xi32>], vector<16xi32>,
      %mul3A_174 = arith.constant 16 : i32
      %mul3A_175 = arith.muli %add3A_156, %mul3A_174 : i32
      %swap3A = arith.constant 12 : i32
      %swap3A_176 = arith.index_cast %swap3A : i32 to index
      %swap3A_177 = arith.index_cast %mul3A_175 : i32 to index
      %swap3A_178 = tpu.vector_load %arg6[%swap3A_176, %swap3A_177] {strides = array<i32>} : memref<26x512xi32, #tpu.memory_space<vmem>>, vector<16xi32>,
      tpu.vector_store %arg6[%swap3A_176, %swap3A_177], %gather3A {strides = array<i32>} : memref<26x512xi32, #tpu.memory_space<vmem>>, vector<16xi32>,
    }
    %scan3A_81 = arith.constant 32 : i32
    %scan3A_82 = arith.constant 0 : i32
    %scan3A_83 = arith.constant 32 : i32
    %scan3A_84 = arith.addi %scan3A_82, %scan3A_83 : i32
    %scan3A_85 = arith.constant 1 : i32
    scf.for %scan3A_152 = %scan3A_82 to %scan3A_84 step %scan3A_85  : i32 {
      %mul3A_153 = arith.constant 1 : i32
      %mul3A_154 = arith.muli %scan3A_152, %mul3A_153 : i32
      %add3A_155 = arith.constant 0 : i32
      %add3A_156 = arith.addi %add3A_155, %mul3A_154 : i32
      %mul3A_157 = arith.constant 16 : i32
      %mul3A_158 = arith.muli %add3A_156, %mul3A_157 : i32
      %add3A_159 = vector.broadcast %mul3A_158 : i32 to vector<16xi32>
      %add3A_160 = arith.addi %add3A_159, %iota3A : vector<16xi32>
      %mul3A_161 = arith.constant 39 : i32
      %mul3A_162 = vector.broadcast %mul3A_161 : i32 to vector<16xi32>
      %mul3A_163 = arith.muli %add3A_160, %mul3A_162 : vector<16xi32>
      %add3A_164 = arith.constant 26 : i32
      %add3A_165 = vector.broadcast %add3A_164 : i32 to vector<16xi32>
      %add3A_166 = arith.addi %mul3A_163, %add3A_165 : vector<16xi32>
      %add3A_167 = vector.broadcast %mul3A_17 : i32 to vector<16xi32>
      %add3A_168 = arith.addi %add3A_166, %add3A_167 : vector<16xi32>
      %shift_right_arithmetic3A = arith.constant 7 : i32
      %shift_right_arithmetic3A_169 = vector.broadcast %shift_right_arithmetic3A : i32 to vector<16xi32>
      %shift_right_arithmetic3A_170 = arith.shrsi %add3A_168, %shift_right_arithmetic3A_169 : vector<16xi32>
      %and3A_171 = arith.constant 127 : i32
      %and3A_172 = vector.broadcast %and3A_171 : i32 to vector<16xi32>
      %and3A_173 = arith.andi %add3A_168, %and3A_172 : vector<16xi32>
      %gather3A = tpu.vector_load_idx %arg5[%shift_right_arithmetic3A_170, %and3A_173] : memref<160x128xi32, #tpu.memory_space<vmem>>[vector<16xi32>, vector<16xi32>], vector<16xi32>,
      %mul3A_174 = arith.constant 16 : i32
      %mul3A_175 = arith.muli %add3A_156, %mul3A_174 : i32
      %swap3A = arith.constant 13 : i32
      %swap3A_176 = arith.index_cast %swap3A : i32 to index
      %swap3A_177 = arith.index_cast %mul3A_175 : i32 to index
      %swap3A_178 = tpu.vector_load %arg6[%swap3A_176, %swap3A_177] {strides = array<i32>} : memref<26x512xi32, #tpu.memory_space<vmem>>, vector<16xi32>,
      tpu.vector_store %arg6[%swap3A_176, %swap3A_177], %gather3A {strides = array<i32>} : memref<26x512xi32, #tpu.memory_space<vmem>>, vector<16xi32>,
    }
    %scan3A_86 = arith.constant 32 : i32
    %scan3A_87 = arith.constant 0 : i32
    %scan3A_88 = arith.constant 32 : i32
    %scan3A_89 = arith.addi %scan3A_87, %scan3A_88 : i32
    %scan3A_90 = arith.constant 1 : i32
    scf.for %scan3A_152 = %scan3A_87 to %scan3A_89 step %scan3A_90  : i32 {
      %mul3A_153 = arith.constant 1 : i32
      %mul3A_154 = arith.muli %scan3A_152, %mul3A_153 : i32
      %add3A_155 = arith.constant 0 : i32
      %add3A_156 = arith.addi %add3A_155, %mul3A_154 : i32
      %mul3A_157 = arith.constant 16 : i32
      %mul3A_158 = arith.muli %add3A_156, %mul3A_157 : i32
      %add3A_159 = vector.broadcast %mul3A_158 : i32 to vector<16xi32>
      %add3A_160 = arith.addi %add3A_159, %iota3A : vector<16xi32>
      %mul3A_161 = arith.constant 39 : i32
      %mul3A_162 = vector.broadcast %mul3A_161 : i32 to vector<16xi32>
      %mul3A_163 = arith.muli %add3A_160, %mul3A_162 : vector<16xi32>
      %add3A_164 = arith.constant 27 : i32
      %add3A_165 = vector.broadcast %add3A_164 : i32 to vector<16xi32>
      %add3A_166 = arith.addi %mul3A_163, %add3A_165 : vector<16xi32>
      %add3A_167 = vector.broadcast %mul3A_17 : i32 to vector<16xi32>
      %add3A_168 = arith.addi %add3A_166, %add3A_167 : vector<16xi32>
      %shift_right_arithmetic3A = arith.constant 7 : i32
      %shift_right_arithmetic3A_169 = vector.broadcast %shift_right_arithmetic3A : i32 to vector<16xi32>
      %shift_right_arithmetic3A_170 = arith.shrsi %add3A_168, %shift_right_arithmetic3A_169 : vector<16xi32>
      %and3A_171 = arith.constant 127 : i32
      %and3A_172 = vector.broadcast %and3A_171 : i32 to vector<16xi32>
      %and3A_173 = arith.andi %add3A_168, %and3A_172 : vector<16xi32>
      %gather3A = tpu.vector_load_idx %arg5[%shift_right_arithmetic3A_170, %and3A_173] : memref<160x128xi32, #tpu.memory_space<vmem>>[vector<16xi32>, vector<16xi32>], vector<16xi32>,
      %mul3A_174 = arith.constant 16 : i32
      %mul3A_175 = arith.muli %add3A_156, %mul3A_174 : i32
      %swap3A = arith.constant 14 : i32
      %swap3A_176 = arith.index_cast %swap3A : i32 to index
      %swap3A_177 = arith.index_cast %mul3A_175 : i32 to index
      %swap3A_178 = tpu.vector_load %arg6[%swap3A_176, %swap3A_177] {strides = array<i32>} : memref<26x512xi32, #tpu.memory_space<vmem>>, vector<16xi32>,
      tpu.vector_store %arg6[%swap3A_176, %swap3A_177], %gather3A {strides = array<i32>} : memref<26x512xi32, #tpu.memory_space<vmem>>, vector<16xi32>,
    }
    %scan3A_91 = arith.constant 32 : i32
    %scan3A_92 = arith.constant 0 : i32
    %scan3A_93 = arith.constant 32 : i32
    %scan3A_94 = arith.addi %scan3A_92, %scan3A_93 : i32
    %scan3A_95 = arith.constant 1 : i32
    scf.for %scan3A_152 = %scan3A_92 to %scan3A_94 step %scan3A_95  : i32 {
      %mul3A_153 = arith.constant 1 : i32
      %mul3A_154 = arith.muli %scan3A_152, %mul3A_153 : i32
      %add3A_155 = arith.constant 0 : i32
      %add3A_156 = arith.addi %add3A_155, %mul3A_154 : i32
      %mul3A_157 = arith.constant 16 : i32
      %mul3A_158 = arith.muli %add3A_156, %mul3A_157 : i32
      %add3A_159 = vector.broadcast %mul3A_158 : i32 to vector<16xi32>
      %add3A_160 = arith.addi %add3A_159, %iota3A : vector<16xi32>
      %mul3A_161 = arith.constant 39 : i32
      %mul3A_162 = vector.broadcast %mul3A_161 : i32 to vector<16xi32>
      %mul3A_163 = arith.muli %add3A_160, %mul3A_162 : vector<16xi32>
      %add3A_164 = arith.constant 28 : i32
      %add3A_165 = vector.broadcast %add3A_164 : i32 to vector<16xi32>
      %add3A_166 = arith.addi %mul3A_163, %add3A_165 : vector<16xi32>
      %add3A_167 = vector.broadcast %mul3A_17 : i32 to vector<16xi32>
      %add3A_168 = arith.addi %add3A_166, %add3A_167 : vector<16xi32>
      %shift_right_arithmetic3A = arith.constant 7 : i32
      %shift_right_arithmetic3A_169 = vector.broadcast %shift_right_arithmetic3A : i32 to vector<16xi32>
      %shift_right_arithmetic3A_170 = arith.shrsi %add3A_168, %shift_right_arithmetic3A_169 : vector<16xi32>
      %and3A_171 = arith.constant 127 : i32
      %and3A_172 = vector.broadcast %and3A_171 : i32 to vector<16xi32>
      %and3A_173 = arith.andi %add3A_168, %and3A_172 : vector<16xi32>
      %gather3A = tpu.vector_load_idx %arg5[%shift_right_arithmetic3A_170, %and3A_173] : memref<160x128xi32, #tpu.memory_space<vmem>>[vector<16xi32>, vector<16xi32>], vector<16xi32>,
      %mul3A_174 = arith.constant 16 : i32
      %mul3A_175 = arith.muli %add3A_156, %mul3A_174 : i32
      %swap3A = arith.constant 15 : i32
      %swap3A_176 = arith.index_cast %swap3A : i32 to index
      %swap3A_177 = arith.index_cast %mul3A_175 : i32 to index
      %swap3A_178 = tpu.vector_load %arg6[%swap3A_176, %swap3A_177] {strides = array<i32>} : memref<26x512xi32, #tpu.memory_space<vmem>>, vector<16xi32>,
      tpu.vector_store %arg6[%swap3A_176, %swap3A_177], %gather3A {strides = array<i32>} : memref<26x512xi32, #tpu.memory_space<vmem>>, vector<16xi32>,
    }
    %scan3A_96 = arith.constant 32 : i32
    %scan3A_97 = arith.constant 0 : i32
    %scan3A_98 = arith.constant 32 : i32
    %scan3A_99 = arith.addi %scan3A_97, %scan3A_98 : i32
    %scan3A_100 = arith.constant 1 : i32
    scf.for %scan3A_152 = %scan3A_97 to %scan3A_99 step %scan3A_100  : i32 {
      %mul3A_153 = arith.constant 1 : i32
      %mul3A_154 = arith.muli %scan3A_152, %mul3A_153 : i32
      %add3A_155 = arith.constant 0 : i32
      %add3A_156 = arith.addi %add3A_155, %mul3A_154 : i32
      %mul3A_157 = arith.constant 16 : i32
      %mul3A_158 = arith.muli %add3A_156, %mul3A_157 : i32
      %add3A_159 = vector.broadcast %mul3A_158 : i32 to vector<16xi32>
      %add3A_160 = arith.addi %add3A_159, %iota3A : vector<16xi32>
      %mul3A_161 = arith.constant 39 : i32
      %mul3A_162 = vector.broadcast %mul3A_161 : i32 to vector<16xi32>
      %mul3A_163 = arith.muli %add3A_160, %mul3A_162 : vector<16xi32>
      %add3A_164 = arith.constant 29 : i32
      %add3A_165 = vector.broadcast %add3A_164 : i32 to vector<16xi32>
      %add3A_166 = arith.addi %mul3A_163, %add3A_165 : vector<16xi32>
      %add3A_167 = vector.broadcast %mul3A_17 : i32 to vector<16xi32>
      %add3A_168 = arith.addi %add3A_166, %add3A_167 : vector<16xi32>
      %shift_right_arithmetic3A = arith.constant 7 : i32
      %shift_right_arithmetic3A_169 = vector.broadcast %shift_right_arithmetic3A : i32 to vector<16xi32>
      %shift_right_arithmetic3A_170 = arith.shrsi %add3A_168, %shift_right_arithmetic3A_169 : vector<16xi32>
      %and3A_171 = arith.constant 127 : i32
      %and3A_172 = vector.broadcast %and3A_171 : i32 to vector<16xi32>
      %and3A_173 = arith.andi %add3A_168, %and3A_172 : vector<16xi32>
      %gather3A = tpu.vector_load_idx %arg5[%shift_right_arithmetic3A_170, %and3A_173] : memref<160x128xi32, #tpu.memory_space<vmem>>[vector<16xi32>, vector<16xi32>], vector<16xi32>,
      %mul3A_174 = arith.constant 16 : i32
      %mul3A_175 = arith.muli %add3A_156, %mul3A_174 : i32
      %swap3A = arith.constant 16 : i32
      %swap3A_176 = arith.index_cast %swap3A : i32 to index
      %swap3A_177 = arith.index_cast %mul3A_175 : i32 to index
      %swap3A_178 = tpu.vector_load %arg6[%swap3A_176, %swap3A_177] {strides = array<i32>} : memref<26x512xi32, #tpu.memory_space<vmem>>, vector<16xi32>,
      tpu.vector_store %arg6[%swap3A_176, %swap3A_177], %gather3A {strides = array<i32>} : memref<26x512xi32, #tpu.memory_space<vmem>>, vector<16xi32>,
    }
    %scan3A_101 = arith.constant 32 : i32
    %scan3A_102 = arith.constant 0 : i32
    %scan3A_103 = arith.constant 32 : i32
    %scan3A_104 = arith.addi %scan3A_102, %scan3A_103 : i32
    %scan3A_105 = arith.constant 1 : i32
    scf.for %scan3A_152 = %scan3A_102 to %scan3A_104 step %scan3A_105  : i32 {
      %mul3A_153 = arith.constant 1 : i32
      %mul3A_154 = arith.muli %scan3A_152, %mul3A_153 : i32
      %add3A_155 = arith.constant 0 : i32
      %add3A_156 = arith.addi %add3A_155, %mul3A_154 : i32
      %mul3A_157 = arith.constant 16 : i32
      %mul3A_158 = arith.muli %add3A_156, %mul3A_157 : i32
      %add3A_159 = vector.broadcast %mul3A_158 : i32 to vector<16xi32>
      %add3A_160 = arith.addi %add3A_159, %iota3A : vector<16xi32>
      %mul3A_161 = arith.constant 39 : i32
      %mul3A_162 = vector.broadcast %mul3A_161 : i32 to vector<16xi32>
      %mul3A_163 = arith.muli %add3A_160, %mul3A_162 : vector<16xi32>
      %add3A_164 = arith.constant 30 : i32
      %add3A_165 = vector.broadcast %add3A_164 : i32 to vector<16xi32>
      %add3A_166 = arith.addi %mul3A_163, %add3A_165 : vector<16xi32>
      %add3A_167 = vector.broadcast %mul3A_17 : i32 to vector<16xi32>
      %add3A_168 = arith.addi %add3A_166, %add3A_167 : vector<16xi32>
      %shift_right_arithmetic3A = arith.constant 7 : i32
      %shift_right_arithmetic3A_169 = vector.broadcast %shift_right_arithmetic3A : i32 to vector<16xi32>
      %shift_right_arithmetic3A_170 = arith.shrsi %add3A_168, %shift_right_arithmetic3A_169 : vector<16xi32>
      %and3A_171 = arith.constant 127 : i32
      %and3A_172 = vector.broadcast %and3A_171 : i32 to vector<16xi32>
      %and3A_173 = arith.andi %add3A_168, %and3A_172 : vector<16xi32>
      %gather3A = tpu.vector_load_idx %arg5[%shift_right_arithmetic3A_170, %and3A_173] : memref<160x128xi32, #tpu.memory_space<vmem>>[vector<16xi32>, vector<16xi32>], vector<16xi32>,
      %mul3A_174 = arith.constant 16 : i32
      %mul3A_175 = arith.muli %add3A_156, %mul3A_174 : i32
      %swap3A = arith.constant 17 : i32
      %swap3A_176 = arith.index_cast %swap3A : i32 to index
      %swap3A_177 = arith.index_cast %mul3A_175 : i32 to index
      %swap3A_178 = tpu.vector_load %arg6[%swap3A_176, %swap3A_177] {strides = array<i32>} : memref<26x512xi32, #tpu.memory_space<vmem>>, vector<16xi32>,
      tpu.vector_store %arg6[%swap3A_176, %swap3A_177], %gather3A {strides = array<i32>} : memref<26x512xi32, #tpu.memory_space<vmem>>, vector<16xi32>,
    }
    %scan3A_106 = arith.constant 32 : i32
    %scan3A_107 = arith.constant 0 : i32
    %scan3A_108 = arith.constant 32 : i32
    %scan3A_109 = arith.addi %scan3A_107, %scan3A_108 : i32
    %scan3A_110 = arith.constant 1 : i32
    scf.for %scan3A_152 = %scan3A_107 to %scan3A_109 step %scan3A_110  : i32 {
      %mul3A_153 = arith.constant 1 : i32
      %mul3A_154 = arith.muli %scan3A_152, %mul3A_153 : i32
      %add3A_155 = arith.constant 0 : i32
      %add3A_156 = arith.addi %add3A_155, %mul3A_154 : i32
      %mul3A_157 = arith.constant 16 : i32
      %mul3A_158 = arith.muli %add3A_156, %mul3A_157 : i32
      %add3A_159 = vector.broadcast %mul3A_158 : i32 to vector<16xi32>
      %add3A_160 = arith.addi %add3A_159, %iota3A : vector<16xi32>
      %mul3A_161 = arith.constant 39 : i32
      %mul3A_162 = vector.broadcast %mul3A_161 : i32 to vector<16xi32>
      %mul3A_163 = arith.muli %add3A_160, %mul3A_162 : vector<16xi32>
      %add3A_164 = arith.constant 31 : i32
      %add3A_165 = vector.broadcast %add3A_164 : i32 to vector<16xi32>
      %add3A_166 = arith.addi %mul3A_163, %add3A_165 : vector<16xi32>
      %add3A_167 = vector.broadcast %mul3A_17 : i32 to vector<16xi32>
      %add3A_168 = arith.addi %add3A_166, %add3A_167 : vector<16xi32>
      %shift_right_arithmetic3A = arith.constant 7 : i32
      %shift_right_arithmetic3A_169 = vector.broadcast %shift_right_arithmetic3A : i32 to vector<16xi32>
      %shift_right_arithmetic3A_170 = arith.shrsi %add3A_168, %shift_right_arithmetic3A_169 : vector<16xi32>
      %and3A_171 = arith.constant 127 : i32
      %and3A_172 = vector.broadcast %and3A_171 : i32 to vector<16xi32>
      %and3A_173 = arith.andi %add3A_168, %and3A_172 : vector<16xi32>
      %gather3A = tpu.vector_load_idx %arg5[%shift_right_arithmetic3A_170, %and3A_173] : memref<160x128xi32, #tpu.memory_space<vmem>>[vector<16xi32>, vector<16xi32>], vector<16xi32>,
      %mul3A_174 = arith.constant 16 : i32
      %mul3A_175 = arith.muli %add3A_156, %mul3A_174 : i32
      %swap3A = arith.constant 18 : i32
      %swap3A_176 = arith.index_cast %swap3A : i32 to index
      %swap3A_177 = arith.index_cast %mul3A_175 : i32 to index
      %swap3A_178 = tpu.vector_load %arg6[%swap3A_176, %swap3A_177] {strides = array<i32>} : memref<26x512xi32, #tpu.memory_space<vmem>>, vector<16xi32>,
      tpu.vector_store %arg6[%swap3A_176, %swap3A_177], %gather3A {strides = array<i32>} : memref<26x512xi32, #tpu.memory_space<vmem>>, vector<16xi32>,
    }
    %scan3A_111 = arith.constant 32 : i32
    %scan3A_112 = arith.constant 0 : i32
    %scan3A_113 = arith.constant 32 : i32
    %scan3A_114 = arith.addi %scan3A_112, %scan3A_113 : i32
    %scan3A_115 = arith.constant 1 : i32
    scf.for %scan3A_152 = %scan3A_112 to %scan3A_114 step %scan3A_115  : i32 {
      %mul3A_153 = arith.constant 1 : i32
      %mul3A_154 = arith.muli %scan3A_152, %mul3A_153 : i32
      %add3A_155 = arith.constant 0 : i32
      %add3A_156 = arith.addi %add3A_155, %mul3A_154 : i32
      %mul3A_157 = arith.constant 16 : i32
      %mul3A_158 = arith.muli %add3A_156, %mul3A_157 : i32
      %add3A_159 = vector.broadcast %mul3A_158 : i32 to vector<16xi32>
      %add3A_160 = arith.addi %add3A_159, %iota3A : vector<16xi32>
      %mul3A_161 = arith.constant 39 : i32
      %mul3A_162 = vector.broadcast %mul3A_161 : i32 to vector<16xi32>
      %mul3A_163 = arith.muli %add3A_160, %mul3A_162 : vector<16xi32>
      %add3A_164 = arith.constant 32 : i32
      %add3A_165 = vector.broadcast %add3A_164 : i32 to vector<16xi32>
      %add3A_166 = arith.addi %mul3A_163, %add3A_165 : vector<16xi32>
      %add3A_167 = vector.broadcast %mul3A_17 : i32 to vector<16xi32>
      %add3A_168 = arith.addi %add3A_166, %add3A_167 : vector<16xi32>
      %shift_right_arithmetic3A = arith.constant 7 : i32
      %shift_right_arithmetic3A_169 = vector.broadcast %shift_right_arithmetic3A : i32 to vector<16xi32>
      %shift_right_arithmetic3A_170 = arith.shrsi %add3A_168, %shift_right_arithmetic3A_169 : vector<16xi32>
      %and3A_171 = arith.constant 127 : i32
      %and3A_172 = vector.broadcast %and3A_171 : i32 to vector<16xi32>
      %and3A_173 = arith.andi %add3A_168, %and3A_172 : vector<16xi32>
      %gather3A = tpu.vector_load_idx %arg5[%shift_right_arithmetic3A_170, %and3A_173] : memref<160x128xi32, #tpu.memory_space<vmem>>[vector<16xi32>, vector<16xi32>], vector<16xi32>,
      %mul3A_174 = arith.constant 16 : i32
      %mul3A_175 = arith.muli %add3A_156, %mul3A_174 : i32
      %swap3A = arith.constant 19 : i32
      %swap3A_176 = arith.index_cast %swap3A : i32 to index
      %swap3A_177 = arith.index_cast %mul3A_175 : i32 to index
      %swap3A_178 = tpu.vector_load %arg6[%swap3A_176, %swap3A_177] {strides = array<i32>} : memref<26x512xi32, #tpu.memory_space<vmem>>, vector<16xi32>,
      tpu.vector_store %arg6[%swap3A_176, %swap3A_177], %gather3A {strides = array<i32>} : memref<26x512xi32, #tpu.memory_space<vmem>>, vector<16xi32>,
    }
    %scan3A_116 = arith.constant 32 : i32
    %scan3A_117 = arith.constant 0 : i32
    %scan3A_118 = arith.constant 32 : i32
    %scan3A_119 = arith.addi %scan3A_117, %scan3A_118 : i32
    %scan3A_120 = arith.constant 1 : i32
    scf.for %scan3A_152 = %scan3A_117 to %scan3A_119 step %scan3A_120  : i32 {
      %mul3A_153 = arith.constant 1 : i32
      %mul3A_154 = arith.muli %scan3A_152, %mul3A_153 : i32
      %add3A_155 = arith.constant 0 : i32
      %add3A_156 = arith.addi %add3A_155, %mul3A_154 : i32
      %mul3A_157 = arith.constant 16 : i32
      %mul3A_158 = arith.muli %add3A_156, %mul3A_157 : i32
      %add3A_159 = vector.broadcast %mul3A_158 : i32 to vector<16xi32>
      %add3A_160 = arith.addi %add3A_159, %iota3A : vector<16xi32>
      %mul3A_161 = arith.constant 39 : i32
      %mul3A_162 = vector.broadcast %mul3A_161 : i32 to vector<16xi32>
      %mul3A_163 = arith.muli %add3A_160, %mul3A_162 : vector<16xi32>
      %add3A_164 = arith.constant 33 : i32
      %add3A_165 = vector.broadcast %add3A_164 : i32 to vector<16xi32>
      %add3A_166 = arith.addi %mul3A_163, %add3A_165 : vector<16xi32>
      %add3A_167 = vector.broadcast %mul3A_17 : i32 to vector<16xi32>
      %add3A_168 = arith.addi %add3A_166, %add3A_167 : vector<16xi32>
      %shift_right_arithmetic3A = arith.constant 7 : i32
      %shift_right_arithmetic3A_169 = vector.broadcast %shift_right_arithmetic3A : i32 to vector<16xi32>
      %shift_right_arithmetic3A_170 = arith.shrsi %add3A_168, %shift_right_arithmetic3A_169 : vector<16xi32>
      %and3A_171 = arith.constant 127 : i32
      %and3A_172 = vector.broadcast %and3A_171 : i32 to vector<16xi32>
      %and3A_173 = arith.andi %add3A_168, %and3A_172 : vector<16xi32>
      %gather3A = tpu.vector_load_idx %arg5[%shift_right_arithmetic3A_170, %and3A_173] : memref<160x128xi32, #tpu.memory_space<vmem>>[vector<16xi32>, vector<16xi32>], vector<16xi32>,
      %mul3A_174 = arith.constant 16 : i32
      %mul3A_175 = arith.muli %add3A_156, %mul3A_174 : i32
      %swap3A = arith.constant 20 : i32
      %swap3A_176 = arith.index_cast %swap3A : i32 to index
      %swap3A_177 = arith.index_cast %mul3A_175 : i32 to index
      %swap3A_178 = tpu.vector_load %arg6[%swap3A_176, %swap3A_177] {strides = array<i32>} : memref<26x512xi32, #tpu.memory_space<vmem>>, vector<16xi32>,
      tpu.vector_store %arg6[%swap3A_176, %swap3A_177], %gather3A {strides = array<i32>} : memref<26x512xi32, #tpu.memory_space<vmem>>, vector<16xi32>,
    }
    %scan3A_121 = arith.constant 32 : i32
    %scan3A_122 = arith.constant 0 : i32
    %scan3A_123 = arith.constant 32 : i32
    %scan3A_124 = arith.addi %scan3A_122, %scan3A_123 : i32
    %scan3A_125 = arith.constant 1 : i32
    scf.for %scan3A_152 = %scan3A_122 to %scan3A_124 step %scan3A_125  : i32 {
      %mul3A_153 = arith.constant 1 : i32
      %mul3A_154 = arith.muli %scan3A_152, %mul3A_153 : i32
      %add3A_155 = arith.constant 0 : i32
      %add3A_156 = arith.addi %add3A_155, %mul3A_154 : i32
      %mul3A_157 = arith.constant 16 : i32
      %mul3A_158 = arith.muli %add3A_156, %mul3A_157 : i32
      %add3A_159 = vector.broadcast %mul3A_158 : i32 to vector<16xi32>
      %add3A_160 = arith.addi %add3A_159, %iota3A : vector<16xi32>
      %mul3A_161 = arith.constant 39 : i32
      %mul3A_162 = vector.broadcast %mul3A_161 : i32 to vector<16xi32>
      %mul3A_163 = arith.muli %add3A_160, %mul3A_162 : vector<16xi32>
      %add3A_164 = arith.constant 34 : i32
      %add3A_165 = vector.broadcast %add3A_164 : i32 to vector<16xi32>
      %add3A_166 = arith.addi %mul3A_163, %add3A_165 : vector<16xi32>
      %add3A_167 = vector.broadcast %mul3A_17 : i32 to vector<16xi32>
      %add3A_168 = arith.addi %add3A_166, %add3A_167 : vector<16xi32>
      %shift_right_arithmetic3A = arith.constant 7 : i32
      %shift_right_arithmetic3A_169 = vector.broadcast %shift_right_arithmetic3A : i32 to vector<16xi32>
      %shift_right_arithmetic3A_170 = arith.shrsi %add3A_168, %shift_right_arithmetic3A_169 : vector<16xi32>
      %and3A_171 = arith.constant 127 : i32
      %and3A_172 = vector.broadcast %and3A_171 : i32 to vector<16xi32>
      %and3A_173 = arith.andi %add3A_168, %and3A_172 : vector<16xi32>
      %gather3A = tpu.vector_load_idx %arg5[%shift_right_arithmetic3A_170, %and3A_173] : memref<160x128xi32, #tpu.memory_space<vmem>>[vector<16xi32>, vector<16xi32>], vector<16xi32>,
      %mul3A_174 = arith.constant 16 : i32
      %mul3A_175 = arith.muli %add3A_156, %mul3A_174 : i32
      %swap3A = arith.constant 21 : i32
      %swap3A_176 = arith.index_cast %swap3A : i32 to index
      %swap3A_177 = arith.index_cast %mul3A_175 : i32 to index
      %swap3A_178 = tpu.vector_load %arg6[%swap3A_176, %swap3A_177] {strides = array<i32>} : memref<26x512xi32, #tpu.memory_space<vmem>>, vector<16xi32>,
      tpu.vector_store %arg6[%swap3A_176, %swap3A_177], %gather3A {strides = array<i32>} : memref<26x512xi32, #tpu.memory_space<vmem>>, vector<16xi32>,
    }
    %scan3A_126 = arith.constant 32 : i32
    %scan3A_127 = arith.constant 0 : i32
    %scan3A_128 = arith.constant 32 : i32
    %scan3A_129 = arith.addi %scan3A_127, %scan3A_128 : i32
    %scan3A_130 = arith.constant 1 : i32
    scf.for %scan3A_152 = %scan3A_127 to %scan3A_129 step %scan3A_130  : i32 {
      %mul3A_153 = arith.constant 1 : i32
      %mul3A_154 = arith.muli %scan3A_152, %mul3A_153 : i32
      %add3A_155 = arith.constant 0 : i32
      %add3A_156 = arith.addi %add3A_155, %mul3A_154 : i32
      %mul3A_157 = arith.constant 16 : i32
      %mul3A_158 = arith.muli %add3A_156, %mul3A_157 : i32
      %add3A_159 = vector.broadcast %mul3A_158 : i32 to vector<16xi32>
      %add3A_160 = arith.addi %add3A_159, %iota3A : vector<16xi32>
      %mul3A_161 = arith.constant 39 : i32
      %mul3A_162 = vector.broadcast %mul3A_161 : i32 to vector<16xi32>
      %mul3A_163 = arith.muli %add3A_160, %mul3A_162 : vector<16xi32>
      %add3A_164 = arith.constant 35 : i32
      %add3A_165 = vector.broadcast %add3A_164 : i32 to vector<16xi32>
      %add3A_166 = arith.addi %mul3A_163, %add3A_165 : vector<16xi32>
      %add3A_167 = vector.broadcast %mul3A_17 : i32 to vector<16xi32>
      %add3A_168 = arith.addi %add3A_166, %add3A_167 : vector<16xi32>
      %shift_right_arithmetic3A = arith.constant 7 : i32
      %shift_right_arithmetic3A_169 = vector.broadcast %shift_right_arithmetic3A : i32 to vector<16xi32>
      %shift_right_arithmetic3A_170 = arith.shrsi %add3A_168, %shift_right_arithmetic3A_169 : vector<16xi32>
      %and3A_171 = arith.constant 127 : i32
      %and3A_172 = vector.broadcast %and3A_171 : i32 to vector<16xi32>
      %and3A_173 = arith.andi %add3A_168, %and3A_172 : vector<16xi32>
      %gather3A = tpu.vector_load_idx %arg5[%shift_right_arithmetic3A_170, %and3A_173] : memref<160x128xi32, #tpu.memory_space<vmem>>[vector<16xi32>, vector<16xi32>], vector<16xi32>,
      %mul3A_174 = arith.constant 16 : i32
      %mul3A_175 = arith.muli %add3A_156, %mul3A_174 : i32
      %swap3A = arith.constant 22 : i32
      %swap3A_176 = arith.index_cast %swap3A : i32 to index
      %swap3A_177 = arith.index_cast %mul3A_175 : i32 to index
      %swap3A_178 = tpu.vector_load %arg6[%swap3A_176, %swap3A_177] {strides = array<i32>} : memref<26x512xi32, #tpu.memory_space<vmem>>, vector<16xi32>,
      tpu.vector_store %arg6[%swap3A_176, %swap3A_177], %gather3A {strides = array<i32>} : memref<26x512xi32, #tpu.memory_space<vmem>>, vector<16xi32>,
    }
    %scan3A_131 = arith.constant 32 : i32
    %scan3A_132 = arith.constant 0 : i32
    %scan3A_133 = arith.constant 32 : i32
    %scan3A_134 = arith.addi %scan3A_132, %scan3A_133 : i32
    %scan3A_135 = arith.constant 1 : i32
    scf.for %scan3A_152 = %scan3A_132 to %scan3A_134 step %scan3A_135  : i32 {
      %mul3A_153 = arith.constant 1 : i32
      %mul3A_154 = arith.muli %scan3A_152, %mul3A_153 : i32
      %add3A_155 = arith.constant 0 : i32
      %add3A_156 = arith.addi %add3A_155, %mul3A_154 : i32
      %mul3A_157 = arith.constant 16 : i32
      %mul3A_158 = arith.muli %add3A_156, %mul3A_157 : i32
      %add3A_159 = vector.broadcast %mul3A_158 : i32 to vector<16xi32>
      %add3A_160 = arith.addi %add3A_159, %iota3A : vector<16xi32>
      %mul3A_161 = arith.constant 39 : i32
      %mul3A_162 = vector.broadcast %mul3A_161 : i32 to vector<16xi32>
      %mul3A_163 = arith.muli %add3A_160, %mul3A_162 : vector<16xi32>
      %add3A_164 = arith.constant 36 : i32
      %add3A_165 = vector.broadcast %add3A_164 : i32 to vector<16xi32>
      %add3A_166 = arith.addi %mul3A_163, %add3A_165 : vector<16xi32>
      %add3A_167 = vector.broadcast %mul3A_17 : i32 to vector<16xi32>
      %add3A_168 = arith.addi %add3A_166, %add3A_167 : vector<16xi32>
      %shift_right_arithmetic3A = arith.constant 7 : i32
      %shift_right_arithmetic3A_169 = vector.broadcast %shift_right_arithmetic3A : i32 to vector<16xi32>
      %shift_right_arithmetic3A_170 = arith.shrsi %add3A_168, %shift_right_arithmetic3A_169 : vector<16xi32>
      %and3A_171 = arith.constant 127 : i32
      %and3A_172 = vector.broadcast %and3A_171 : i32 to vector<16xi32>
      %and3A_173 = arith.andi %add3A_168, %and3A_172 : vector<16xi32>
      %gather3A = tpu.vector_load_idx %arg5[%shift_right_arithmetic3A_170, %and3A_173] : memref<160x128xi32, #tpu.memory_space<vmem>>[vector<16xi32>, vector<16xi32>], vector<16xi32>,
      %mul3A_174 = arith.constant 16 : i32
      %mul3A_175 = arith.muli %add3A_156, %mul3A_174 : i32
      %swap3A = arith.constant 23 : i32
      %swap3A_176 = arith.index_cast %swap3A : i32 to index
      %swap3A_177 = arith.index_cast %mul3A_175 : i32 to index
      %swap3A_178 = tpu.vector_load %arg6[%swap3A_176, %swap3A_177] {strides = array<i32>} : memref<26x512xi32, #tpu.memory_space<vmem>>, vector<16xi32>,
      tpu.vector_store %arg6[%swap3A_176, %swap3A_177], %gather3A {strides = array<i32>} : memref<26x512xi32, #tpu.memory_space<vmem>>, vector<16xi32>,
    }
    %scan3A_136 = arith.constant 32 : i32
    %scan3A_137 = arith.constant 0 : i32
    %scan3A_138 = arith.constant 32 : i32
    %scan3A_139 = arith.addi %scan3A_137, %scan3A_138 : i32
    %scan3A_140 = arith.constant 1 : i32
    scf.for %scan3A_152 = %scan3A_137 to %scan3A_139 step %scan3A_140  : i32 {
      %mul3A_153 = arith.constant 1 : i32
      %mul3A_154 = arith.muli %scan3A_152, %mul3A_153 : i32
      %add3A_155 = arith.constant 0 : i32
      %add3A_156 = arith.addi %add3A_155, %mul3A_154 : i32
      %mul3A_157 = arith.constant 16 : i32
      %mul3A_158 = arith.muli %add3A_156, %mul3A_157 : i32
      %add3A_159 = vector.broadcast %mul3A_158 : i32 to vector<16xi32>
      %add3A_160 = arith.addi %add3A_159, %iota3A : vector<16xi32>
      %mul3A_161 = arith.constant 39 : i32
      %mul3A_162 = vector.broadcast %mul3A_161 : i32 to vector<16xi32>
      %mul3A_163 = arith.muli %add3A_160, %mul3A_162 : vector<16xi32>
      %add3A_164 = arith.constant 37 : i32
      %add3A_165 = vector.broadcast %add3A_164 : i32 to vector<16xi32>
      %add3A_166 = arith.addi %mul3A_163, %add3A_165 : vector<16xi32>
      %add3A_167 = vector.broadcast %mul3A_17 : i32 to vector<16xi32>
      %add3A_168 = arith.addi %add3A_166, %add3A_167 : vector<16xi32>
      %shift_right_arithmetic3A = arith.constant 7 : i32
      %shift_right_arithmetic3A_169 = vector.broadcast %shift_right_arithmetic3A : i32 to vector<16xi32>
      %shift_right_arithmetic3A_170 = arith.shrsi %add3A_168, %shift_right_arithmetic3A_169 : vector<16xi32>
      %and3A_171 = arith.constant 127 : i32
      %and3A_172 = vector.broadcast %and3A_171 : i32 to vector<16xi32>
      %and3A_173 = arith.andi %add3A_168, %and3A_172 : vector<16xi32>
      %gather3A = tpu.vector_load_idx %arg5[%shift_right_arithmetic3A_170, %and3A_173] : memref<160x128xi32, #tpu.memory_space<vmem>>[vector<16xi32>, vector<16xi32>], vector<16xi32>,
      %mul3A_174 = arith.constant 16 : i32
      %mul3A_175 = arith.muli %add3A_156, %mul3A_174 : i32
      %swap3A = arith.constant 24 : i32
      %swap3A_176 = arith.index_cast %swap3A : i32 to index
      %swap3A_177 = arith.index_cast %mul3A_175 : i32 to index
      %swap3A_178 = tpu.vector_load %arg6[%swap3A_176, %swap3A_177] {strides = array<i32>} : memref<26x512xi32, #tpu.memory_space<vmem>>, vector<16xi32>,
      tpu.vector_store %arg6[%swap3A_176, %swap3A_177], %gather3A {strides = array<i32>} : memref<26x512xi32, #tpu.memory_space<vmem>>, vector<16xi32>,
    }
    %scan3A_141 = arith.constant 32 : i32
    %scan3A_142 = arith.constant 0 : i32
    %scan3A_143 = arith.constant 32 : i32
    %scan3A_144 = arith.addi %scan3A_142, %scan3A_143 : i32
    %scan3A_145 = arith.constant 1 : i32
    scf.for %scan3A_152 = %scan3A_142 to %scan3A_144 step %scan3A_145  : i32 {
      %mul3A_153 = arith.constant 1 : i32
      %mul3A_154 = arith.muli %scan3A_152, %mul3A_153 : i32
      %add3A_155 = arith.constant 0 : i32
      %add3A_156 = arith.addi %add3A_155, %mul3A_154 : i32
      %mul3A_157 = arith.constant 16 : i32
      %mul3A_158 = arith.muli %add3A_156, %mul3A_157 : i32
      %add3A_159 = vector.broadcast %mul3A_158 : i32 to vector<16xi32>
      %add3A_160 = arith.addi %add3A_159, %iota3A : vector<16xi32>
      %mul3A_161 = arith.constant 39 : i32
      %mul3A_162 = vector.broadcast %mul3A_161 : i32 to vector<16xi32>
      %mul3A_163 = arith.muli %add3A_160, %mul3A_162 : vector<16xi32>
      %add3A_164 = arith.constant 38 : i32
      %add3A_165 = vector.broadcast %add3A_164 : i32 to vector<16xi32>
      %add3A_166 = arith.addi %mul3A_163, %add3A_165 : vector<16xi32>
      %add3A_167 = vector.broadcast %mul3A_17 : i32 to vector<16xi32>
      %add3A_168 = arith.addi %add3A_166, %add3A_167 : vector<16xi32>
      %shift_right_arithmetic3A = arith.constant 7 : i32
      %shift_right_arithmetic3A_169 = vector.broadcast %shift_right_arithmetic3A : i32 to vector<16xi32>
      %shift_right_arithmetic3A_170 = arith.shrsi %add3A_168, %shift_right_arithmetic3A_169 : vector<16xi32>
      %and3A_171 = arith.constant 127 : i32
      %and3A_172 = vector.broadcast %and3A_171 : i32 to vector<16xi32>
      %and3A_173 = arith.andi %add3A_168, %and3A_172 : vector<16xi32>
      %gather3A = tpu.vector_load_idx %arg5[%shift_right_arithmetic3A_170, %and3A_173] : memref<160x128xi32, #tpu.memory_space<vmem>>[vector<16xi32>, vector<16xi32>], vector<16xi32>,
      %mul3A_174 = arith.constant 16 : i32
      %mul3A_175 = arith.muli %add3A_156, %mul3A_174 : i32
      %swap3A = arith.constant 25 : i32
      %swap3A_176 = arith.index_cast %swap3A : i32 to index
      %swap3A_177 = arith.index_cast %mul3A_175 : i32 to index
      %swap3A_178 = tpu.vector_load %arg6[%swap3A_176, %swap3A_177] {strides = array<i32>} : memref<26x512xi32, #tpu.memory_space<vmem>>, vector<16xi32>,
      tpu.vector_store %arg6[%swap3A_176, %swap3A_177], %gather3A {strides = array<i32>} : memref<26x512xi32, #tpu.memory_space<vmem>>, vector<16xi32>,
    }
    %scan3A_146 = arith.constant 32 : i32
    %scan3A_147 = arith.constant 0 : i32
    %scan3A_148 = arith.constant 32 : i32
    %scan3A_149 = arith.addi %scan3A_147, %scan3A_148 : i32
    %scan3A_150 = arith.constant 1 : i32
    scf.for %scan3A_152 = %scan3A_147 to %scan3A_149 step %scan3A_150  : i32 {
      %mul3A_153 = arith.constant 1 : i32
      %mul3A_154 = arith.muli %scan3A_152, %mul3A_153 : i32
      %add3A_155 = arith.constant 0 : i32
      %add3A_156 = arith.addi %add3A_155, %mul3A_154 : i32
      %mul3A_157 = arith.constant 16 : i32
      %mul3A_158 = arith.muli %add3A_156, %mul3A_157 : i32
      %add3A_159 = arith.addi %mul3A_2, %mul3A_158 : i32
      %scan3A_160 = arith.constant 0 : i32
      %scan3A_161 = arith.constant 26 : i32
      %scan3A_162 = arith.addi %scan3A_160, %scan3A_161 : i32
      %scan3A_163 = arith.constant 1 : i32
      scf.for %scan3A_305 = %scan3A_160 to %scan3A_162 step %scan3A_163  : i32 {
        %mul3A_306 = arith.constant 1 : i32
        %mul3A_307 = arith.muli %scan3A_305, %mul3A_306 : i32
        %add3A_308 = arith.constant 0 : i32
        %add3A_309 = arith.addi %add3A_308, %mul3A_307 : i32
        %mul3A_310 = arith.constant 16 : i32
        %mul3A_311 = arith.muli %add3A_156, %mul3A_310 : i32
        %mul3A_312 = arith.constant 16 : i32
        %mul3A_313 = arith.muli %add3A_309, %mul3A_312 : i32
        %dma_start3A = arith.constant 0 : i32
        %dma_start3A_314 = tpu.memref_slice %arg7[%mul3A_313, %dma_start3A] : memref<416x128xf32, #tpu.memory_space<vmem>> -> memref<16x128xf32, #tpu.memory_space<vmem>>
        %dma_start3A_315 = tpu.memref_slice %arg6[%add3A_309, %mul3A_311] : memref<26x512xi32, #tpu.memory_space<vmem>> -> memref<1x16xi32, #tpu.memory_space<vmem>>
        %dma_start3A_316 = tpu.memref_squeeze %dma_start3A_315 : memref<1x16xi32, #tpu.memory_space<vmem>> -> memref<16xi32, #tpu.memory_space<vmem>>
        %dma_start3A_317 = arith.constant 0 : i32
        %dma_start3A_318 = arith.constant 0 : i32
        %dma_start3A_319 = tpu.memref_slice %arg3[%add3A_309, %dma_start3A_317, %dma_start3A_318] : memref<26x100008x128xf32, #tpu.memory_space<hbm>> -> memref<1x100008x128xf32, #tpu.memory_space<hbm>>
        %dma_start3A_320 = tpu.memref_squeeze %dma_start3A_319 : memref<1x100008x128xf32, #tpu.memory_space<hbm>> -> memref<100008x128xf32, #tpu.memory_space<hbm>>
        %dma_start3A_321 = arith.constant 0 : i32
        %dma_start3A_322 = arith.constant 0 : i32
        %dma_start3A_323 = tpu.memref_slice %dma_start3A_320[%dma_start3A_321, %dma_start3A_322] : memref<100008x128xf32, #tpu.memory_space<hbm>> -> memref<100008x128xf32, #tpu.memory_space<hbm>>
        tpu.enqueue_indirect_dma source(%dma_start3A_323 : memref<100008x128xf32, #tpu.memory_space<hbm>>) target(%dma_start3A_314 : memref<16x128xf32, #tpu.memory_space<vmem>>) offsets(%dma_start3A_316 : memref<16xi32, #tpu.memory_space<vmem>>) semaphore(%arg9 : memref<!tpu.dma_semaphore, #tpu.memory_space<semaphore_mem>>)
      }
      %scan3A_164 = arith.constant 26 : i32
      %scan3A_165 = arith.constant 0 : i32
      %scan3A_166 = arith.constant 16 : i32
      %scan3A_167 = arith.addi %scan3A_165, %scan3A_166 : i32
      %scan3A_168 = arith.constant 1 : i32
      scf.for %scan3A_305 = %scan3A_165 to %scan3A_167 step %scan3A_168  : i32 {
        %mul3A_306 = arith.constant 1 : i32
        %mul3A_307 = arith.muli %scan3A_305, %mul3A_306 : i32
        %add3A_308 = arith.constant 0 : i32
        %add3A_309 = arith.addi %add3A_308, %mul3A_307 : i32
        %mul3A_310 = arith.constant 16 : i32
        %mul3A_311 = arith.muli %add3A_156, %mul3A_310 : i32
        %add3A_312 = arith.addi %mul3A_311, %add3A_309 : i32
        %mul3A_313 = arith.constant 39 : i32
        %mul3A_314 = arith.muli %add3A_312, %mul3A_313 : i32
        %add3A_315 = vector.broadcast %mul3A_314 : i32 to vector<16xi32>
        %add3A_316 = arith.addi %add3A_315, %iota3A : vector<16xi32>
        %add3A_317 = vector.broadcast %mul3A_17 : i32 to vector<16xi32>
        %add3A_318 = arith.addi %add3A_316, %add3A_317 : vector<16xi32>
        %shift_right_arithmetic3A = arith.constant 7 : i32
        %shift_right_arithmetic3A_319 = vector.broadcast %shift_right_arithmetic3A : i32 to vector<16xi32>
        %shift_right_arithmetic3A_320 = arith.shrsi %add3A_318, %shift_right_arithmetic3A_319 : vector<16xi32>
        %and3A_321 = arith.constant 127 : i32
        %and3A_322 = vector.broadcast %and3A_321 : i32 to vector<16xi32>
        %and3A_323 = arith.andi %add3A_318, %and3A_322 : vector<16xi32>
        %gather3A = tpu.vector_load_idx %arg5[%shift_right_arithmetic3A_320, %and3A_323] : memref<160x128xi32, #tpu.memory_space<vmem>>[vector<16xi32>, vector<16xi32>], vector<16xi32>,
        %convert_element_type3A = arith.sitofp %gather3A : vector<16xi32> to vector<16xf32>
        %swap3A = arith.index_cast %add3A_309 : i32 to index
        %swap3A_324 = arith.constant 0 : index
        %swap3A_325 = tpu.vector_load %arg8[%swap3A, %swap3A_324] {strides = array<i32>} : memref<16x512xf32, #tpu.memory_space<vmem>>, vector<16xf32>,
        tpu.vector_store %arg8[%swap3A, %swap3A_324], %convert_element_type3A {strides = array<i32>} : memref<16x512xf32, #tpu.memory_space<vmem>>, vector<16xf32>,
      }
      %scan3A_169 = arith.constant 16 : i32
      %scan3A_170 = arith.constant 0 : i32
      %scan3A_171 = arith.constant 26 : i32
      %scan3A_172 = arith.addi %scan3A_170, %scan3A_171 : i32
      %scan3A_173 = arith.constant 1 : i32
      scf.for %scan3A_305 = %scan3A_170 to %scan3A_172 step %scan3A_173  : i32 {
        %mul3A_306 = arith.constant 1 : i32
        %mul3A_307 = arith.muli %scan3A_305, %mul3A_306 : i32
        %add3A_308 = arith.constant 0 : i32
        %add3A_309 = arith.addi %add3A_308, %mul3A_307 : i32
        %dma_wait3A = arith.constant 0 : i32
        %dma_wait3A_310 = arith.constant 0 : i32
        %dma_wait3A_311 = arith.constant 0 : i32
        %dma_wait3A_312 = arith.constant 0 : i32
        %dma_wait3A_313 = tpu.memref_slice %arg7[%dma_wait3A_311, %dma_wait3A_312] : memref<416x128xf32, #tpu.memory_space<vmem>> -> memref<16x128xf32, #tpu.memory_space<vmem>>
        %dma_wait3A_314 = arith.constant 0 : i32
        %dma_wait3A_315 = tpu.memref_slice %arg6[%dma_wait3A_310, %dma_wait3A_314] : memref<26x512xi32, #tpu.memory_space<vmem>> -> memref<1x16xi32, #tpu.memory_space<vmem>>
        %dma_wait3A_316 = tpu.memref_squeeze %dma_wait3A_315 : memref<1x16xi32, #tpu.memory_space<vmem>> -> memref<16xi32, #tpu.memory_space<vmem>>
        %dma_wait3A_317 = arith.constant 0 : i32
        %dma_wait3A_318 = arith.constant 0 : i32
        %dma_wait3A_319 = tpu.memref_slice %arg3[%dma_wait3A, %dma_wait3A_317, %dma_wait3A_318] : memref<26x100008x128xf32, #tpu.memory_space<hbm>> -> memref<1x100008x128xf32, #tpu.memory_space<hbm>>
        %dma_wait3A_320 = tpu.memref_squeeze %dma_wait3A_319 : memref<1x100008x128xf32, #tpu.memory_space<hbm>> -> memref<100008x128xf32, #tpu.memory_space<hbm>>
        %dma_wait3A_321 = arith.constant 0 : i32
        %dma_wait3A_322 = arith.constant 0 : i32
        %dma_wait3A_323 = tpu.memref_slice %dma_wait3A_320[%dma_wait3A_321, %dma_wait3A_322] : memref<100008x128xf32, #tpu.memory_space<hbm>> -> memref<100008x128xf32, #tpu.memory_space<hbm>>
        tpu.wait_indirect_dma semaphore(%arg9 : memref<!tpu.dma_semaphore, #tpu.memory_space<semaphore_mem>>) src(%dma_wait3A_323 : memref<100008x128xf32, #tpu.memory_space<hbm>>) dst(%dma_wait3A_313 : memref<16x128xf32, #tpu.memory_space<vmem>>)
      }
      %scan3A_174 = arith.constant 26 : i32
      %scan3A_175 = arith.constant 0 : i32
      %scan3A_176 = arith.constant 16 : i32
      %scan3A_177 = arith.addi %scan3A_175, %scan3A_176 : i32
      %scan3A_178 = arith.constant 1 : i32
      scf.for %scan3A_305 = %scan3A_175 to %scan3A_177 step %scan3A_178  : i32 {
        %mul3A_306 = arith.constant 1 : i32
        %mul3A_307 = arith.muli %scan3A_305, %mul3A_306 : i32
        %add3A_308 = arith.constant 0 : i32
        %add3A_309 = arith.addi %add3A_308, %mul3A_307 : i32
        %add3A_310 = arith.constant 0 : i32
        %add3A_311 = arith.addi %add3A_310, %add3A_309 : i32
        %get3A = arith.index_cast %add3A_311 : i32 to index
        %get3A_312 = arith.constant 0 : index
        %get3A_313 = tpu.vector_load %arg7[%get3A, %get3A_312] {strides = array<i32>} : memref<416x128xf32, #tpu.memory_space<vmem>>, vector<16xf32>,
        %swap3A = arith.index_cast %add3A_309 : i32 to index
        %swap3A_314 = arith.constant 13 : index
        %swap3A_315 = tpu.vector_load %arg8[%swap3A, %swap3A_314] {strides = array<i32>} : memref<16x512xf32, #tpu.memory_space<vmem>>, vector<16xf32>,
        tpu.vector_store %arg8[%swap3A, %swap3A_314], %get3A_313 {strides = array<i32>} : memref<16x512xf32, #tpu.memory_space<vmem>>, vector<16xf32>,
      }
      %scan3A_179 = arith.constant 16 : i32
      %scan3A_180 = arith.constant 0 : i32
      %scan3A_181 = arith.constant 16 : i32
      %scan3A_182 = arith.addi %scan3A_180, %scan3A_181 : i32
      %scan3A_183 = arith.constant 1 : i32
      scf.for %scan3A_305 = %scan3A_180 to %scan3A_182 step %scan3A_183  : i32 {
        %mul3A_306 = arith.constant 1 : i32
        %mul3A_307 = arith.muli %scan3A_305, %mul3A_306 : i32
        %add3A_308 = arith.constant 0 : i32
        %add3A_309 = arith.addi %add3A_308, %mul3A_307 : i32
        %add3A_310 = arith.constant 16 : i32
        %add3A_311 = arith.addi %add3A_310, %add3A_309 : i32
        %get3A = arith.index_cast %add3A_311 : i32 to index
        %get3A_312 = arith.constant 0 : index
        %get3A_313 = tpu.vector_load %arg7[%get3A, %get3A_312] {strides = array<i32>} : memref<416x128xf32, #tpu.memory_space<vmem>>, vector<16xf32>,
        %swap3A = arith.index_cast %add3A_309 : i32 to index
        %swap3A_314 = arith.constant 29 : index
        %swap3A_315 = tpu.vector_load %arg8[%swap3A, %swap3A_314] {strides = array<i32>} : memref<16x512xf32, #tpu.memory_space<vmem>>, vector<16xf32>,
        tpu.vector_store %arg8[%swap3A, %swap3A_314], %get3A_313 {strides = array<i32>} : memref<16x512xf32, #tpu.memory_space<vmem>>, vector<16xf32>,
      }
      %scan3A_184 = arith.constant 16 : i32
      %scan3A_185 = arith.constant 0 : i32
      %scan3A_186 = arith.constant 16 : i32
      %scan3A_187 = arith.addi %scan3A_185, %scan3A_186 : i32
      %scan3A_188 = arith.constant 1 : i32
      scf.for %scan3A_305 = %scan3A_185 to %scan3A_187 step %scan3A_188  : i32 {
        %mul3A_306 = arith.constant 1 : i32
        %mul3A_307 = arith.muli %scan3A_305, %mul3A_306 : i32
        %add3A_308 = arith.constant 0 : i32
        %add3A_309 = arith.addi %add3A_308, %mul3A_307 : i32
        %add3A_310 = arith.constant 32 : i32
        %add3A_311 = arith.addi %add3A_310, %add3A_309 : i32
        %get3A = arith.index_cast %add3A_311 : i32 to index
        %get3A_312 = arith.constant 0 : index
        %get3A_313 = tpu.vector_load %arg7[%get3A, %get3A_312] {strides = array<i32>} : memref<416x128xf32, #tpu.memory_space<vmem>>, vector<16xf32>,
        %swap3A = arith.index_cast %add3A_309 : i32 to index
        %swap3A_314 = arith.constant 45 : index
        %swap3A_315 = tpu.vector_load %arg8[%swap3A, %swap3A_314] {strides = array<i32>} : memref<16x512xf32, #tpu.memory_space<vmem>>, vector<16xf32>,
        tpu.vector_store %arg8[%swap3A, %swap3A_314], %get3A_313 {strides = array<i32>} : memref<16x512xf32, #tpu.memory_space<vmem>>, vector<16xf32>,
      }
      %scan3A_189 = arith.constant 16 : i32
      %scan3A_190 = arith.constant 0 : i32
      %scan3A_191 = arith.constant 16 : i32
      %scan3A_192 = arith.addi %scan3A_190, %scan3A_191 : i32
      %scan3A_193 = arith.constant 1 : i32
      scf.for %scan3A_305 = %scan3A_190 to %scan3A_192 step %scan3A_193  : i32 {
        %mul3A_306 = arith.constant 1 : i32
        %mul3A_307 = arith.muli %scan3A_305, %mul3A_306 : i32
        %add3A_308 = arith.constant 0 : i32
        %add3A_309 = arith.addi %add3A_308, %mul3A_307 : i32
        %add3A_310 = arith.constant 48 : i32
        %add3A_311 = arith.addi %add3A_310, %add3A_309 : i32
        %get3A = arith.index_cast %add3A_311 : i32 to index
        %get3A_312 = arith.constant 0 : index
        %get3A_313 = tpu.vector_load %arg7[%get3A, %get3A_312] {strides = array<i32>} : memref<416x128xf32, #tpu.memory_space<vmem>>, vector<16xf32>,
        %swap3A = arith.index_cast %add3A_309 : i32 to index
        %swap3A_314 = arith.constant 61 : index
        %swap3A_315 = tpu.vector_load %arg8[%swap3A, %swap3A_314] {strides = array<i32>} : memref<16x512xf32, #tpu.memory_space<vmem>>, vector<16xf32>,
        tpu.vector_store %arg8[%swap3A, %swap3A_314], %get3A_313 {strides = array<i32>} : memref<16x512xf32, #tpu.memory_space<vmem>>, vector<16xf32>,
      }
      %scan3A_194 = arith.constant 16 : i32
      %scan3A_195 = arith.constant 0 : i32
      %scan3A_196 = arith.constant 16 : i32
      %scan3A_197 = arith.addi %scan3A_195, %scan3A_196 : i32
      %scan3A_198 = arith.constant 1 : i32
      scf.for %scan3A_305 = %scan3A_195 to %scan3A_197 step %scan3A_198  : i32 {
        %mul3A_306 = arith.constant 1 : i32
        %mul3A_307 = arith.muli %scan3A_305, %mul3A_306 : i32
        %add3A_308 = arith.constant 0 : i32
        %add3A_309 = arith.addi %add3A_308, %mul3A_307 : i32
        %add3A_310 = arith.constant 64 : i32
        %add3A_311 = arith.addi %add3A_310, %add3A_309 : i32
        %get3A = arith.index_cast %add3A_311 : i32 to index
        %get3A_312 = arith.constant 0 : index
        %get3A_313 = tpu.vector_load %arg7[%get3A, %get3A_312] {strides = array<i32>} : memref<416x128xf32, #tpu.memory_space<vmem>>, vector<16xf32>,
        %swap3A = arith.index_cast %add3A_309 : i32 to index
        %swap3A_314 = arith.constant 77 : index
        %swap3A_315 = tpu.vector_load %arg8[%swap3A, %swap3A_314] {strides = array<i32>} : memref<16x512xf32, #tpu.memory_space<vmem>>, vector<16xf32>,
        tpu.vector_store %arg8[%swap3A, %swap3A_314], %get3A_313 {strides = array<i32>} : memref<16x512xf32, #tpu.memory_space<vmem>>, vector<16xf32>,
      }
      %scan3A_199 = arith.constant 16 : i32
      %scan3A_200 = arith.constant 0 : i32
      %scan3A_201 = arith.constant 16 : i32
      %scan3A_202 = arith.addi %scan3A_200, %scan3A_201 : i32
      %scan3A_203 = arith.constant 1 : i32
      scf.for %scan3A_305 = %scan3A_200 to %scan3A_202 step %scan3A_203  : i32 {
        %mul3A_306 = arith.constant 1 : i32
        %mul3A_307 = arith.muli %scan3A_305, %mul3A_306 : i32
        %add3A_308 = arith.constant 0 : i32
        %add3A_309 = arith.addi %add3A_308, %mul3A_307 : i32
        %add3A_310 = arith.constant 80 : i32
        %add3A_311 = arith.addi %add3A_310, %add3A_309 : i32
        %get3A = arith.index_cast %add3A_311 : i32 to index
        %get3A_312 = arith.constant 0 : index
        %get3A_313 = tpu.vector_load %arg7[%get3A, %get3A_312] {strides = array<i32>} : memref<416x128xf32, #tpu.memory_space<vmem>>, vector<16xf32>,
        %swap3A = arith.index_cast %add3A_309 : i32 to index
        %swap3A_314 = arith.constant 93 : index
        %swap3A_315 = tpu.vector_load %arg8[%swap3A, %swap3A_314] {strides = array<i32>} : memref<16x512xf32, #tpu.memory_space<vmem>>, vector<16xf32>,
        tpu.vector_store %arg8[%swap3A, %swap3A_314], %get3A_313 {strides = array<i32>} : memref<16x512xf32, #tpu.memory_space<vmem>>, vector<16xf32>,
      }
      %scan3A_204 = arith.constant 16 : i32
      %scan3A_205 = arith.constant 0 : i32
      %scan3A_206 = arith.constant 16 : i32
      %scan3A_207 = arith.addi %scan3A_205, %scan3A_206 : i32
      %scan3A_208 = arith.constant 1 : i32
      scf.for %scan3A_305 = %scan3A_205 to %scan3A_207 step %scan3A_208  : i32 {
        %mul3A_306 = arith.constant 1 : i32
        %mul3A_307 = arith.muli %scan3A_305, %mul3A_306 : i32
        %add3A_308 = arith.constant 0 : i32
        %add3A_309 = arith.addi %add3A_308, %mul3A_307 : i32
        %add3A_310 = arith.constant 96 : i32
        %add3A_311 = arith.addi %add3A_310, %add3A_309 : i32
        %get3A = arith.index_cast %add3A_311 : i32 to index
        %get3A_312 = arith.constant 0 : index
        %get3A_313 = tpu.vector_load %arg7[%get3A, %get3A_312] {strides = array<i32>} : memref<416x128xf32, #tpu.memory_space<vmem>>, vector<16xf32>,
        %swap3A = arith.index_cast %add3A_309 : i32 to index
        %swap3A_314 = arith.constant 109 : index
        %swap3A_315 = tpu.vector_load %arg8[%swap3A, %swap3A_314] {strides = array<i32>} : memref<16x512xf32, #tpu.memory_space<vmem>>, vector<16xf32>,
        tpu.vector_store %arg8[%swap3A, %swap3A_314], %get3A_313 {strides = array<i32>} : memref<16x512xf32, #tpu.memory_space<vmem>>, vector<16xf32>,
      }
      %scan3A_209 = arith.constant 16 : i32
      %scan3A_210 = arith.constant 0 : i32
      %scan3A_211 = arith.constant 16 : i32
      %scan3A_212 = arith.addi %scan3A_210, %scan3A_211 : i32
      %scan3A_213 = arith.constant 1 : i32
      scf.for %scan3A_305 = %scan3A_210 to %scan3A_212 step %scan3A_213  : i32 {
        %mul3A_306 = arith.constant 1 : i32
        %mul3A_307 = arith.muli %scan3A_305, %mul3A_306 : i32
        %add3A_308 = arith.constant 0 : i32
        %add3A_309 = arith.addi %add3A_308, %mul3A_307 : i32
        %add3A_310 = arith.constant 112 : i32
        %add3A_311 = arith.addi %add3A_310, %add3A_309 : i32
        %get3A = arith.index_cast %add3A_311 : i32 to index
        %get3A_312 = arith.constant 0 : index
        %get3A_313 = tpu.vector_load %arg7[%get3A, %get3A_312] {strides = array<i32>} : memref<416x128xf32, #tpu.memory_space<vmem>>, vector<16xf32>,
        %swap3A = arith.index_cast %add3A_309 : i32 to index
        %swap3A_314 = arith.constant 125 : index
        %swap3A_315 = tpu.vector_load %arg8[%swap3A, %swap3A_314] {strides = array<i32>} : memref<16x512xf32, #tpu.memory_space<vmem>>, vector<16xf32>,
        tpu.vector_store %arg8[%swap3A, %swap3A_314], %get3A_313 {strides = array<i32>} : memref<16x512xf32, #tpu.memory_space<vmem>>, vector<16xf32>,
      }
      %scan3A_214 = arith.constant 16 : i32
      %scan3A_215 = arith.constant 0 : i32
      %scan3A_216 = arith.constant 16 : i32
      %scan3A_217 = arith.addi %scan3A_215, %scan3A_216 : i32
      %scan3A_218 = arith.constant 1 : i32
      scf.for %scan3A_305 = %scan3A_215 to %scan3A_217 step %scan3A_218  : i32 {
        %mul3A_306 = arith.constant 1 : i32
        %mul3A_307 = arith.muli %scan3A_305, %mul3A_306 : i32
        %add3A_308 = arith.constant 0 : i32
        %add3A_309 = arith.addi %add3A_308, %mul3A_307 : i32
        %add3A_310 = arith.constant 128 : i32
        %add3A_311 = arith.addi %add3A_310, %add3A_309 : i32
        %get3A = arith.index_cast %add3A_311 : i32 to index
        %get3A_312 = arith.constant 0 : index
        %get3A_313 = tpu.vector_load %arg7[%get3A, %get3A_312] {strides = array<i32>} : memref<416x128xf32, #tpu.memory_space<vmem>>, vector<16xf32>,
        %swap3A = arith.index_cast %add3A_309 : i32 to index
        %swap3A_314 = arith.constant 141 : index
        %swap3A_315 = tpu.vector_load %arg8[%swap3A, %swap3A_314] {strides = array<i32>} : memref<16x512xf32, #tpu.memory_space<vmem>>, vector<16xf32>,
        tpu.vector_store %arg8[%swap3A, %swap3A_314], %get3A_313 {strides = array<i32>} : memref<16x512xf32, #tpu.memory_space<vmem>>, vector<16xf32>,
      }
      %scan3A_219 = arith.constant 16 : i32
      %scan3A_220 = arith.constant 0 : i32
      %scan3A_221 = arith.constant 16 : i32
      %scan3A_222 = arith.addi %scan3A_220, %scan3A_221 : i32
      %scan3A_223 = arith.constant 1 : i32
      scf.for %scan3A_305 = %scan3A_220 to %scan3A_222 step %scan3A_223  : i32 {
        %mul3A_306 = arith.constant 1 : i32
        %mul3A_307 = arith.muli %scan3A_305, %mul3A_306 : i32
        %add3A_308 = arith.constant 0 : i32
        %add3A_309 = arith.addi %add3A_308, %mul3A_307 : i32
        %add3A_310 = arith.constant 144 : i32
        %add3A_311 = arith.addi %add3A_310, %add3A_309 : i32
        %get3A = arith.index_cast %add3A_311 : i32 to index
        %get3A_312 = arith.constant 0 : index
        %get3A_313 = tpu.vector_load %arg7[%get3A, %get3A_312] {strides = array<i32>} : memref<416x128xf32, #tpu.memory_space<vmem>>, vector<16xf32>,
        %swap3A = arith.index_cast %add3A_309 : i32 to index
        %swap3A_314 = arith.constant 157 : index
        %swap3A_315 = tpu.vector_load %arg8[%swap3A, %swap3A_314] {strides = array<i32>} : memref<16x512xf32, #tpu.memory_space<vmem>>, vector<16xf32>,
        tpu.vector_store %arg8[%swap3A, %swap3A_314], %get3A_313 {strides = array<i32>} : memref<16x512xf32, #tpu.memory_space<vmem>>, vector<16xf32>,
      }
      %scan3A_224 = arith.constant 16 : i32
      %scan3A_225 = arith.constant 0 : i32
      %scan3A_226 = arith.constant 16 : i32
      %scan3A_227 = arith.addi %scan3A_225, %scan3A_226 : i32
      %scan3A_228 = arith.constant 1 : i32
      scf.for %scan3A_305 = %scan3A_225 to %scan3A_227 step %scan3A_228  : i32 {
        %mul3A_306 = arith.constant 1 : i32
        %mul3A_307 = arith.muli %scan3A_305, %mul3A_306 : i32
        %add3A_308 = arith.constant 0 : i32
        %add3A_309 = arith.addi %add3A_308, %mul3A_307 : i32
        %add3A_310 = arith.constant 160 : i32
        %add3A_311 = arith.addi %add3A_310, %add3A_309 : i32
        %get3A = arith.index_cast %add3A_311 : i32 to index
        %get3A_312 = arith.constant 0 : index
        %get3A_313 = tpu.vector_load %arg7[%get3A, %get3A_312] {strides = array<i32>} : memref<416x128xf32, #tpu.memory_space<vmem>>, vector<16xf32>,
        %swap3A = arith.index_cast %add3A_309 : i32 to index
        %swap3A_314 = arith.constant 173 : index
        %swap3A_315 = tpu.vector_load %arg8[%swap3A, %swap3A_314] {strides = array<i32>} : memref<16x512xf32, #tpu.memory_space<vmem>>, vector<16xf32>,
        tpu.vector_store %arg8[%swap3A, %swap3A_314], %get3A_313 {strides = array<i32>} : memref<16x512xf32, #tpu.memory_space<vmem>>, vector<16xf32>,
      }
      %scan3A_229 = arith.constant 16 : i32
      %scan3A_230 = arith.constant 0 : i32
      %scan3A_231 = arith.constant 16 : i32
      %scan3A_232 = arith.addi %scan3A_230, %scan3A_231 : i32
      %scan3A_233 = arith.constant 1 : i32
      scf.for %scan3A_305 = %scan3A_230 to %scan3A_232 step %scan3A_233  : i32 {
        %mul3A_306 = arith.constant 1 : i32
        %mul3A_307 = arith.muli %scan3A_305, %mul3A_306 : i32
        %add3A_308 = arith.constant 0 : i32
        %add3A_309 = arith.addi %add3A_308, %mul3A_307 : i32
        %add3A_310 = arith.constant 176 : i32
        %add3A_311 = arith.addi %add3A_310, %add3A_309 : i32
        %get3A = arith.index_cast %add3A_311 : i32 to index
        %get3A_312 = arith.constant 0 : index
        %get3A_313 = tpu.vector_load %arg7[%get3A, %get3A_312] {strides = array<i32>} : memref<416x128xf32, #tpu.memory_space<vmem>>, vector<16xf32>,
        %swap3A = arith.index_cast %add3A_309 : i32 to index
        %swap3A_314 = arith.constant 189 : index
        %swap3A_315 = tpu.vector_load %arg8[%swap3A, %swap3A_314] {strides = array<i32>} : memref<16x512xf32, #tpu.memory_space<vmem>>, vector<16xf32>,
        tpu.vector_store %arg8[%swap3A, %swap3A_314], %get3A_313 {strides = array<i32>} : memref<16x512xf32, #tpu.memory_space<vmem>>, vector<16xf32>,
      }
      %scan3A_234 = arith.constant 16 : i32
      %scan3A_235 = arith.constant 0 : i32
      %scan3A_236 = arith.constant 16 : i32
      %scan3A_237 = arith.addi %scan3A_235, %scan3A_236 : i32
      %scan3A_238 = arith.constant 1 : i32
      scf.for %scan3A_305 = %scan3A_235 to %scan3A_237 step %scan3A_238  : i32 {
        %mul3A_306 = arith.constant 1 : i32
        %mul3A_307 = arith.muli %scan3A_305, %mul3A_306 : i32
        %add3A_308 = arith.constant 0 : i32
        %add3A_309 = arith.addi %add3A_308, %mul3A_307 : i32
        %add3A_310 = arith.constant 192 : i32
        %add3A_311 = arith.addi %add3A_310, %add3A_309 : i32
        %get3A = arith.index_cast %add3A_311 : i32 to index
        %get3A_312 = arith.constant 0 : index
        %get3A_313 = tpu.vector_load %arg7[%get3A, %get3A_312] {strides = array<i32>} : memref<416x128xf32, #tpu.memory_space<vmem>>, vector<16xf32>,
        %swap3A = arith.index_cast %add3A_309 : i32 to index
        %swap3A_314 = arith.constant 205 : index
        %swap3A_315 = tpu.vector_load %arg8[%swap3A, %swap3A_314] {strides = array<i32>} : memref<16x512xf32, #tpu.memory_space<vmem>>, vector<16xf32>,
        tpu.vector_store %arg8[%swap3A, %swap3A_314], %get3A_313 {strides = array<i32>} : memref<16x512xf32, #tpu.memory_space<vmem>>, vector<16xf32>,
      }
      %scan3A_239 = arith.constant 16 : i32
      %scan3A_240 = arith.constant 0 : i32
      %scan3A_241 = arith.constant 16 : i32
      %scan3A_242 = arith.addi %scan3A_240, %scan3A_241 : i32
      %scan3A_243 = arith.constant 1 : i32
      scf.for %scan3A_305 = %scan3A_240 to %scan3A_242 step %scan3A_243  : i32 {
        %mul3A_306 = arith.constant 1 : i32
        %mul3A_307 = arith.muli %scan3A_305, %mul3A_306 : i32
        %add3A_308 = arith.constant 0 : i32
        %add3A_309 = arith.addi %add3A_308, %mul3A_307 : i32
        %add3A_310 = arith.constant 208 : i32
        %add3A_311 = arith.addi %add3A_310, %add3A_309 : i32
        %get3A = arith.index_cast %add3A_311 : i32 to index
        %get3A_312 = arith.constant 0 : index
        %get3A_313 = tpu.vector_load %arg7[%get3A, %get3A_312] {strides = array<i32>} : memref<416x128xf32, #tpu.memory_space<vmem>>, vector<16xf32>,
        %swap3A = arith.index_cast %add3A_309 : i32 to index
        %swap3A_314 = arith.constant 221 : index
        %swap3A_315 = tpu.vector_load %arg8[%swap3A, %swap3A_314] {strides = array<i32>} : memref<16x512xf32, #tpu.memory_space<vmem>>, vector<16xf32>,
        tpu.vector_store %arg8[%swap3A, %swap3A_314], %get3A_313 {strides = array<i32>} : memref<16x512xf32, #tpu.memory_space<vmem>>, vector<16xf32>,
      }
      %scan3A_244 = arith.constant 16 : i32
      %scan3A_245 = arith.constant 0 : i32
      %scan3A_246 = arith.constant 16 : i32
      %scan3A_247 = arith.addi %scan3A_245, %scan3A_246 : i32
      %scan3A_248 = arith.constant 1 : i32
      scf.for %scan3A_305 = %scan3A_245 to %scan3A_247 step %scan3A_248  : i32 {
        %mul3A_306 = arith.constant 1 : i32
        %mul3A_307 = arith.muli %scan3A_305, %mul3A_306 : i32
        %add3A_308 = arith.constant 0 : i32
        %add3A_309 = arith.addi %add3A_308, %mul3A_307 : i32
        %add3A_310 = arith.constant 224 : i32
        %add3A_311 = arith.addi %add3A_310, %add3A_309 : i32
        %get3A = arith.index_cast %add3A_311 : i32 to index
        %get3A_312 = arith.constant 0 : index
        %get3A_313 = tpu.vector_load %arg7[%get3A, %get3A_312] {strides = array<i32>} : memref<416x128xf32, #tpu.memory_space<vmem>>, vector<16xf32>,
        %swap3A = arith.index_cast %add3A_309 : i32 to index
        %swap3A_314 = arith.constant 237 : index
        %swap3A_315 = tpu.vector_load %arg8[%swap3A, %swap3A_314] {strides = array<i32>} : memref<16x512xf32, #tpu.memory_space<vmem>>, vector<16xf32>,
        tpu.vector_store %arg8[%swap3A, %swap3A_314], %get3A_313 {strides = array<i32>} : memref<16x512xf32, #tpu.memory_space<vmem>>, vector<16xf32>,
      }
      %scan3A_249 = arith.constant 16 : i32
      %scan3A_250 = arith.constant 0 : i32
      %scan3A_251 = arith.constant 16 : i32
      %scan3A_252 = arith.addi %scan3A_250, %scan3A_251 : i32
      %scan3A_253 = arith.constant 1 : i32
      scf.for %scan3A_305 = %scan3A_250 to %scan3A_252 step %scan3A_253  : i32 {
        %mul3A_306 = arith.constant 1 : i32
        %mul3A_307 = arith.muli %scan3A_305, %mul3A_306 : i32
        %add3A_308 = arith.constant 0 : i32
        %add3A_309 = arith.addi %add3A_308, %mul3A_307 : i32
        %add3A_310 = arith.constant 240 : i32
        %add3A_311 = arith.addi %add3A_310, %add3A_309 : i32
        %get3A = arith.index_cast %add3A_311 : i32 to index
        %get3A_312 = arith.constant 0 : index
        %get3A_313 = tpu.vector_load %arg7[%get3A, %get3A_312] {strides = array<i32>} : memref<416x128xf32, #tpu.memory_space<vmem>>, vector<16xf32>,
        %swap3A = arith.index_cast %add3A_309 : i32 to index
        %swap3A_314 = arith.constant 253 : index
        %swap3A_315 = tpu.vector_load %arg8[%swap3A, %swap3A_314] {strides = array<i32>} : memref<16x512xf32, #tpu.memory_space<vmem>>, vector<16xf32>,
        tpu.vector_store %arg8[%swap3A, %swap3A_314], %get3A_313 {strides = array<i32>} : memref<16x512xf32, #tpu.memory_space<vmem>>, vector<16xf32>,
      }
      %scan3A_254 = arith.constant 16 : i32
      %scan3A_255 = arith.constant 0 : i32
      %scan3A_256 = arith.constant 16 : i32
      %scan3A_257 = arith.addi %scan3A_255, %scan3A_256 : i32
      %scan3A_258 = arith.constant 1 : i32
      scf.for %scan3A_305 = %scan3A_255 to %scan3A_257 step %scan3A_258  : i32 {
        %mul3A_306 = arith.constant 1 : i32
        %mul3A_307 = arith.muli %scan3A_305, %mul3A_306 : i32
        %add3A_308 = arith.constant 0 : i32
        %add3A_309 = arith.addi %add3A_308, %mul3A_307 : i32
        %add3A_310 = arith.constant 256 : i32
        %add3A_311 = arith.addi %add3A_310, %add3A_309 : i32
        %get3A = arith.index_cast %add3A_311 : i32 to index
        %get3A_312 = arith.constant 0 : index
        %get3A_313 = tpu.vector_load %arg7[%get3A, %get3A_312] {strides = array<i32>} : memref<416x128xf32, #tpu.memory_space<vmem>>, vector<16xf32>,
        %swap3A = arith.index_cast %add3A_309 : i32 to index
        %swap3A_314 = arith.constant 269 : index
        %swap3A_315 = tpu.vector_load %arg8[%swap3A, %swap3A_314] {strides = array<i32>} : memref<16x512xf32, #tpu.memory_space<vmem>>, vector<16xf32>,
        tpu.vector_store %arg8[%swap3A, %swap3A_314], %get3A_313 {strides = array<i32>} : memref<16x512xf32, #tpu.memory_space<vmem>>, vector<16xf32>,
      }
      %scan3A_259 = arith.constant 16 : i32
      %scan3A_260 = arith.constant 0 : i32
      %scan3A_261 = arith.constant 16 : i32
      %scan3A_262 = arith.addi %scan3A_260, %scan3A_261 : i32
      %scan3A_263 = arith.constant 1 : i32
      scf.for %scan3A_305 = %scan3A_260 to %scan3A_262 step %scan3A_263  : i32 {
        %mul3A_306 = arith.constant 1 : i32
        %mul3A_307 = arith.muli %scan3A_305, %mul3A_306 : i32
        %add3A_308 = arith.constant 0 : i32
        %add3A_309 = arith.addi %add3A_308, %mul3A_307 : i32
        %add3A_310 = arith.constant 272 : i32
        %add3A_311 = arith.addi %add3A_310, %add3A_309 : i32
        %get3A = arith.index_cast %add3A_311 : i32 to index
        %get3A_312 = arith.constant 0 : index
        %get3A_313 = tpu.vector_load %arg7[%get3A, %get3A_312] {strides = array<i32>} : memref<416x128xf32, #tpu.memory_space<vmem>>, vector<16xf32>,
        %swap3A = arith.index_cast %add3A_309 : i32 to index
        %swap3A_314 = arith.constant 285 : index
        %swap3A_315 = tpu.vector_load %arg8[%swap3A, %swap3A_314] {strides = array<i32>} : memref<16x512xf32, #tpu.memory_space<vmem>>, vector<16xf32>,
        tpu.vector_store %arg8[%swap3A, %swap3A_314], %get3A_313 {strides = array<i32>} : memref<16x512xf32, #tpu.memory_space<vmem>>, vector<16xf32>,
      }
      %scan3A_264 = arith.constant 16 : i32
      %scan3A_265 = arith.constant 0 : i32
      %scan3A_266 = arith.constant 16 : i32
      %scan3A_267 = arith.addi %scan3A_265, %scan3A_266 : i32
      %scan3A_268 = arith.constant 1 : i32
      scf.for %scan3A_305 = %scan3A_265 to %scan3A_267 step %scan3A_268  : i32 {
        %mul3A_306 = arith.constant 1 : i32
        %mul3A_307 = arith.muli %scan3A_305, %mul3A_306 : i32
        %add3A_308 = arith.constant 0 : i32
        %add3A_309 = arith.addi %add3A_308, %mul3A_307 : i32
        %add3A_310 = arith.constant 288 : i32
        %add3A_311 = arith.addi %add3A_310, %add3A_309 : i32
        %get3A = arith.index_cast %add3A_311 : i32 to index
        %get3A_312 = arith.constant 0 : index
        %get3A_313 = tpu.vector_load %arg7[%get3A, %get3A_312] {strides = array<i32>} : memref<416x128xf32, #tpu.memory_space<vmem>>, vector<16xf32>,
        %swap3A = arith.index_cast %add3A_309 : i32 to index
        %swap3A_314 = arith.constant 301 : index
        %swap3A_315 = tpu.vector_load %arg8[%swap3A, %swap3A_314] {strides = array<i32>} : memref<16x512xf32, #tpu.memory_space<vmem>>, vector<16xf32>,
        tpu.vector_store %arg8[%swap3A, %swap3A_314], %get3A_313 {strides = array<i32>} : memref<16x512xf32, #tpu.memory_space<vmem>>, vector<16xf32>,
      }
      %scan3A_269 = arith.constant 16 : i32
      %scan3A_270 = arith.constant 0 : i32
      %scan3A_271 = arith.constant 16 : i32
      %scan3A_272 = arith.addi %scan3A_270, %scan3A_271 : i32
      %scan3A_273 = arith.constant 1 : i32
      scf.for %scan3A_305 = %scan3A_270 to %scan3A_272 step %scan3A_273  : i32 {
        %mul3A_306 = arith.constant 1 : i32
        %mul3A_307 = arith.muli %scan3A_305, %mul3A_306 : i32
        %add3A_308 = arith.constant 0 : i32
        %add3A_309 = arith.addi %add3A_308, %mul3A_307 : i32
        %add3A_310 = arith.constant 304 : i32
        %add3A_311 = arith.addi %add3A_310, %add3A_309 : i32
        %get3A = arith.index_cast %add3A_311 : i32 to index
        %get3A_312 = arith.constant 0 : index
        %get3A_313 = tpu.vector_load %arg7[%get3A, %get3A_312] {strides = array<i32>} : memref<416x128xf32, #tpu.memory_space<vmem>>, vector<16xf32>,
        %swap3A = arith.index_cast %add3A_309 : i32 to index
        %swap3A_314 = arith.constant 317 : index
        %swap3A_315 = tpu.vector_load %arg8[%swap3A, %swap3A_314] {strides = array<i32>} : memref<16x512xf32, #tpu.memory_space<vmem>>, vector<16xf32>,
        tpu.vector_store %arg8[%swap3A, %swap3A_314], %get3A_313 {strides = array<i32>} : memref<16x512xf32, #tpu.memory_space<vmem>>, vector<16xf32>,
      }
      %scan3A_274 = arith.constant 16 : i32
      %scan3A_275 = arith.constant 0 : i32
      %scan3A_276 = arith.constant 16 : i32
      %scan3A_277 = arith.addi %scan3A_275, %scan3A_276 : i32
      %scan3A_278 = arith.constant 1 : i32
      scf.for %scan3A_305 = %scan3A_275 to %scan3A_277 step %scan3A_278  : i32 {
        %mul3A_306 = arith.constant 1 : i32
        %mul3A_307 = arith.muli %scan3A_305, %mul3A_306 : i32
        %add3A_308 = arith.constant 0 : i32
        %add3A_309 = arith.addi %add3A_308, %mul3A_307 : i32
        %add3A_310 = arith.constant 320 : i32
        %add3A_311 = arith.addi %add3A_310, %add3A_309 : i32
        %get3A = arith.index_cast %add3A_311 : i32 to index
        %get3A_312 = arith.constant 0 : index
        %get3A_313 = tpu.vector_load %arg7[%get3A, %get3A_312] {strides = array<i32>} : memref<416x128xf32, #tpu.memory_space<vmem>>, vector<16xf32>,
        %swap3A = arith.index_cast %add3A_309 : i32 to index
        %swap3A_314 = arith.constant 333 : index
        %swap3A_315 = tpu.vector_load %arg8[%swap3A, %swap3A_314] {strides = array<i32>} : memref<16x512xf32, #tpu.memory_space<vmem>>, vector<16xf32>,
        tpu.vector_store %arg8[%swap3A, %swap3A_314], %get3A_313 {strides = array<i32>} : memref<16x512xf32, #tpu.memory_space<vmem>>, vector<16xf32>,
      }
      %scan3A_279 = arith.constant 16 : i32
      %scan3A_280 = arith.constant 0 : i32
      %scan3A_281 = arith.constant 16 : i32
      %scan3A_282 = arith.addi %scan3A_280, %scan3A_281 : i32
      %scan3A_283 = arith.constant 1 : i32
      scf.for %scan3A_305 = %scan3A_280 to %scan3A_282 step %scan3A_283  : i32 {
        %mul3A_306 = arith.constant 1 : i32
        %mul3A_307 = arith.muli %scan3A_305, %mul3A_306 : i32
        %add3A_308 = arith.constant 0 : i32
        %add3A_309 = arith.addi %add3A_308, %mul3A_307 : i32
        %add3A_310 = arith.constant 336 : i32
        %add3A_311 = arith.addi %add3A_310, %add3A_309 : i32
        %get3A = arith.index_cast %add3A_311 : i32 to index
        %get3A_312 = arith.constant 0 : index
        %get3A_313 = tpu.vector_load %arg7[%get3A, %get3A_312] {strides = array<i32>} : memref<416x128xf32, #tpu.memory_space<vmem>>, vector<16xf32>,
        %swap3A = arith.index_cast %add3A_309 : i32 to index
        %swap3A_314 = arith.constant 349 : index
        %swap3A_315 = tpu.vector_load %arg8[%swap3A, %swap3A_314] {strides = array<i32>} : memref<16x512xf32, #tpu.memory_space<vmem>>, vector<16xf32>,
        tpu.vector_store %arg8[%swap3A, %swap3A_314], %get3A_313 {strides = array<i32>} : memref<16x512xf32, #tpu.memory_space<vmem>>, vector<16xf32>,
      }
      %scan3A_284 = arith.constant 16 : i32
      %scan3A_285 = arith.constant 0 : i32
      %scan3A_286 = arith.constant 16 : i32
      %scan3A_287 = arith.addi %scan3A_285, %scan3A_286 : i32
      %scan3A_288 = arith.constant 1 : i32
      scf.for %scan3A_305 = %scan3A_285 to %scan3A_287 step %scan3A_288  : i32 {
        %mul3A_306 = arith.constant 1 : i32
        %mul3A_307 = arith.muli %scan3A_305, %mul3A_306 : i32
        %add3A_308 = arith.constant 0 : i32
        %add3A_309 = arith.addi %add3A_308, %mul3A_307 : i32
        %add3A_310 = arith.constant 352 : i32
        %add3A_311 = arith.addi %add3A_310, %add3A_309 : i32
        %get3A = arith.index_cast %add3A_311 : i32 to index
        %get3A_312 = arith.constant 0 : index
        %get3A_313 = tpu.vector_load %arg7[%get3A, %get3A_312] {strides = array<i32>} : memref<416x128xf32, #tpu.memory_space<vmem>>, vector<16xf32>,
        %swap3A = arith.index_cast %add3A_309 : i32 to index
        %swap3A_314 = arith.constant 365 : index
        %swap3A_315 = tpu.vector_load %arg8[%swap3A, %swap3A_314] {strides = array<i32>} : memref<16x512xf32, #tpu.memory_space<vmem>>, vector<16xf32>,
        tpu.vector_store %arg8[%swap3A, %swap3A_314], %get3A_313 {strides = array<i32>} : memref<16x512xf32, #tpu.memory_space<vmem>>, vector<16xf32>,
      }
      %scan3A_289 = arith.constant 16 : i32
      %scan3A_290 = arith.constant 0 : i32
      %scan3A_291 = arith.constant 16 : i32
      %scan3A_292 = arith.addi %scan3A_290, %scan3A_291 : i32
      %scan3A_293 = arith.constant 1 : i32
      scf.for %scan3A_305 = %scan3A_290 to %scan3A_292 step %scan3A_293  : i32 {
        %mul3A_306 = arith.constant 1 : i32
        %mul3A_307 = arith.muli %scan3A_305, %mul3A_306 : i32
        %add3A_308 = arith.constant 0 : i32
        %add3A_309 = arith.addi %add3A_308, %mul3A_307 : i32
        %add3A_310 = arith.constant 368 : i32
        %add3A_311 = arith.addi %add3A_310, %add3A_309 : i32
        %get3A = arith.index_cast %add3A_311 : i32 to index
        %get3A_312 = arith.constant 0 : index
        %get3A_313 = tpu.vector_load %arg7[%get3A, %get3A_312] {strides = array<i32>} : memref<416x128xf32, #tpu.memory_space<vmem>>, vector<16xf32>,
        %swap3A = arith.index_cast %add3A_309 : i32 to index
        %swap3A_314 = arith.constant 381 : index
        %swap3A_315 = tpu.vector_load %arg8[%swap3A, %swap3A_314] {strides = array<i32>} : memref<16x512xf32, #tpu.memory_space<vmem>>, vector<16xf32>,
        tpu.vector_store %arg8[%swap3A, %swap3A_314], %get3A_313 {strides = array<i32>} : memref<16x512xf32, #tpu.memory_space<vmem>>, vector<16xf32>,
      }
      %scan3A_294 = arith.constant 16 : i32
      %scan3A_295 = arith.constant 0 : i32
      %scan3A_296 = arith.constant 16 : i32
      %scan3A_297 = arith.addi %scan3A_295, %scan3A_296 : i32
      %scan3A_298 = arith.constant 1 : i32
      scf.for %scan3A_305 = %scan3A_295 to %scan3A_297 step %scan3A_298  : i32 {
        %mul3A_306 = arith.constant 1 : i32
        %mul3A_307 = arith.muli %scan3A_305, %mul3A_306 : i32
        %add3A_308 = arith.constant 0 : i32
        %add3A_309 = arith.addi %add3A_308, %mul3A_307 : i32
        %add3A_310 = arith.constant 384 : i32
        %add3A_311 = arith.addi %add3A_310, %add3A_309 : i32
        %get3A = arith.index_cast %add3A_311 : i32 to index
        %get3A_312 = arith.constant 0 : index
        %get3A_313 = tpu.vector_load %arg7[%get3A, %get3A_312] {strides = array<i32>} : memref<416x128xf32, #tpu.memory_space<vmem>>, vector<16xf32>,
        %swap3A = arith.index_cast %add3A_309 : i32 to index
        %swap3A_314 = arith.constant 397 : index
        %swap3A_315 = tpu.vector_load %arg8[%swap3A, %swap3A_314] {strides = array<i32>} : memref<16x512xf32, #tpu.memory_space<vmem>>, vector<16xf32>,
        tpu.vector_store %arg8[%swap3A, %swap3A_314], %get3A_313 {strides = array<i32>} : memref<16x512xf32, #tpu.memory_space<vmem>>, vector<16xf32>,
      }
      %scan3A_299 = arith.constant 16 : i32
      %scan3A_300 = arith.constant 0 : i32
      %scan3A_301 = arith.constant 16 : i32
      %scan3A_302 = arith.addi %scan3A_300, %scan3A_301 : i32
      %scan3A_303 = arith.constant 1 : i32
      scf.for %scan3A_305 = %scan3A_300 to %scan3A_302 step %scan3A_303  : i32 {
        %mul3A_306 = arith.constant 1 : i32
        %mul3A_307 = arith.muli %scan3A_305, %mul3A_306 : i32
        %add3A_308 = arith.constant 0 : i32
        %add3A_309 = arith.addi %add3A_308, %mul3A_307 : i32
        %add3A_310 = arith.constant 400 : i32
        %add3A_311 = arith.addi %add3A_310, %add3A_309 : i32
        %get3A = arith.index_cast %add3A_311 : i32 to index
        %get3A_312 = arith.constant 0 : index
        %get3A_313 = tpu.vector_load %arg7[%get3A, %get3A_312] {strides = array<i32>} : memref<416x128xf32, #tpu.memory_space<vmem>>, vector<16xf32>,
        %swap3A = arith.index_cast %add3A_309 : i32 to index
        %swap3A_314 = arith.constant 413 : index
        %swap3A_315 = tpu.vector_load %arg8[%swap3A, %swap3A_314] {strides = array<i32>} : memref<16x512xf32, #tpu.memory_space<vmem>>, vector<16xf32>,
        tpu.vector_store %arg8[%swap3A, %swap3A_314], %get3A_313 {strides = array<i32>} : memref<16x512xf32, #tpu.memory_space<vmem>>, vector<16xf32>,
      }
      %scan3A_304 = arith.constant 16 : i32
      "tpu.region"() ({
        %run_scoped3A = tpu.sem_alloc : memref<!tpu.dma_semaphore, #tpu.memory_space<semaphore_mem>>
        %dma_start3A = arith.constant 0 : i32
        %dma_start3A_305 = tpu.memref_slice %arg4[%add3A_159, %dma_start3A] : memref<16384x512xf32, #tpu.memory_space<hbm>> -> memref<16x512xf32, #tpu.memory_space<hbm>>
        %dma_start3A_306 = arith.constant 0 : i32
        %dma_start3A_307 = tpu.memref_slice %arg4[%add3A_159, %dma_start3A_306] : memref<16384x512xf32, #tpu.memory_space<hbm>> -> memref<16x512xf32, #tpu.memory_space<hbm>>
        tpu.enqueue_dma source(%arg8 : memref<16x512xf32, #tpu.memory_space<vmem>>) target(%dma_start3A_307 : memref<16x512xf32, #tpu.memory_space<hbm>>) target_semaphore(%run_scoped3A : memref<!tpu.dma_semaphore, #tpu.memory_space<semaphore_mem>>)
        %dma_wait3A = arith.constant 0 : i32
        %dma_wait3A_308 = tpu.memref_slice %arg4[%add3A_159, %dma_wait3A] : memref<16384x512xf32, #tpu.memory_space<hbm>> -> memref<16x512xf32, #tpu.memory_space<hbm>>
        %dma_wait3A_309 = arith.constant 0 : i32
        %dma_wait3A_310 = tpu.memref_slice %arg4[%add3A_159, %dma_wait3A_309] : memref<16384x512xf32, #tpu.memory_space<hbm>> -> memref<16x512xf32, #tpu.memory_space<hbm>>
        tpu.wait_dma2 semaphore(%run_scoped3A : memref<!tpu.dma_semaphore, #tpu.memory_space<semaphore_mem>>) src(%arg8 : memref<16x512xf32, #tpu.memory_space<vmem>>) dst(%dma_wait3A_310 : memref<16x512xf32, #tpu.memory_space<hbm>>)
        tpu.yield
      }) : () -> ()
    }
    %scan3A_151 = arith.constant 32 : i32
    return
  }
}

</mosaic_0001>

<sc_bundles>
// kernel: _run.3.cloned.1.call-start
scs
__scs_entry_jumppad:
0x0: {  	(pc) =	sbr.rel $0x88, $3  }
0x1: {  	(tag) =	ssettag $0x0;
	lr =	simm.s32 $0x1  }
0x2: {  	[smem:$0x3F9F] =	sst lr;
	_ =	strace $0xD0000000  }
0x3: {  	_ = 	snop  }
0x4: {  	_ = 	snop  }
0x5: {  	_ = 	snop  }
0x6: {  	_ = 	snop  }
0x7: {  	_ = 	snop  }
__scs_overlays_trampoline_lowered:
0x8: {  	[smem:$0x3FAE] =	sst s0  }
0x9: {  	[smem:$0x3FAF] =	sst s1  }
0xa: {  	[smem:$0x3FB0] =	sst s2  }
0xb: {  	[smem:$0x3FB1] =	sst s3  }
0xc: {  	[smem:$0x3FB2] =	sst s4  }
0xd: {  	[smem:$0x3FB3] =	sst s5  }
0xe: {  	[smem:$0x3FB4] =	sst s6  }
0xf: {  	[smem:$0x3FB5] =	sst s7  }
0x10: {  	[smem:$0x3FB6] =	sst s8  }
0x11: {  	[smem:$0x3FB7] =	sst s9;
	s0 =	simm.s32 @!p0 $0x0  }
0x12: {  	s1 =	sld [smem:$0x3F9D];
	s0 =	simm.s32 @p0 $0x1  }
0x13: {  	[smem:$0x3FB8] =	sst s0;
	s0 =	simm.s32 @!p1 $0x0  }
0x14: {  	s2 =	sld [smem:$0x3F9C];
	s0 =	simm.s32 @p1 $0x1  }
0x15: {  	[smem:$0x3FB9] =	sst s0;
	s0 =	simm.s32 @!p2 $0x0  }
0x16: {  	s3 =	sld [smem:$0x3FDB];
	s0 =	simm.s32 @p2 $0x1  }
0x17: {  	s4 =	simm.s32 $0x1BF5;
	[smem:$0x3FBB] =	sst s0  }
0x18: {  	s0 =	sld [smem:$0x3F9E];
	_ =	swait.ge [sflag:s4], $0x0  }
0x19: {  	s7 =	sld [smem:$0x3F9F]  }
0x1a: {  	s8 =	sadd.s32 $0xFFFFE003, lr  }
0x1b: {  	s9 =	sadd.s32 $0xFFFFFEF7, lr;
	s5 =	simm.s32 $0xFFFFFFFF;
	p2 =	slt.u32 s8, $0xFFFFF086  }
0x1c: {  	p1 =	slt.u32 s9, $0xF7A;
	s5 =	simm.s32 @!p2 $0x0  }
0x1d: {  	s5 =	simm.s32 @p1 $0x1;
	p0 =	seq.s32 s7, s2  }
0x1e: {  	s7 =	smul.u32 @!p0 $0xF7A, s2;
	p2 =	seq.s32 @!p0 s5, $0x0  }
0x1f: {  	s9 =	smul.u32 $0xF7A, s1;
	s8 =	simm.s32 @!p0 $0x1BF5;
	p2 =	por !p2, p0  }
0x20: {  	[sflag:s8] =	ssyncset.s32 @!p0 $0xFFFFF086;
	s6 =	sadd.s32 @!p0 s3, s7;
	s7 =	simm.s32 @!p0 $0x108  }
0x21: {  	s3 =	sadd.s32 s3, s9;
	s6 =	sadd.s32 @!p0 $0x88, s6;
	s7 =	simm.s32 @p2 $0x1082  }
0x22: {  	[simem:s7], [sflag:s8] =	dma.local @!p0 [hbm:s6], $0xF7A  }
0x23: {  	s9 =	sor.u32 $0xD0000000, s2;
	s6 =	simm.s32 $0x108;
	_ =	swait.ge @!p0 [sflag:s8], $0x0  }
0x24: {  	s3 =	sadd.s32 $0x88, s3;
	s6 =	simm.s32 @!p1 $0x1082;
	[sflag:s4] =	ssyncset.s32 $0xFFFFF086  }
0x25: {  	[simem:s6], [sflag:s4] =	dma.local [hbm:s3], $0xF7A  }
0x26: {  	[smem:$0x3F9F] =	sst s1;
	(tag) =	ssettag s2;
	_ =	strace s9  }
0x27: {  	s1 =	sld [smem:$0x3FAF]  }
0x28: {  	s2 =	sld [smem:$0x3FB0]  }
0x29: {  	s4 =	sld [smem:$0x3FB2]  }
0x2a: {  	p0 =	seq.s32 s5, $0x0;
	s5 =	sld [smem:$0x3FB3]  }
0x2b: {  	s6 =	sld [smem:$0x3FB4]  }
0x2c: {  	s7 =	sld [smem:$0x3FB5]  }
0x2d: {  	s3 =	simm.s32 $0x108;
	s8 =	sld [smem:$0x3FB6]  }
0x2e: {  	s3 =	simm.s32 @!p0 $0x1082;
	s9 =	sld [smem:$0x3FB7]  }
0x2f: {  	lr =	sadd.s32 s0, s3;
	s0 =	sld [smem:$0x3FAE]  }
0x30: {  	s3 =	sld [smem:$0x3FB1]  }
0x31: {  	[smem:$0x3FBA] =	sst s10  }
0x32: {  	s10 =	sld [smem:$0x3FB8];
	_ =	sdelay $0x3  }
0x33: {  	p0 =	seq.s32 s10, $0x1;
	s10 =	sld [smem:$0x3FBA];
	_ =	sdelay $0x3  }
0x34: {  	[smem:$0x3FBA] =	sst s10  }
0x35: {  	s10 =	sld [smem:$0x3FB9];
	_ =	sdelay $0x3  }
0x36: {  	p1 =	seq.s32 s10, $0x1;
	s10 =	sld [smem:$0x3FBA];
	_ =	sdelay $0x3  }
0x37: {  	[smem:$0x3FBA] =	sst s10  }
0x38: {  	s10 =	sld [smem:$0x3FBB]  }
0x39: {  	_ = 	snop;
	(pc) =	sbr.ind lr, $3  }
0x3a: {  	_ = 	snop  }
0x3b: {  	_ = 	snop  }
0x3c: {  	p2 =	seq.s32 s10, $0x1;
	s10 =	sld [smem:$0x3FBA]  }
0x3d: {  	_ =	shalt  }
0x3e: {  	_ =	shalt  }
0x3f: {  	_ =	shalt  }
0x40: {  	_ =	shalt  }
0x41: {  	_ =	shalt  }
0x42: {  	_ =	shalt  }
0x43: {  	_ =	shalt  }
0x44: {  	_ =	shalt  }
0x45: {  	_ =	shalt  }
0x46: {  	_ =	shalt  }
0x47: {  	_ =	shalt  }
0x48: {  	_ =	shalt  }
0x49: {  	_ =	shalt  }
0x4a: {  	_ =	shalt  }
0x4b: {  	_ =	shalt  }
0x4c: {  	_ =	shalt  }
0x4d: {  	_ =	shalt  }
0x4e: {  	_ =	shalt  }
0x4f: {  	_ =	shalt  }
0x50: {  	_ =	shalt  }
0x51: {  	_ =	shalt  }
0x52: {  	_ =	shalt  }
0x53: {  	_ =	shalt  }
0x54: {  	_ =	shalt  }
0x55: {  	_ =	shalt  }
0x56: {  	_ =	shalt  }
0x57: {  	_ =	shalt  }
0x58: {  	_ =	shalt  }
0x59: {  	_ =	shalt  }
0x5a: {  	_ =	shalt  }
0x5b: {  	_ =	shalt  }
0x5c: {  	_ =	shalt  }
0x5d: {  	_ =	shalt  }
0x5e: {  	_ =	shalt  }
0x5f: {  	_ =	shalt  }
0x60: {  	_ =	shalt  }
0x61: {  	_ =	shalt  }
0x62: {  	_ =	shalt  }
0x63: {  	_ =	shalt  }
0x64: {  	_ =	shalt  }
0x65: {  	_ =	shalt  }
0x66: {  	_ =	shalt  }
0x67: {  	_ =	shalt  }
0x68: {  	_ =	shalt  }
0x69: {  	_ =	shalt  }
0x6a: {  	_ =	shalt  }
0x6b: {  	_ =	shalt  }
0x6c: {  	_ =	shalt  }
0x6d: {  	_ =	shalt  }
0x6e: {  	_ =	shalt  }
0x6f: {  	_ =	shalt  }
0x70: {  	_ =	shalt  }
0x71: {  	_ =	shalt  }
0x72: {  	_ =	shalt  }
0x73: {  	_ =	shalt  }
0x74: {  	_ =	shalt  }
0x75: {  	_ =	shalt  }
0x76: {  	_ =	shalt  }
0x77: {  	_ =	shalt  }
0x78: {  	_ =	shalt  }
0x79: {  	_ =	shalt  }
0x7a: {  	_ =	shalt  }
0x7b: {  	_ =	shalt  }
0x7c: {  	_ =	shalt  }
0x7d: {  	_ =	shalt  }
0x7e: {  	_ =	shalt  }
0x7f: {  	_ =	shalt  }
0x80: {  	_ =	shalt  }
0x81: {  	_ =	shalt  }
0x82: {  	_ =	shalt  }
0x83: {  	_ =	shalt  }
0x84: {  	_ =	shalt  }
0x85: {  	_ =	shalt  }
0x86: {  	_ =	shalt  }
0x87: {  	_ =	shalt  }
.Lfunc_end0:
.L_simem_size_0:
called_computation_lowered:
.L_overlay_start_0:
0x88: {  	s2 =	sld [smem:$0x3FD9]  }
0x89: {  	s3 =	sld [smem:$0x3FFE];
	_ =	sdelay $0x1  }
0x8a: {  	s1 =	srdreg.scid  }
0x8b: {  	s0 =	sand.u32 $0x1, s1  }
0x8c: {  	s17 =	sshll.u32 s0, $0xA;
	s2 =	sadd.s32 s3, s2  }
0x8d: {  	s2 =	sadd.s32 s2, s17  }
0x8e: {  	[smem:$0x3FC6] =	sst s2  }
0x8f: {  	_ = 	snop  }
0x90: {  	s2 =	sld [smem:$0x3FC9]  }
0x91: {  	s18 =	sld [smem:$0x3FC8];
	(tm) =	ssettm $0x1  }
0x92: {  	s4 =	sld [smem:$0x3FFB];
	_ =	sdelay $0x3  }
0x93: {  	_ =	strace s4  }
0x94: {  	s4 =	sld [smem:$0x3FFC];
	_ =	sdelay $0x3  }
0x95: {  	_ =	strace s4  }
0x96: {  	s4 =	sld [smem:$0x3FFD];
	_ =	sdelay $0x3  }
0x97: {  	_ =	strace s4  }
0x98: {  	_ =	strace $0x8FFFFFFF  }
0x99: {  	s19 =	sld [smem:$0x3FDB];
	_ =	sdelay $0x1  }
0x9a: {  	s5 =	simm.s32 $_scs_section_size  }
0x9b: {  	s6 =	simm.s32 $_size__tile_overlayer_lowered;
	s7 =	simm.s32 $_tile_overlayer_lowered  }
0x9c: {  	s22 =	simm.s32 $0x1BFF;
	s21 =	sshll.u32 s7, $0x1;
	s4 =	sadd.s32 s5, s19  }
0x9d: {  	s8 =	simm.s32 $0x0;
	s20 =	sshll.u32 s6, $0x1;
	s6 =	sadd.s32 s21, s4  }
0x9e: {  	[timem:s8], [sflag:s22] =	dma.local [hbm:s6], s20  }
0x9f: {  	_ =	swait.ge [sflag:s22], s20  }
0xa0: {  	s5 =	ssub.s32 $0x0, s20;
	[sflag:s22] =	ssyncset.done $0x0  }
0xa1: {  	[sflag:s22] =	ssyncadd.s32 s5;
	_ =	sdelay $0x1  }
0xa2: {  	s23 =	simm.s32 $0x1B8B  }
0xa3: {  	_ =	swait.ge [sflag:s23], $0x1  }
0xa4: {  	[sflag:s23] =	ssyncset.done $0x0  }
0xa5: {  	s25 =	simm.s32 $0x1B8E;
	s24 =	sld [smem:$0x3FFE];
	[sflag:s23] =	ssyncadd.s32 $0xFFFFFFFF  }
0xa6: {  	s26 =	simm.s32 $execute0_lowered;
	[smem:$0x3FD2] =	sst s25  }
0xa7: {  	s6 =	sshll.u32 s26, $0x1;
	_ =	strace $0x80000046;
	[dreg:$0x1] =	wrdreg $0xFFFFFFFF  }
0xa8: {  	s28 =	simm.s32 $_size_execute0_lowered;
	s4 =	sadd.s32 s4, s6;
	[dreg:$0x0] =	wrdreg $0x0  }
0xa9: {  	s6 =	sshll.u32 s28, $0x1;
	[dreg:$0x2] =	wrdreg s4  }
0xaa: {  	[dreg:$0x3] =	wrdreg s6  }
0xab: {  	[dreg:$0x4] =	wrdreg $0xC0  }
0xac: {  	_ =	task [dreg:s8], $0x5FFFF  }
0xad: {  	[dreg:$0x1] =	wrdreg $0xFFFFFFFF  }
0xae: {  	[dreg:$0x0] =	wrdreg $0x60  }
0xaf: {  	[dreg:$0x2] =	wrdreg s2  }
0xb0: {  	[dreg:$0x3] =	wrdreg s18  }
0xb1: {  	[dreg:$0x4] =	wrdreg s24  }
0xb2: {  	[dreg:$0x5] =	wrdreg $0x9  }
0xb3: {  	_ =	task.clear_ibuf [dreg:s8], $0x6FFFF;
	_ =	strace $0x90000046  }
0xb4: {  	s29 =	simm.s32 $0x9;
	_ =	strace $0x80000048  }
0xb5: {  	_ =	swait.ge [sflag:s29], $0x1  }
0xb6: {  	[sflag:s29] =	ssyncadd.s32 $0xFFFFFFFF  }
0xb7: {  	_ =	strace $0x90000048  }
0xb8: {  	_ =	sfence  }
0xb9: {  	s30 =	sld [smem:$0x0];
	_ =	sdelay $0x2  }
0xba: {  	s31 =	sshll.u32 s1, $0xD;
	s1 =	sshrl.u32 s1, $0x2  }
0xbb: {  	s3 =	sand.u32 $0x4000, s31;
	s1 =	sadd.s32 s1, s30  }
0xbc: {  	s0 =	sor.u32 s3, s0;
	s1 =	sshll.u32 s1, $0x11  }
0xbd: {  	s0 =	sor.u32 s1, s0  }
0xbe: {  	s0 =	sadd.s32 $0x8F2B, s0  }
0xbf: {  	[sflag:s0] =	ssyncadd.remote.s32 $0x1  }
0xc0: {  	_ =	sfence.sel $0xFFFF  }
0xc1: {  	[dreg:$0x0] =	wrdreg $0xFFFFFFFF;
	(pc) =	sbr.abs _section_cstart, $3  }
0xc2: {  	[dreg:$0x1] =	wrdreg $0xFFFFFFFF  }
0xc3: {  	_ =	task.clear_ibuf [dreg:s8], $0x2FFFF;
	_ =	strace $0x9FFFFFFF  }
0xc4: {  	(tm) =	ssettm $0x7FFFFFFF  }
0xc5: {  	_ =	shalt  }
tec
execute0_lowered:
.L_overlay_start_1:
0x0: {  	(tag) =	ssettag $0x1  }
0x1: {  	s0 =	srdreg.scid;
	v0 =	vlaneseq.u32  }
0x2: {  	s5 =	sand.u32 $0x1, s0;
	v27 =	vmul.u32 $0x27, v0  }
0x3: {  	s6 =	rddreg [dreg:$0x0];
	s1 =	sshll.u32 s5, $0x9  }
0x4: {  	s2 =	rddreg [dreg:$0x1];
	v1 =	vmov s1;
	v2 =	vadd.s32 $0xD, v27;
	v3 =	vadd.s32 $0xE, v27  }
0x5: {  	s7 =	rddreg [dreg:$0x2];
	s0 =	stileid.u32;
	v4 =	vadd.s32 $0xF, v27;
	v5 =	vadd.s32 $0x10, v27;
	v6 =	vadd.s32 $0x11, v27  }
0x6: {  	s3 =	rddreg [dreg:$0x3];
	s4 =	simm.s32 $0x0;
	s8 =	sshll.u32 s0, $0x1;
	v7 =	vadd.s32 $0x12, v27;
	v8 =	vadd.s32 $0x13, v27;
	v9 =	vadd.s32 $0x14, v27  }
0x7: {  	s10 =	simm.s32 $0x1;
	s11 =	simm.s32 $0x15400;
	s8 =	sor.u32 s5, s8;
	v10 =	vadd.s32 $0x15, v27;
	v11 =	vadd.s32 $0x16, v27;
	v12 =	vadd.s32 $0x17, v27  }
0x8: {  	s12 =	simm.s32 $0x0;
	[smem:$0x7FF] =	sst s4;
	v13 =	vadd.s32 $0x18, v27;
	v14 =	vadd.s32 $0x19, v27;
	v15 =	vadd.s32 $0x1A, v27;
	s9 =	smul.u32 $0x9C0, s8  }
0x9: {  	_ =	strace $0x80000047;
	s5 =	ssub.s32 $0x2, s5;
	v16 =	vadd.s32 $0x1B, v27;
	v17 =	vadd.s32 $0x1C, v27;
	v18 =	vadd.s32 $0x1D, v27;
	s8 =	sshll.u32 s8, $0xF  }
0xa: {  	v19 =	vadd.s32 $0x1E, v27;
	v20 =	vadd.s32 $0x1F, v27;
	v21 =	vadd.s32 $0x20, v27;
	s31 =	sshrl.u32 s5, $0x1;
	s7 =	sadd.s32 s8, s7;
	s9 =	sand.u32 $0x1FF80, s9  }
0xb: {  	v22 =	vadd.s32 $0x21, v27;
	v23 =	vadd.s32 $0x22, v27;
	v24 =	vadd.s32 $0x23, v27;
	s8 =	ssub.s32 s5, s31;
	s5 =	sadd.s32 s6, s9;
	s6 =	sadd.s32 $0x400, s7  }
0xc: {  	v25 =	vadd.s32 $0x24, v27;
	v26 =	vadd.s32 $0x25, v27;
	v27 =	vadd.s32 $0x26, v27;
	s7 =	smax.u32 s8, $0x1;
	s8 =	simm.s32 $0x2;
	s9 =	simm.s32 $0x10  }
.LBB2_1:
0xd: {  	v28 =	vmov s4  }
0xe: {  	v28 =	vmul.u32 $0x27, v28;
	_ =	sdelay $0x1  }
0xf: {  	v28 =	vadd.s32 v1, v28  }
0x10: {  	v28 =	vbroadcast v28, $0x0  }
0x11: {  	s13 =	simm.s32 $0x10  }
0x12: {  	v29 =	vmov s13;
	v28 =	vadd.s32 v2, v28  }
0x13: {  	[tilespmem:s4], [sflag:$0x2] =	stream.linear.gather [hbm4b:s5+s4], $0x5000, $0x38;
	v29 =	vmul.u32 $0x27, v29;
	[tilespmem:$0x17400] =	vst v63  }
0x14: {  	_ =	swait.ge [sflag:s8], $0x5000  }
0x15: {  	[sflag:s8] =	ssyncset.done $0x0;
	v29 =	vadd.s32 v1, v29  }
0x16: {  	[sflag:s8] =	ssyncadd.s32 $0xFFFFB000;
	v29 =	vbroadcast v29, $0x0  }
0x17: {  	s30 =	simm.s32 $0x20;
	v28 =	vld.idx.msk [tilespmem:v28+s4+$0x0], $0xffff  }
0x18: {  	v30 =	vmov s30;
	v29 =	vadd.s32 v2, v29  }
0x19: {  	v30 =	vmul.u32 $0x27, v30;
	_ =	sdelay $0x1  }
0x1a: {  	s14 =	simm.s32 $0x5000;
	v30 =	vadd.s32 v1, v30  }
0x1b: {  	v30 =	vbroadcast v30, $0x0;
	[tilespmem:s14+$0x0] =	vst v28  }
0x1c: {  	v29 =	vld.idx.msk [tilespmem:v29+s4+$0x0], $0xffff  }
0x1d: {  	s31 =	simm.s32 $0x30;
	v28 =	vadd.s32 v2, v30  }
0x1e: {  	s15 =	simm.s32 $0x40;
	v30 =	vmov s31  }
.LBB2_2:
0x1f: {  	p0 =	sne.s32 s15, $0x1F0;
	v30 =	vmul.u32 $0x27, v30  }
0x20: {  	s14 =	sadd.s32 $0x10, s14  }
.Ltmp0:
0x21: {  	s13 =	simm.s32 $0x0;
	v30 =	vadd.s32 v1, v30;
	[tilespmem:s14+$0x0] =	vst v29;
	(pc) =	sbr.rel @p0 .LBB2_2-.Ltmp0, $3  }
0x22: {  	v30 =	vbroadcast v30, $0x0;
	v29 =	vld.idx.msk [tilespmem:v28+s13+$0x0], $0xffff;
	_ =	sdelay $0x1  }
0x23: {  	v28 =	vadd.s32 v2, v30  }
0x24: {  	v30 =	vmov s15;
	s15 =	sadd.s32 $0x10, s15  }
0x25: {  	v30 =	vmul.u32 $0x27, v30;
	_ =	sdelay $0x1  }
0x26: {  	s14 =	sadd.s32 $0x10, s14;
	v30 =	vadd.s32 v1, v30  }
0x27: {  	[tilespmem:s14+$0x0] =	vst v29;
	v29 =	vbroadcast v30, $0x0  }
0x28: {  	v28 =	vld.idx.msk [tilespmem:v28+s13+$0x0], $0xffff  }
0x29: {  	v29 =	vadd.s32 v2, v29;
	_ =	sdelay $0x2  }
0x2a: {  	s14 =	sadd.s32 $0x10, s14  }
0x2b: {  	[tilespmem:s14+$0x0] =	vst v28  }
0x2c: {  	p1 =	por $0x1, $0x1;
	v28 =	vld.idx.msk [tilespmem:v29+s13+$0x0], $0xffff  }
.Ltmp1:
0x2d: {  	_ = 	snop;
	(pc) =	sbr.rel @!p1 .LBB2_4-.Ltmp1, $3  }
0x2e: {  	_ =	sdelay $0x1  }
0x2f: {  	s15 =	simm.s32 $0x5200;
	p2 =	por $0x0, $0x0;
	s16 =	sadd.s32 $0x10, s14  }
0x30: {  	p3 =	por $0x0, $0x0;
	p0 =	por $0x0, $0x0;
	s14 =	simm.s32 $0x10;
	[tilespmem:s16+$0x0] =	vst v28;
	v28 =	vmov s13  }
0x31: {  	v29 =	vmul.u32 $0x27, v28;
	p4 =	por $0x1, $0x1  }
.Ltmp2:
0x32: {  	_ = 	snop;
	(pc) =	sbr.rel @!p4 .LBB2_6-.Ltmp2, $3  }
0x33: {  	v29 =	vadd.s32 v1, v29  }
0x34: {  	v29 =	vbroadcast v29, $0x0;
	_ =	sdelay $0x1  }
0x35: {  	v32 =	vmov s14;
	s16 =	simm.s32 $0x20;
	p2 =	por $0x1, $0x1;
	v29 =	vadd.s32 v3, v29  }
0x36: {  	v30 =	vmul.u32 $0x27, v32;
	p4 =	por $0x1, $0x1  }
.Ltmp3:
0x37: {  	_ = 	snop;
	(pc) =	sbr.rel @!p4 .LBB2_8-.Ltmp3, $3  }
0x38: {  	v30 =	vadd.s32 v1, v30  }
0x39: {  	v31 =	vbroadcast v30, $0x0;
	_ =	sdelay $0x1  }
0x3a: {  	v32 =	vmov s16;
	s16 =	simm.s32 $0x30;
	p3 =	por $0x1, $0x1;
	v30 =	vld.idx.msk [tilespmem:v29+s13+$0x0], $0xffff;
	v29 =	vadd.s32 v3, v31  }
0x3b: {  	_ = 	snop  }
0x3c: {  	v31 =	vmul.u32 $0x27, v32  }
0x3d: {  	p5 =	por $0x1, $0x1  }
.Ltmp4:
0x3e: {  	v31 =	vadd.s32 v1, v31;
	(pc) =	sbr.rel @!p5 .LBB2_10-.Ltmp4, $4  }
0x3f: {  	v63 =	vbroadcast v31, $0x0;
	[tilespmem:s15+$0x0] =	vst v30  }
0x40: {  	v31 =	vld.idx.msk [tilespmem:v29+s13+$0x0], $0xffff  }
0x41: {  	v29 =	vadd.s32 v3, v63  }
0x42: {  	v32 =	vmov s16;
	s17 =	simm.s32 $0x40;
	p4 =	por $0x1, $0x1;
	s16 =	simm.s32 $0x5200  }
.LBB2_11:
0x43: {  	p5 =	sne.s32 s17, $0x1F0;
	v32 =	vmul.u32 $0x27, v32  }
0x44: {  	s16 =	sadd.s32 $0x10, s16  }
.Ltmp5:
0x45: {  	v32 =	vadd.s32 v1, v32;
	[tilespmem:s16+$0x0] =	vst v31;
	(pc) =	sbr.rel @p5 .LBB2_11-.Ltmp5, $3  }
0x46: {  	v32 =	vbroadcast v32, $0x0;
	v31 =	vld.idx.msk [tilespmem:v29+s13+$0x0], $0xffff;
	_ =	sdelay $0x1  }
0x47: {  	v29 =	vadd.s32 v3, v32  }
0x48: {  	v32 =	vmov s17;
	s17 =	sadd.s32 $0x10, s17  }
.LBB2_12:
0x49: {  	_ = 	snop  }
0x4a: {  	v32 =	vmul.u32 $0x27, v32;
	s16 =	sadd.s32 @p4 $0x10, s16;
	s17 =	simm.s32 $0x5200  }
0x4b: {  	s17 =	smov.u32 @p4 s16  }
0x4c: {  	v32 =	vadd.s32 v1, v32;
	[tilespmem:s17+$0x0] =	vst @p3 v31  }
0x4d: {  	v31 =	vbroadcast v32, $0x0;
	v29 =	vld.idx.msk @p2 [tilespmem:v29+s13+$0x0], $0xffff;
	_ =	sdelay $0x1  }
0x4e: {  	v31 =	vadd.s32 v3, v31;
	_ =	sdelay $0x1  }
0x4f: {  	s16 =	sadd.s32 @p3 $0x10, s17;
	s17 =	simm.s32 $0x5200  }
0x50: {  	s17 =	smov.u32 @p3 s16;
	v29 =	vpsel p2, v29, v30  }
0x51: {  	[tilespmem:s17+$0x0] =	vst @p2 v29  }
0x52: {  	v29 =	vld.idx.msk [tilespmem:v31+s13+$0x0], $0xffff  }
.Ltmp6:
0x53: {  	_ = 	snop;
	(pc) =	sbr.rel @!p1 .LBB2_13-.Ltmp6, $4  }
0x54: {  	_ = 	snop  }
0x55: {  	s13 =	sadd.s32 @p2 $0x10, s17  }
0x56: {  	s15 =	smov.u32 @p2 s13  }
0x57: {  	s16 =	simm.s32 $0x5400;
	[tilespmem:s15+$0x0] =	vst v29  }
0x58: {  	v28 =	vmul.u32 $0x27, v28;
	p2 =	por $0x1, $0x1  }
.Ltmp7:
0x59: {  	_ = 	snop;
	(pc) =	sbr.rel @!p2 .LBB2_15-.Ltmp7, $3  }
0x5a: {  	v28 =	vadd.s32 v1, v28  }
0x5b: {  	v28 =	vbroadcast v28, $0x0;
	_ =	sdelay $0x1  }
0x5c: {  	p1 =	por $0x1, $0x1;
	v29 =	vadd.s32 v4, v28;
	v28 =	vmov s14;
	s14 =	simm.s32 $0x20  }
0x5d: {  	v28 =	vmul.u32 $0x27, v28;
	p3 =	por $0x1, $0x1  }
.Ltmp8:
0x5e: {  	_ = 	snop;
	(pc) =	sbr.rel @!p3 .LBB2_17-.Ltmp8, $4  }
0x5f: {  	v28 =	vadd.s32 v1, v28  }
0x60: {  	v28 =	vbroadcast v28, $0x0  }
0x61: {  	s13 =	simm.s32 $0x0  }
0x62: {  	p2 =	por $0x1, $0x1;
	v30 =	vld.idx.msk [tilespmem:v29+s13+$0x0], $0xffff;
	v29 =	vadd.s32 v4, v28;
	v28 =	vmov s14;
	s14 =	simm.s32 $0x30  }
0x63: {  	_ = 	snop  }
0x64: {  	v28 =	vmul.u32 $0x27, v28  }
0x65: {  	p3 =	por $0x1, $0x1  }
.Ltmp9:
0x66: {  	v28 =	vadd.s32 v1, v28;
	(pc) =	sbr.rel @!p3 .LBB2_19-.Ltmp9, $4  }
0x67: {  	v28 =	vbroadcast v28, $0x0;
	[tilespmem:s16+$0x0] =	vst v30  }
0x68: {  	v31 =	vld.idx.msk [tilespmem:v29+s13+$0x0], $0xffff  }
0x69: {  	v29 =	vadd.s32 v4, v28  }
0x6a: {  	p0 =	por $0x1, $0x1;
	v28 =	vmov s14;
	s14 =	simm.s32 $0x40;
	s13 =	simm.s32 $0x5400  }
.LBB2_20:
0x6b: {  	p3 =	sne.s32 s14, $0x1F0;
	v28 =	vmul.u32 $0x27, v28  }
0x6c: {  	s13 =	sadd.s32 $0x10, s13  }
.Ltmp10:
0x6d: {  	s15 =	simm.s32 $0x0;
	v28 =	vadd.s32 v1, v28;
	[tilespmem:s13+$0x0] =	vst v31;
	(pc) =	sbr.rel @p3 .LBB2_20-.Ltmp10, $3  }
0x6e: {  	v28 =	vbroadcast v28, $0x0;
	v31 =	vld.idx.msk [tilespmem:v29+s15+$0x0], $0xffff;
	_ =	sdelay $0x1  }
0x6f: {  	v29 =	vadd.s32 v4, v28  }
0x70: {  	v28 =	vmov s14;
	s14 =	sadd.s32 $0x10, s14  }
.LBB2_21:
0x71: {  	_ = 	snop  }
0x72: {  	v28 =	vmul.u32 $0x27, v28;
	s13 =	sadd.s32 @p0 $0x10, s13;
	s14 =	simm.s32 $0x5400  }
0x73: {  	s14 =	smov.u32 @p0 s13  }
0x74: {  	s13 =	simm.s32 @p1 $0x0;
	v28 =	vadd.s32 v1, v28;
	[tilespmem:s14+$0x0] =	vst @p2 v31  }
0x75: {  	v28 =	vbroadcast v28, $0x0;
	v29 =	vld.idx.msk @p1 [tilespmem:v29+s13+$0x0], $0xffff;
	_ =	sdelay $0x1  }
0x76: {  	v28 =	vadd.s32 v4, v28;
	_ =	sdelay $0x1  }
0x77: {  	s15 =	simm.s32 $0x5400;
	s13 =	sadd.s32 @p2 $0x10, s14  }
0x78: {  	s15 =	smov.u32 @p2 s13;
	v29 =	vpsel p1, v29, v30  }
0x79: {  	s14 =	simm.s32 $0x0;
	s13 =	sadd.s32 @p1 $0x10, s15;
	[tilespmem:s15+$0x0] =	vst @p1 v29  }
0x7a: {  	s16 =	smov.u32 @p1 s13;
	p1 =	por $0x1, $0x1;
	v28 =	vld.idx.msk [tilespmem:v28+s14+$0x0], $0xffff  }
.Ltmp11:
0x7b: {  	_ = 	snop;
	(pc) =	sbr.rel @!p1 .LBB2_22-.Ltmp11, $3  }
0x7c: {  	_ =	sdelay $0x1  }
0x7d: {  	p3 =	por $0x0, $0x0;
	p0 =	por $0x0, $0x0  }
0x7e: {  	p2 =	por $0x0, $0x0;
	s13 =	simm.s32 $0x10;
	s15 =	simm.s32 $0x5600;
	[tilespmem:s16+$0x0] =	vst v28;
	v28 =	vmov s14  }
0x7f: {  	v29 =	vmul.u32 $0x27, v28;
	p4 =	por $0x1, $0x1  }
.Ltmp12:
0x80: {  	_ = 	snop;
	(pc) =	sbr.rel @!p4 .LBB2_24-.Ltmp12, $3  }
0x81: {  	v29 =	vadd.s32 v1, v29  }
0x82: {  	v29 =	vbroadcast v29, $0x0;
	_ =	sdelay $0x1  }
0x83: {  	v32 =	vmov s13;
	s16 =	simm.s32 $0x20;
	p2 =	por $0x1, $0x1;
	v29 =	vadd.s32 v5, v29  }
0x84: {  	v30 =	vmul.u32 $0x27, v32;
	p4 =	por $0x1, $0x1  }
.Ltmp13:
0x85: {  	_ = 	snop;
	(pc) =	sbr.rel @!p4 .LBB2_26-.Ltmp13, $3  }
0x86: {  	v30 =	vadd.s32 v1, v30  }
0x87: {  	v31 =	vbroadcast v30, $0x0;
	_ =	sdelay $0x1  }
0x88: {  	v32 =	vmov s16;
	s16 =	simm.s32 $0x30;
	p3 =	por $0x1, $0x1;
	v30 =	vld.idx.msk [tilespmem:v29+s14+$0x0], $0xffff;
	v29 =	vadd.s32 v5, v31  }
0x89: {  	_ = 	snop  }
0x8a: {  	v31 =	vmul.u32 $0x27, v32  }
0x8b: {  	p5 =	por $0x1, $0x1  }
.Ltmp14:
0x8c: {  	v31 =	vadd.s32 v1, v31;
	(pc) =	sbr.rel @!p5 .LBB2_28-.Ltmp14, $4  }
0x8d: {  	v63 =	vbroadcast v31, $0x0;
	[tilespmem:s15+$0x0] =	vst v30  }
0x8e: {  	v31 =	vld.idx.msk [tilespmem:v29+s14+$0x0], $0xffff  }
0x8f: {  	v29 =	vadd.s32 v5, v63  }
0x90: {  	v32 =	vmov s16;
	s17 =	simm.s32 $0x40;
	p4 =	por $0x1, $0x1;
	s16 =	simm.s32 $0x5600  }
.LBB2_29:
0x91: {  	p5 =	sne.s32 s17, $0x1F0;
	v32 =	vmul.u32 $0x27, v32  }
0x92: {  	s16 =	sadd.s32 $0x10, s16  }
.Ltmp15:
0x93: {  	v32 =	vadd.s32 v1, v32;
	[tilespmem:s16+$0x0] =	vst v31;
	(pc) =	sbr.rel @p5 .LBB2_29-.Ltmp15, $3  }
0x94: {  	v32 =	vbroadcast v32, $0x0;
	v31 =	vld.idx.msk [tilespmem:v29+s14+$0x0], $0xffff;
	_ =	sdelay $0x1  }
0x95: {  	v29 =	vadd.s32 v5, v32  }
0x96: {  	v32 =	vmov s17;
	s17 =	sadd.s32 $0x10, s17  }
.LBB2_30:
0x97: {  	_ = 	snop  }
0x98: {  	v32 =	vmul.u32 $0x27, v32;
	s16 =	sadd.s32 @p4 $0x10, s16;
	s17 =	simm.s32 $0x5600  }
0x99: {  	s17 =	smov.u32 @p4 s16  }
0x9a: {  	v32 =	vadd.s32 v1, v32;
	[tilespmem:s17+$0x0] =	vst @p3 v31  }
0x9b: {  	v31 =	vbroadcast v32, $0x0;
	v29 =	vld.idx.msk @p2 [tilespmem:v29+s14+$0x0], $0xffff;
	_ =	sdelay $0x1  }
0x9c: {  	v31 =	vadd.s32 v5, v31;
	_ =	sdelay $0x1  }
0x9d: {  	s16 =	sadd.s32 @p3 $0x10, s17;
	s17 =	simm.s32 $0x5600  }
0x9e: {  	s17 =	smov.u32 @p3 s16;
	v29 =	vpsel p2, v29, v30  }
0x9f: {  	[tilespmem:s17+$0x0] =	vst @p2 v29  }
0xa0: {  	v29 =	vld.idx.msk [tilespmem:v31+s14+$0x0], $0xffff  }
.Ltmp16:
0xa1: {  	_ = 	snop;
	(pc) =	sbr.rel @!p1 .LBB2_31-.Ltmp16, $4  }
0xa2: {  	_ = 	snop  }
0xa3: {  	s14 =	sadd.s32 @p2 $0x10, s17  }
0xa4: {  	s15 =	smov.u32 @p2 s14  }
0xa5: {  	s16 =	simm.s32 $0x5800;
	[tilespmem:s15+$0x0] =	vst v29  }
0xa6: {  	v28 =	vmul.u32 $0x27, v28;
	p2 =	por $0x1, $0x1  }
.Ltmp17:
0xa7: {  	_ = 	snop;
	(pc) =	sbr.rel @!p2 .LBB2_33-.Ltmp17, $3  }
0xa8: {  	v28 =	vadd.s32 v1, v28  }
0xa9: {  	v28 =	vbroadcast v28, $0x0;
	_ =	sdelay $0x1  }
0xaa: {  	s14 =	simm.s32 $0x20;
	p1 =	por $0x1, $0x1;
	v29 =	vadd.s32 v6, v28;
	v28 =	vmov s13  }
0xab: {  	v28 =	vmul.u32 $0x27, v28;
	p3 =	por $0x1, $0x1  }
.Ltmp18:
0xac: {  	_ = 	snop;
	(pc) =	sbr.rel @!p3 .LBB2_35-.Ltmp18, $4  }
0xad: {  	v28 =	vadd.s32 v1, v28  }
0xae: {  	v28 =	vbroadcast v28, $0x0  }
0xaf: {  	s13 =	simm.s32 $0x0  }
0xb0: {  	p2 =	por $0x1, $0x1;
	v30 =	vld.idx.msk [tilespmem:v29+s13+$0x0], $0xffff;
	v29 =	vadd.s32 v6, v28;
	v28 =	vmov s14;
	s14 =	simm.s32 $0x30  }
0xb1: {  	_ = 	snop  }
0xb2: {  	v28 =	vmul.u32 $0x27, v28  }
0xb3: {  	p3 =	por $0x1, $0x1  }
.Ltmp19:
0xb4: {  	v28 =	vadd.s32 v1, v28;
	(pc) =	sbr.rel @!p3 .LBB2_37-.Ltmp19, $4  }
0xb5: {  	v28 =	vbroadcast v28, $0x0;
	[tilespmem:s16+$0x0] =	vst v30  }
0xb6: {  	v31 =	vld.idx.msk [tilespmem:v29+s13+$0x0], $0xffff  }
0xb7: {  	v29 =	vadd.s32 v6, v28  }
0xb8: {  	p0 =	por $0x1, $0x1;
	v28 =	vmov s14;
	s14 =	simm.s32 $0x40;
	s13 =	simm.s32 $0x5800  }
.LBB2_38:
0xb9: {  	p3 =	sne.s32 s14, $0x1F0;
	v28 =	vmul.u32 $0x27, v28  }
0xba: {  	s13 =	sadd.s32 $0x10, s13  }
.Ltmp20:
0xbb: {  	s15 =	simm.s32 $0x0;
	v28 =	vadd.s32 v1, v28;
	[tilespmem:s13+$0x0] =	vst v31;
	(pc) =	sbr.rel @p3 .LBB2_38-.Ltmp20, $3  }
0xbc: {  	v28 =	vbroadcast v28, $0x0;
	v31 =	vld.idx.msk [tilespmem:v29+s15+$0x0], $0xffff;
	_ =	sdelay $0x1  }
0xbd: {  	v29 =	vadd.s32 v6, v28  }
0xbe: {  	v28 =	vmov s14;
	s14 =	sadd.s32 $0x10, s14  }
.LBB2_39:
0xbf: {  	_ = 	snop  }
0xc0: {  	v28 =	vmul.u32 $0x27, v28;
	s13 =	sadd.s32 @p0 $0x10, s13;
	s14 =	simm.s32 $0x5800  }
0xc1: {  	s14 =	smov.u32 @p0 s13  }
0xc2: {  	s13 =	simm.s32 @p1 $0x0;
	v28 =	vadd.s32 v1, v28;
	[tilespmem:s14+$0x0] =	vst @p2 v31  }
0xc3: {  	v28 =	vbroadcast v28, $0x0;
	v29 =	vld.idx.msk @p1 [tilespmem:v29+s13+$0x0], $0xffff;
	_ =	sdelay $0x1  }
0xc4: {  	v28 =	vadd.s32 v6, v28;
	_ =	sdelay $0x1  }
0xc5: {  	s15 =	simm.s32 $0x5800;
	s13 =	sadd.s32 @p2 $0x10, s14  }
0xc6: {  	s15 =	smov.u32 @p2 s13;
	v29 =	vpsel p1, v29, v30  }
0xc7: {  	s14 =	simm.s32 $0x0;
	s13 =	sadd.s32 @p1 $0x10, s15;
	[tilespmem:s15+$0x0] =	vst @p1 v29  }
0xc8: {  	s16 =	smov.u32 @p1 s13;
	p1 =	por $0x1, $0x1;
	v28 =	vld.idx.msk [tilespmem:v28+s14+$0x0], $0xffff  }
.Ltmp21:
0xc9: {  	_ = 	snop;
	(pc) =	sbr.rel @!p1 .LBB2_40-.Ltmp21, $3  }
0xca: {  	_ =	sdelay $0x1  }
0xcb: {  	p3 =	por $0x0, $0x0;
	p0 =	por $0x0, $0x0  }
0xcc: {  	p2 =	por $0x0, $0x0;
	s13 =	simm.s32 $0x10;
	s15 =	simm.s32 $0x5A00;
	[tilespmem:s16+$0x0] =	vst v28;
	v28 =	vmov s14  }
0xcd: {  	v29 =	vmul.u32 $0x27, v28;
	p4 =	por $0x1, $0x1  }
.Ltmp22:
0xce: {  	_ = 	snop;
	(pc) =	sbr.rel @!p4 .LBB2_42-.Ltmp22, $3  }
0xcf: {  	v29 =	vadd.s32 v1, v29  }
0xd0: {  	v29 =	vbroadcast v29, $0x0;
	_ =	sdelay $0x1  }
0xd1: {  	v32 =	vmov s13;
	s16 =	simm.s32 $0x20;
	p2 =	por $0x1, $0x1;
	v29 =	vadd.s32 v7, v29  }
0xd2: {  	v30 =	vmul.u32 $0x27, v32;
	p4 =	por $0x1, $0x1  }
.Ltmp23:
0xd3: {  	_ = 	snop;
	(pc) =	sbr.rel @!p4 .LBB2_44-.Ltmp23, $3  }
0xd4: {  	v30 =	vadd.s32 v1, v30  }
0xd5: {  	v31 =	vbroadcast v30, $0x0;
	_ =	sdelay $0x1  }
0xd6: {  	v32 =	vmov s16;
	s16 =	simm.s32 $0x30;
	p3 =	por $0x1, $0x1;
	v30 =	vld.idx.msk [tilespmem:v29+s14+$0x0], $0xffff;
	v29 =	vadd.s32 v7, v31  }
0xd7: {  	_ = 	snop  }
0xd8: {  	v31 =	vmul.u32 $0x27, v32  }
0xd9: {  	p5 =	por $0x1, $0x1  }
.Ltmp24:
0xda: {  	v31 =	vadd.s32 v1, v31;
	(pc) =	sbr.rel @!p5 .LBB2_46-.Ltmp24, $4  }
0xdb: {  	v63 =	vbroadcast v31, $0x0;
	[tilespmem:s15+$0x0] =	vst v30  }
0xdc: {  	v31 =	vld.idx.msk [tilespmem:v29+s14+$0x0], $0xffff  }
0xdd: {  	v29 =	vadd.s32 v7, v63  }
0xde: {  	v32 =	vmov s16;
	s17 =	simm.s32 $0x40;
	p4 =	por $0x1, $0x1;
	s16 =	simm.s32 $0x5A00  }
.LBB2_47:
0xdf: {  	p5 =	sne.s32 s17, $0x1F0;
	v32 =	vmul.u32 $0x27, v32  }
0xe0: {  	s16 =	sadd.s32 $0x10, s16  }
.Ltmp25:
0xe1: {  	v32 =	vadd.s32 v1, v32;
	[tilespmem:s16+$0x0] =	vst v31;
	(pc) =	sbr.rel @p5 .LBB2_47-.Ltmp25, $3  }
0xe2: {  	v32 =	vbroadcast v32, $0x0;
	v31 =	vld.idx.msk [tilespmem:v29+s14+$0x0], $0xffff;
	_ =	sdelay $0x1  }
0xe3: {  	v29 =	vadd.s32 v7, v32  }
0xe4: {  	v32 =	vmov s17;
	s17 =	sadd.s32 $0x10, s17  }
.LBB2_48:
0xe5: {  	_ = 	snop  }
0xe6: {  	v32 =	vmul.u32 $0x27, v32;
	s16 =	sadd.s32 @p4 $0x10, s16;
	s17 =	simm.s32 $0x5A00  }
0xe7: {  	s17 =	smov.u32 @p4 s16  }
0xe8: {  	v32 =	vadd.s32 v1, v32;
	[tilespmem:s17+$0x0] =	vst @p3 v31  }
0xe9: {  	v31 =	vbroadcast v32, $0x0;
	v29 =	vld.idx.msk @p2 [tilespmem:v29+s14+$0x0], $0xffff;
	_ =	sdelay $0x1  }
0xea: {  	v31 =	vadd.s32 v7, v31;
	_ =	sdelay $0x1  }
0xeb: {  	s16 =	sadd.s32 @p3 $0x10, s17;
	s17 =	simm.s32 $0x5A00  }
0xec: {  	s17 =	smov.u32 @p3 s16;
	v29 =	vpsel p2, v29, v30  }
0xed: {  	[tilespmem:s17+$0x0] =	vst @p2 v29  }
0xee: {  	v29 =	vld.idx.msk [tilespmem:v31+s14+$0x0], $0xffff  }
.Ltmp26:
0xef: {  	_ = 	snop;
	(pc) =	sbr.rel @!p1 .LBB2_49-.Ltmp26, $4  }
0xf0: {  	_ = 	snop  }
0xf1: {  	s14 =	sadd.s32 @p2 $0x10, s17  }
0xf2: {  	s15 =	smov.u32 @p2 s14  }
0xf3: {  	s16 =	simm.s32 $0x5C00;
	[tilespmem:s15+$0x0] =	vst v29  }
0xf4: {  	v28 =	vmul.u32 $0x27, v28;
	p2 =	por $0x1, $0x1  }
.Ltmp27:
0xf5: {  	_ = 	snop;
	(pc) =	sbr.rel @!p2 .LBB2_51-.Ltmp27, $3  }
0xf6: {  	v28 =	vadd.s32 v1, v28  }
0xf7: {  	v28 =	vbroadcast v28, $0x0;
	_ =	sdelay $0x1  }
0xf8: {  	s14 =	simm.s32 $0x20;
	p1 =	por $0x1, $0x1;
	v29 =	vadd.s32 v8, v28;
	v28 =	vmov s13  }
0xf9: {  	v28 =	vmul.u32 $0x27, v28;
	p3 =	por $0x1, $0x1  }
.Ltmp28:
0xfa: {  	_ = 	snop;
	(pc) =	sbr.rel @!p3 .LBB2_53-.Ltmp28, $4  }
0xfb: {  	v28 =	vadd.s32 v1, v28  }
0xfc: {  	v28 =	vbroadcast v28, $0x0  }
0xfd: {  	s13 =	simm.s32 $0x0  }
0xfe: {  	p2 =	por $0x1, $0x1;
	v30 =	vld.idx.msk [tilespmem:v29+s13+$0x0], $0xffff;
	v29 =	vadd.s32 v8, v28;
	v28 =	vmov s14;
	s14 =	simm.s32 $0x30  }
0xff: {  	_ = 	snop  }
0x100: {  	v28 =	vmul.u32 $0x27, v28  }
0x101: {  	p3 =	por $0x1, $0x1  }
.Ltmp29:
0x102: {  	v28 =	vadd.s32 v1, v28;
	(pc) =	sbr.rel @!p3 .LBB2_55-.Ltmp29, $4  }
0x103: {  	v28 =	vbroadcast v28, $0x0;
	[tilespmem:s16+$0x0] =	vst v30  }
0x104: {  	v31 =	vld.idx.msk [tilespmem:v29+s13+$0x0], $0xffff  }
0x105: {  	v29 =	vadd.s32 v8, v28  }
0x106: {  	p0 =	por $0x1, $0x1;
	v28 =	vmov s14;
	s14 =	simm.s32 $0x40;
	s13 =	simm.s32 $0x5C00  }
.LBB2_56:
0x107: {  	p3 =	sne.s32 s14, $0x1F0;
	v28 =	vmul.u32 $0x27, v28  }
0x108: {  	s13 =	sadd.s32 $0x10, s13  }
.Ltmp30:
0x109: {  	s15 =	simm.s32 $0x0;
	v28 =	vadd.s32 v1, v28;
	[tilespmem:s13+$0x0] =	vst v31;
	(pc) =	sbr.rel @p3 .LBB2_56-.Ltmp30, $3  }
0x10a: {  	v28 =	vbroadcast v28, $0x0;
	v31 =	vld.idx.msk [tilespmem:v29+s15+$0x0], $0xffff;
	_ =	sdelay $0x1  }
0x10b: {  	v29 =	vadd.s32 v8, v28  }
0x10c: {  	v28 =	vmov s14;
	s14 =	sadd.s32 $0x10, s14  }
.LBB2_57:
0x10d: {  	_ = 	snop  }
0x10e: {  	v28 =	vmul.u32 $0x27, v28;
	s13 =	sadd.s32 @p0 $0x10, s13;
	s14 =	simm.s32 $0x5C00  }
0x10f: {  	s14 =	smov.u32 @p0 s13  }
0x110: {  	s13 =	simm.s32 @p1 $0x0;
	v28 =	vadd.s32 v1, v28;
	[tilespmem:s14+$0x0] =	vst @p2 v31  }
0x111: {  	v28 =	vbroadcast v28, $0x0;
	v29 =	vld.idx.msk @p1 [tilespmem:v29+s13+$0x0], $0xffff;
	_ =	sdelay $0x1  }
0x112: {  	v28 =	vadd.s32 v8, v28;
	_ =	sdelay $0x1  }
0x113: {  	s15 =	simm.s32 $0x5C00;
	s13 =	sadd.s32 @p2 $0x10, s14  }
0x114: {  	s15 =	smov.u32 @p2 s13;
	v29 =	vpsel p1, v29, v30  }
0x115: {  	s14 =	simm.s32 $0x0;
	s13 =	sadd.s32 @p1 $0x10, s15;
	[tilespmem:s15+$0x0] =	vst @p1 v29  }
0x116: {  	s16 =	smov.u32 @p1 s13;
	p1 =	por $0x1, $0x1;
	v28 =	vld.idx.msk [tilespmem:v28+s14+$0x0], $0xffff  }
.Ltmp31:
0x117: {  	_ = 	snop;
	(pc) =	sbr.rel @!p1 .LBB2_58-.Ltmp31, $3  }
0x118: {  	_ =	sdelay $0x1  }
0x119: {  	p3 =	por $0x0, $0x0;
	p0 =	por $0x0, $0x0  }
0x11a: {  	p2 =	por $0x0, $0x0;
	s13 =	simm.s32 $0x10;
	s15 =	simm.s32 $0x5E00;
	[tilespmem:s16+$0x0] =	vst v28;
	v28 =	vmov s14  }
0x11b: {  	v29 =	vmul.u32 $0x27, v28;
	p4 =	por $0x1, $0x1  }
.Ltmp32:
0x11c: {  	_ = 	snop;
	(pc) =	sbr.rel @!p4 .LBB2_60-.Ltmp32, $3  }
0x11d: {  	v29 =	vadd.s32 v1, v29  }
0x11e: {  	v29 =	vbroadcast v29, $0x0;
	_ =	sdelay $0x1  }
0x11f: {  	v32 =	vmov s13;
	s16 =	simm.s32 $0x20;
	p2 =	por $0x1, $0x1;
	v29 =	vadd.s32 v9, v29  }
0x120: {  	v30 =	vmul.u32 $0x27, v32;
	p4 =	por $0x1, $0x1  }
.Ltmp33:
0x121: {  	_ = 	snop;
	(pc) =	sbr.rel @!p4 .LBB2_62-.Ltmp33, $3  }
0x122: {  	v30 =	vadd.s32 v1, v30  }
0x123: {  	v31 =	vbroadcast v30, $0x0;
	_ =	sdelay $0x1  }
0x124: {  	v32 =	vmov s16;
	s16 =	simm.s32 $0x30;
	p3 =	por $0x1, $0x1;
	v30 =	vld.idx.msk [tilespmem:v29+s14+$0x0], $0xffff;
	v29 =	vadd.s32 v9, v31  }
0x125: {  	_ = 	snop  }
0x126: {  	v31 =	vmul.u32 $0x27, v32  }
0x127: {  	p5 =	por $0x1, $0x1  }
.Ltmp34:
0x128: {  	v31 =	vadd.s32 v1, v31;
	(pc) =	sbr.rel @!p5 .LBB2_64-.Ltmp34, $4  }
0x129: {  	v63 =	vbroadcast v31, $0x0;
	[tilespmem:s15+$0x0] =	vst v30  }
0x12a: {  	v31 =	vld.idx.msk [tilespmem:v29+s14+$0x0], $0xffff  }
0x12b: {  	v29 =	vadd.s32 v9, v63  }
0x12c: {  	v32 =	vmov s16;
	s17 =	simm.s32 $0x40;
	p4 =	por $0x1, $0x1;
	s16 =	simm.s32 $0x5E00  }
.LBB2_65:
0x12d: {  	p5 =	sne.s32 s17, $0x1F0;
	v32 =	vmul.u32 $0x27, v32  }
0x12e: {  	s16 =	sadd.s32 $0x10, s16  }
.Ltmp35:
0x12f: {  	v32 =	vadd.s32 v1, v32;
	[tilespmem:s16+$0x0] =	vst v31;
	(pc) =	sbr.rel @p5 .LBB2_65-.Ltmp35, $3  }
0x130: {  	v32 =	vbroadcast v32, $0x0;
	v31 =	vld.idx.msk [tilespmem:v29+s14+$0x0], $0xffff;
	_ =	sdelay $0x1  }
0x131: {  	v29 =	vadd.s32 v9, v32  }
0x132: {  	v32 =	vmov s17;
	s17 =	sadd.s32 $0x10, s17  }
.LBB2_66:
0x133: {  	_ = 	snop  }
0x134: {  	v32 =	vmul.u32 $0x27, v32;
	s16 =	sadd.s32 @p4 $0x10, s16;
	s17 =	simm.s32 $0x5E00  }
0x135: {  	s17 =	smov.u32 @p4 s16  }
0x136: {  	v32 =	vadd.s32 v1, v32;
	[tilespmem:s17+$0x0] =	vst @p3 v31  }
0x137: {  	v31 =	vbroadcast v32, $0x0;
	v29 =	vld.idx.msk @p2 [tilespmem:v29+s14+$0x0], $0xffff;
	_ =	sdelay $0x1  }
0x138: {  	v31 =	vadd.s32 v9, v31;
	_ =	sdelay $0x1  }
0x139: {  	s16 =	sadd.s32 @p3 $0x10, s17;
	s17 =	simm.s32 $0x5E00  }
0x13a: {  	s17 =	smov.u32 @p3 s16;
	v29 =	vpsel p2, v29, v30  }
0x13b: {  	[tilespmem:s17+$0x0] =	vst @p2 v29  }
0x13c: {  	v29 =	vld.idx.msk [tilespmem:v31+s14+$0x0], $0xffff  }
.Ltmp36:
0x13d: {  	_ = 	snop;
	(pc) =	sbr.rel @!p1 .LBB2_67-.Ltmp36, $4  }
0x13e: {  	_ = 	snop  }
0x13f: {  	s14 =	sadd.s32 @p2 $0x10, s17  }
0x140: {  	s15 =	smov.u32 @p2 s14  }
0x141: {  	s16 =	simm.s32 $0x6000;
	[tilespmem:s15+$0x0] =	vst v29  }
0x142: {  	v28 =	vmul.u32 $0x27, v28;
	p2 =	por $0x1, $0x1  }
.Ltmp37:
0x143: {  	_ = 	snop;
	(pc) =	sbr.rel @!p2 .LBB2_69-.Ltmp37, $3  }
0x144: {  	v28 =	vadd.s32 v1, v28  }
0x145: {  	v28 =	vbroadcast v28, $0x0;
	_ =	sdelay $0x1  }
0x146: {  	s14 =	simm.s32 $0x20;
	p1 =	por $0x1, $0x1;
	v29 =	vadd.s32 v10, v28;
	v28 =	vmov s13  }
0x147: {  	v28 =	vmul.u32 $0x27, v28;
	p3 =	por $0x1, $0x1  }
.Ltmp38:
0x148: {  	_ = 	snop;
	(pc) =	sbr.rel @!p3 .LBB2_71-.Ltmp38, $4  }
0x149: {  	v28 =	vadd.s32 v1, v28  }
0x14a: {  	v28 =	vbroadcast v28, $0x0  }
0x14b: {  	s13 =	simm.s32 $0x0  }
0x14c: {  	p2 =	por $0x1, $0x1;
	v30 =	vld.idx.msk [tilespmem:v29+s13+$0x0], $0xffff;
	v29 =	vadd.s32 v10, v28;
	v28 =	vmov s14;
	s14 =	simm.s32 $0x30  }
0x14d: {  	_ = 	snop  }
0x14e: {  	v28 =	vmul.u32 $0x27, v28  }
0x14f: {  	p3 =	por $0x1, $0x1  }
.Ltmp39:
0x150: {  	v28 =	vadd.s32 v1, v28;
	(pc) =	sbr.rel @!p3 .LBB2_73-.Ltmp39, $4  }
0x151: {  	v28 =	vbroadcast v28, $0x0;
	[tilespmem:s16+$0x0] =	vst v30  }
0x152: {  	v31 =	vld.idx.msk [tilespmem:v29+s13+$0x0], $0xffff  }
0x153: {  	v29 =	vadd.s32 v10, v28  }
0x154: {  	p0 =	por $0x1, $0x1;
	v28 =	vmov s14;
	s14 =	simm.s32 $0x40;
	s13 =	simm.s32 $0x6000  }
.LBB2_74:
0x155: {  	p3 =	sne.s32 s14, $0x1F0;
	v28 =	vmul.u32 $0x27, v28  }
0x156: {  	s13 =	sadd.s32 $0x10, s13  }
.Ltmp40:
0x157: {  	s15 =	simm.s32 $0x0;
	v28 =	vadd.s32 v1, v28;
	[tilespmem:s13+$0x0] =	vst v31;
	(pc) =	sbr.rel @p3 .LBB2_74-.Ltmp40, $3  }
0x158: {  	v28 =	vbroadcast v28, $0x0;
	v31 =	vld.idx.msk [tilespmem:v29+s15+$0x0], $0xffff;
	_ =	sdelay $0x1  }
0x159: {  	v29 =	vadd.s32 v10, v28  }
0x15a: {  	v28 =	vmov s14;
	s14 =	sadd.s32 $0x10, s14  }
.LBB2_75:
0x15b: {  	_ = 	snop  }
0x15c: {  	v28 =	vmul.u32 $0x27, v28;
	s13 =	sadd.s32 @p0 $0x10, s13;
	s14 =	simm.s32 $0x6000  }
0x15d: {  	s14 =	smov.u32 @p0 s13  }
0x15e: {  	s13 =	simm.s32 @p1 $0x0;
	v28 =	vadd.s32 v1, v28;
	[tilespmem:s14+$0x0] =	vst @p2 v31  }
0x15f: {  	v28 =	vbroadcast v28, $0x0;
	v29 =	vld.idx.msk @p1 [tilespmem:v29+s13+$0x0], $0xffff;
	_ =	sdelay $0x1  }
0x160: {  	v28 =	vadd.s32 v10, v28;
	_ =	sdelay $0x1  }
0x161: {  	s15 =	simm.s32 $0x6000;
	s13 =	sadd.s32 @p2 $0x10, s14  }
0x162: {  	s15 =	smov.u32 @p2 s13;
	v29 =	vpsel p1, v29, v30  }
0x163: {  	s14 =	simm.s32 $0x0;
	s13 =	sadd.s32 @p1 $0x10, s15;
	[tilespmem:s15+$0x0] =	vst @p1 v29  }
0x164: {  	s16 =	smov.u32 @p1 s13;
	p1 =	por $0x1, $0x1;
	v28 =	vld.idx.msk [tilespmem:v28+s14+$0x0], $0xffff  }
.Ltmp41:
0x165: {  	_ = 	snop;
	(pc) =	sbr.rel @!p1 .LBB2_76-.Ltmp41, $3  }
0x166: {  	_ =	sdelay $0x1  }
0x167: {  	p3 =	por $0x0, $0x0;
	p0 =	por $0x0, $0x0  }
0x168: {  	p2 =	por $0x0, $0x0;
	s13 =	simm.s32 $0x10;
	s15 =	simm.s32 $0x6200;
	[tilespmem:s16+$0x0] =	vst v28;
	v28 =	vmov s14  }
0x169: {  	v29 =	vmul.u32 $0x27, v28;
	p4 =	por $0x1, $0x1  }
.Ltmp42:
0x16a: {  	_ = 	snop;
	(pc) =	sbr.rel @!p4 .LBB2_78-.Ltmp42, $3  }
0x16b: {  	v29 =	vadd.s32 v1, v29  }
0x16c: {  	v29 =	vbroadcast v29, $0x0;
	_ =	sdelay $0x1  }
0x16d: {  	v32 =	vmov s13;
	s16 =	simm.s32 $0x20;
	p2 =	por $0x1, $0x1;
	v29 =	vadd.s32 v11, v29  }
0x16e: {  	v30 =	vmul.u32 $0x27, v32;
	p4 =	por $0x1, $0x1  }
.Ltmp43:
0x16f: {  	_ = 	snop;
	(pc) =	sbr.rel @!p4 .LBB2_80-.Ltmp43, $3  }
0x170: {  	v30 =	vadd.s32 v1, v30  }
0x171: {  	v31 =	vbroadcast v30, $0x0;
	_ =	sdelay $0x1  }
0x172: {  	v32 =	vmov s16;
	s16 =	simm.s32 $0x30;
	p3 =	por $0x1, $0x1;
	v30 =	vld.idx.msk [tilespmem:v29+s14+$0x0], $0xffff;
	v29 =	vadd.s32 v11, v31  }
0x173: {  	_ = 	snop  }
0x174: {  	v31 =	vmul.u32 $0x27, v32  }
0x175: {  	p5 =	por $0x1, $0x1  }
.Ltmp44:
0x176: {  	v31 =	vadd.s32 v1, v31;
	(pc) =	sbr.rel @!p5 .LBB2_82-.Ltmp44, $4  }
0x177: {  	v63 =	vbroadcast v31, $0x0;
	[tilespmem:s15+$0x0] =	vst v30  }
0x178: {  	v31 =	vld.idx.msk [tilespmem:v29+s14+$0x0], $0xffff  }
0x179: {  	v29 =	vadd.s32 v11, v63  }
0x17a: {  	v32 =	vmov s16;
	s17 =	simm.s32 $0x40;
	p4 =	por $0x1, $0x1;
	s16 =	simm.s32 $0x6200  }
.LBB2_83:
0x17b: {  	p5 =	sne.s32 s17, $0x1F0;
	v32 =	vmul.u32 $0x27, v32  }
0x17c: {  	s16 =	sadd.s32 $0x10, s16  }
.Ltmp45:
0x17d: {  	v32 =	vadd.s32 v1, v32;
	[tilespmem:s16+$0x0] =	vst v31;
	(pc) =	sbr.rel @p5 .LBB2_83-.Ltmp45, $3  }
0x17e: {  	v32 =	vbroadcast v32, $0x0;
	v31 =	vld.idx.msk [tilespmem:v29+s14+$0x0], $0xffff;
	_ =	sdelay $0x1  }
0x17f: {  	v29 =	vadd.s32 v11, v32  }
0x180: {  	v32 =	vmov s17;
	s17 =	sadd.s32 $0x10, s17  }
.LBB2_84:
0x181: {  	_ = 	snop  }
0x182: {  	v32 =	vmul.u32 $0x27, v32;
	s16 =	sadd.s32 @p4 $0x10, s16;
	s17 =	simm.s32 $0x6200  }
0x183: {  	s17 =	smov.u32 @p4 s16  }
0x184: {  	v32 =	vadd.s32 v1, v32;
	[tilespmem:s17+$0x0] =	vst @p3 v31  }
0x185: {  	v31 =	vbroadcast v32, $0x0;
	v29 =	vld.idx.msk @p2 [tilespmem:v29+s14+$0x0], $0xffff;
	_ =	sdelay $0x1  }
0x186: {  	v31 =	vadd.s32 v11, v31;
	_ =	sdelay $0x1  }
0x187: {  	s16 =	sadd.s32 @p3 $0x10, s17;
	s17 =	simm.s32 $0x6200  }
0x188: {  	s17 =	smov.u32 @p3 s16;
	v29 =	vpsel p2, v29, v30  }
0x189: {  	[tilespmem:s17+$0x0] =	vst @p2 v29  }
0x18a: {  	v29 =	vld.idx.msk [tilespmem:v31+s14+$0x0], $0xffff  }
.Ltmp46:
0x18b: {  	_ = 	snop;
	(pc) =	sbr.rel @!p1 .LBB2_85-.Ltmp46, $4  }
0x18c: {  	_ = 	snop  }
0x18d: {  	s14 =	sadd.s32 @p2 $0x10, s17  }
0x18e: {  	s15 =	smov.u32 @p2 s14  }
0x18f: {  	s16 =	simm.s32 $0x6400;
	[tilespmem:s15+$0x0] =	vst v29  }
0x190: {  	v28 =	vmul.u32 $0x27, v28;
	p2 =	por $0x1, $0x1  }
.Ltmp47:
0x191: {  	_ = 	snop;
	(pc) =	sbr.rel @!p2 .LBB2_87-.Ltmp47, $3  }
0x192: {  	v28 =	vadd.s32 v1, v28  }
0x193: {  	v28 =	vbroadcast v28, $0x0;
	_ =	sdelay $0x1  }
0x194: {  	s14 =	simm.s32 $0x20;
	p1 =	por $0x1, $0x1;
	v29 =	vadd.s32 v12, v28;
	v28 =	vmov s13  }
0x195: {  	v28 =	vmul.u32 $0x27, v28;
	p3 =	por $0x1, $0x1  }
.Ltmp48:
0x196: {  	_ = 	snop;
	(pc) =	sbr.rel @!p3 .LBB2_89-.Ltmp48, $4  }
0x197: {  	v28 =	vadd.s32 v1, v28  }
0x198: {  	v28 =	vbroadcast v28, $0x0  }
0x199: {  	s13 =	simm.s32 $0x0  }
0x19a: {  	p2 =	por $0x1, $0x1;
	v30 =	vld.idx.msk [tilespmem:v29+s13+$0x0], $0xffff;
	v29 =	vadd.s32 v12, v28;
	v28 =	vmov s14;
	s14 =	simm.s32 $0x30  }
0x19b: {  	_ = 	snop  }
0x19c: {  	v28 =	vmul.u32 $0x27, v28  }
0x19d: {  	p3 =	por $0x1, $0x1  }
.Ltmp49:
0x19e: {  	v28 =	vadd.s32 v1, v28;
	(pc) =	sbr.rel @!p3 .LBB2_91-.Ltmp49, $4  }
0x19f: {  	v28 =	vbroadcast v28, $0x0;
	[tilespmem:s16+$0x0] =	vst v30  }
0x1a0: {  	v31 =	vld.idx.msk [tilespmem:v29+s13+$0x0], $0xffff  }
0x1a1: {  	v29 =	vadd.s32 v12, v28  }
0x1a2: {  	p0 =	por $0x1, $0x1;
	v28 =	vmov s14;
	s14 =	simm.s32 $0x40;
	s13 =	simm.s32 $0x6400  }
.LBB2_92:
0x1a3: {  	p3 =	sne.s32 s14, $0x1F0;
	v28 =	vmul.u32 $0x27, v28  }
0x1a4: {  	s13 =	sadd.s32 $0x10, s13  }
.Ltmp50:
0x1a5: {  	s15 =	simm.s32 $0x0;
	v28 =	vadd.s32 v1, v28;
	[tilespmem:s13+$0x0] =	vst v31;
	(pc) =	sbr.rel @p3 .LBB2_92-.Ltmp50, $3  }
0x1a6: {  	v28 =	vbroadcast v28, $0x0;
	v31 =	vld.idx.msk [tilespmem:v29+s15+$0x0], $0xffff;
	_ =	sdelay $0x1  }
0x1a7: {  	v29 =	vadd.s32 v12, v28  }
0x1a8: {  	v28 =	vmov s14;
	s14 =	sadd.s32 $0x10, s14  }
.LBB2_93:
0x1a9: {  	_ = 	snop  }
0x1aa: {  	v28 =	vmul.u32 $0x27, v28;
	s13 =	sadd.s32 @p0 $0x10, s13;
	s14 =	simm.s32 $0x6400  }
0x1ab: {  	s14 =	smov.u32 @p0 s13  }
0x1ac: {  	s13 =	simm.s32 @p1 $0x0;
	v28 =	vadd.s32 v1, v28;
	[tilespmem:s14+$0x0] =	vst @p2 v31  }
0x1ad: {  	v28 =	vbroadcast v28, $0x0;
	v29 =	vld.idx.msk @p1 [tilespmem:v29+s13+$0x0], $0xffff;
	_ =	sdelay $0x1  }
0x1ae: {  	v28 =	vadd.s32 v12, v28;
	_ =	sdelay $0x1  }
0x1af: {  	s15 =	simm.s32 $0x6400;
	s13 =	sadd.s32 @p2 $0x10, s14  }
0x1b0: {  	s15 =	smov.u32 @p2 s13;
	v29 =	vpsel p1, v29, v30  }
0x1b1: {  	s14 =	simm.s32 $0x0;
	s13 =	sadd.s32 @p1 $0x10, s15;
	[tilespmem:s15+$0x0] =	vst @p1 v29  }
0x1b2: {  	s16 =	smov.u32 @p1 s13;
	p1 =	por $0x1, $0x1;
	v28 =	vld.idx.msk [tilespmem:v28+s14+$0x0], $0xffff  }
.Ltmp51:
0x1b3: {  	_ = 	snop;
	(pc) =	sbr.rel @!p1 .LBB2_94-.Ltmp51, $3  }
0x1b4: {  	_ =	sdelay $0x1  }
0x1b5: {  	p3 =	por $0x0, $0x0;
	p0 =	por $0x0, $0x0  }
0x1b6: {  	p2 =	por $0x0, $0x0;
	s13 =	simm.s32 $0x10;
	s15 =	simm.s32 $0x6600;
	[tilespmem:s16+$0x0] =	vst v28;
	v28 =	vmov s14  }
0x1b7: {  	v29 =	vmul.u32 $0x27, v28;
	p4 =	por $0x1, $0x1  }
.Ltmp52:
0x1b8: {  	_ = 	snop;
	(pc) =	sbr.rel @!p4 .LBB2_96-.Ltmp52, $3  }
0x1b9: {  	v29 =	vadd.s32 v1, v29  }
0x1ba: {  	v29 =	vbroadcast v29, $0x0;
	_ =	sdelay $0x1  }
0x1bb: {  	v32 =	vmov s13;
	s16 =	simm.s32 $0x20;
	p2 =	por $0x1, $0x1;
	v29 =	vadd.s32 v13, v29  }
0x1bc: {  	v30 =	vmul.u32 $0x27, v32;
	p4 =	por $0x1, $0x1  }
.Ltmp53:
0x1bd: {  	_ = 	snop;
	(pc) =	sbr.rel @!p4 .LBB2_98-.Ltmp53, $3  }
0x1be: {  	v30 =	vadd.s32 v1, v30  }
0x1bf: {  	v31 =	vbroadcast v30, $0x0;
	_ =	sdelay $0x1  }
0x1c0: {  	v32 =	vmov s16;
	s16 =	simm.s32 $0x30;
	p3 =	por $0x1, $0x1;
	v30 =	vld.idx.msk [tilespmem:v29+s14+$0x0], $0xffff;
	v29 =	vadd.s32 v13, v31  }
0x1c1: {  	_ = 	snop  }
0x1c2: {  	v31 =	vmul.u32 $0x27, v32  }
0x1c3: {  	p5 =	por $0x1, $0x1  }
.Ltmp54:
0x1c4: {  	v31 =	vadd.s32 v1, v31;
	(pc) =	sbr.rel @!p5 .LBB2_100-.Ltmp54, $4  }
0x1c5: {  	v63 =	vbroadcast v31, $0x0;
	[tilespmem:s15+$0x0] =	vst v30  }
0x1c6: {  	v31 =	vld.idx.msk [tilespmem:v29+s14+$0x0], $0xffff  }
0x1c7: {  	v29 =	vadd.s32 v13, v63  }
0x1c8: {  	v32 =	vmov s16;
	s17 =	simm.s32 $0x40;
	p4 =	por $0x1, $0x1;
	s16 =	simm.s32 $0x6600  }
.LBB2_101:
0x1c9: {  	p5 =	sne.s32 s17, $0x1F0;
	v32 =	vmul.u32 $0x27, v32  }
0x1ca: {  	s16 =	sadd.s32 $0x10, s16  }
.Ltmp55:
0x1cb: {  	v32 =	vadd.s32 v1, v32;
	[tilespmem:s16+$0x0] =	vst v31;
	(pc) =	sbr.rel @p5 .LBB2_101-.Ltmp55, $3  }
0x1cc: {  	v32 =	vbroadcast v32, $0x0;
	v31 =	vld.idx.msk [tilespmem:v29+s14+$0x0], $0xffff;
	_ =	sdelay $0x1  }
0x1cd: {  	v29 =	vadd.s32 v13, v32  }
0x1ce: {  	v32 =	vmov s17;
	s17 =	sadd.s32 $0x10, s17  }
.LBB2_102:
0x1cf: {  	_ = 	snop  }
0x1d0: {  	v32 =	vmul.u32 $0x27, v32;
	s16 =	sadd.s32 @p4 $0x10, s16;
	s17 =	simm.s32 $0x6600  }
0x1d1: {  	s17 =	smov.u32 @p4 s16  }
0x1d2: {  	v32 =	vadd.s32 v1, v32;
	[tilespmem:s17+$0x0] =	vst @p3 v31  }
0x1d3: {  	v31 =	vbroadcast v32, $0x0;
	v29 =	vld.idx.msk @p2 [tilespmem:v29+s14+$0x0], $0xffff;
	_ =	sdelay $0x1  }
0x1d4: {  	v31 =	vadd.s32 v13, v31;
	_ =	sdelay $0x1  }
0x1d5: {  	s16 =	sadd.s32 @p3 $0x10, s17;
	s17 =	simm.s32 $0x6600  }
0x1d6: {  	s17 =	smov.u32 @p3 s16;
	v29 =	vpsel p2, v29, v30  }
0x1d7: {  	[tilespmem:s17+$0x0] =	vst @p2 v29  }
0x1d8: {  	v29 =	vld.idx.msk [tilespmem:v31+s14+$0x0], $0xffff  }
.Ltmp56:
0x1d9: {  	_ = 	snop;
	(pc) =	sbr.rel @!p1 .LBB2_103-.Ltmp56, $4  }
0x1da: {  	_ = 	snop  }
0x1db: {  	s14 =	sadd.s32 @p2 $0x10, s17  }
0x1dc: {  	s15 =	smov.u32 @p2 s14  }
0x1dd: {  	s16 =	simm.s32 $0x6800;
	[tilespmem:s15+$0x0] =	vst v29  }
0x1de: {  	v28 =	vmul.u32 $0x27, v28;
	p2 =	por $0x1, $0x1  }
.Ltmp57:
0x1df: {  	_ = 	snop;
	(pc) =	sbr.rel @!p2 .LBB2_105-.Ltmp57, $3  }
0x1e0: {  	v28 =	vadd.s32 v1, v28  }
0x1e1: {  	v28 =	vbroadcast v28, $0x0;
	_ =	sdelay $0x1  }
0x1e2: {  	s14 =	simm.s32 $0x20;
	p1 =	por $0x1, $0x1;
	v29 =	vadd.s32 v14, v28;
	v28 =	vmov s13  }
0x1e3: {  	v28 =	vmul.u32 $0x27, v28;
	p3 =	por $0x1, $0x1  }
.Ltmp58:
0x1e4: {  	_ = 	snop;
	(pc) =	sbr.rel @!p3 .LBB2_107-.Ltmp58, $4  }
0x1e5: {  	v28 =	vadd.s32 v1, v28  }
0x1e6: {  	v28 =	vbroadcast v28, $0x0  }
0x1e7: {  	s13 =	simm.s32 $0x0  }
0x1e8: {  	p2 =	por $0x1, $0x1;
	v30 =	vld.idx.msk [tilespmem:v29+s13+$0x0], $0xffff;
	v29 =	vadd.s32 v14, v28;
	v28 =	vmov s14;
	s14 =	simm.s32 $0x30  }
0x1e9: {  	_ = 	snop  }
0x1ea: {  	v28 =	vmul.u32 $0x27, v28  }
0x1eb: {  	p3 =	por $0x1, $0x1  }
.Ltmp59:
0x1ec: {  	v28 =	vadd.s32 v1, v28;
	(pc) =	sbr.rel @!p3 .LBB2_109-.Ltmp59, $4  }
0x1ed: {  	v28 =	vbroadcast v28, $0x0;
	[tilespmem:s16+$0x0] =	vst v30  }
0x1ee: {  	v31 =	vld.idx.msk [tilespmem:v29+s13+$0x0], $0xffff  }
0x1ef: {  	v29 =	vadd.s32 v14, v28  }
0x1f0: {  	p0 =	por $0x1, $0x1;
	v28 =	vmov s14;
	s14 =	simm.s32 $0x40;
	s13 =	simm.s32 $0x6800  }
.LBB2_110:
0x1f1: {  	p3 =	sne.s32 s14, $0x1F0;
	v28 =	vmul.u32 $0x27, v28  }
0x1f2: {  	s13 =	sadd.s32 $0x10, s13  }
.Ltmp60:
0x1f3: {  	s15 =	simm.s32 $0x0;
	v28 =	vadd.s32 v1, v28;
	[tilespmem:s13+$0x0] =	vst v31;
	(pc) =	sbr.rel @p3 .LBB2_110-.Ltmp60, $3  }
0x1f4: {  	v28 =	vbroadcast v28, $0x0;
	v31 =	vld.idx.msk [tilespmem:v29+s15+$0x0], $0xffff;
	_ =	sdelay $0x1  }
0x1f5: {  	v29 =	vadd.s32 v14, v28  }
0x1f6: {  	v28 =	vmov s14;
	s14 =	sadd.s32 $0x10, s14  }
.LBB2_111:
0x1f7: {  	_ = 	snop  }
0x1f8: {  	v28 =	vmul.u32 $0x27, v28;
	s13 =	sadd.s32 @p0 $0x10, s13;
	s14 =	simm.s32 $0x6800  }
0x1f9: {  	s14 =	smov.u32 @p0 s13  }
0x1fa: {  	s13 =	simm.s32 @p1 $0x0;
	v28 =	vadd.s32 v1, v28;
	[tilespmem:s14+$0x0] =	vst @p2 v31  }
0x1fb: {  	v28 =	vbroadcast v28, $0x0;
	v29 =	vld.idx.msk @p1 [tilespmem:v29+s13+$0x0], $0xffff;
	_ =	sdelay $0x1  }
0x1fc: {  	v28 =	vadd.s32 v14, v28;
	_ =	sdelay $0x1  }
0x1fd: {  	s15 =	simm.s32 $0x6800;
	s13 =	sadd.s32 @p2 $0x10, s14  }
0x1fe: {  	s15 =	smov.u32 @p2 s13;
	v29 =	vpsel p1, v29, v30  }
0x1ff: {  	s14 =	simm.s32 $0x0;
	s13 =	sadd.s32 @p1 $0x10, s15;
	[tilespmem:s15+$0x0] =	vst @p1 v29  }
0x200: {  	s16 =	smov.u32 @p1 s13;
	p1 =	por $0x1, $0x1;
	v28 =	vld.idx.msk [tilespmem:v28+s14+$0x0], $0xffff  }
.Ltmp61:
0x201: {  	_ = 	snop;
	(pc) =	sbr.rel @!p1 .LBB2_112-.Ltmp61, $3  }
0x202: {  	_ =	sdelay $0x1  }
0x203: {  	p3 =	por $0x0, $0x0;
	p0 =	por $0x0, $0x0  }
0x204: {  	p2 =	por $0x0, $0x0;
	s13 =	simm.s32 $0x10;
	s15 =	simm.s32 $0x6A00;
	[tilespmem:s16+$0x0] =	vst v28;
	v28 =	vmov s14  }
0x205: {  	v29 =	vmul.u32 $0x27, v28;
	p4 =	por $0x1, $0x1  }
.Ltmp62:
0x206: {  	_ = 	snop;
	(pc) =	sbr.rel @!p4 .LBB2_114-.Ltmp62, $3  }
0x207: {  	v29 =	vadd.s32 v1, v29  }
0x208: {  	v29 =	vbroadcast v29, $0x0;
	_ =	sdelay $0x1  }
0x209: {  	v32 =	vmov s13;
	s16 =	simm.s32 $0x20;
	p2 =	por $0x1, $0x1;
	v29 =	vadd.s32 v15, v29  }
0x20a: {  	v30 =	vmul.u32 $0x27, v32;
	p4 =	por $0x1, $0x1  }
.Ltmp63:
0x20b: {  	_ = 	snop;
	(pc) =	sbr.rel @!p4 .LBB2_116-.Ltmp63, $3  }
0x20c: {  	v30 =	vadd.s32 v1, v30  }
0x20d: {  	v31 =	vbroadcast v30, $0x0;
	_ =	sdelay $0x1  }
0x20e: {  	v32 =	vmov s16;
	s16 =	simm.s32 $0x30;
	p3 =	por $0x1, $0x1;
	v30 =	vld.idx.msk [tilespmem:v29+s14+$0x0], $0xffff;
	v29 =	vadd.s32 v15, v31  }
0x20f: {  	_ = 	snop  }
0x210: {  	v31 =	vmul.u32 $0x27, v32  }
0x211: {  	p5 =	por $0x1, $0x1  }
.Ltmp64:
0x212: {  	v31 =	vadd.s32 v1, v31;
	(pc) =	sbr.rel @!p5 .LBB2_118-.Ltmp64, $4  }
0x213: {  	v63 =	vbroadcast v31, $0x0;
	[tilespmem:s15+$0x0] =	vst v30  }
0x214: {  	v31 =	vld.idx.msk [tilespmem:v29+s14+$0x0], $0xffff  }
0x215: {  	v29 =	vadd.s32 v15, v63  }
0x216: {  	v32 =	vmov s16;
	s17 =	simm.s32 $0x40;
	p4 =	por $0x1, $0x1;
	s16 =	simm.s32 $0x6A00  }
.LBB2_119:
0x217: {  	p5 =	sne.s32 s17, $0x1F0;
	v32 =	vmul.u32 $0x27, v32  }
0x218: {  	s16 =	sadd.s32 $0x10, s16  }
.Ltmp65:
0x219: {  	v32 =	vadd.s32 v1, v32;
	[tilespmem:s16+$0x0] =	vst v31;
	(pc) =	sbr.rel @p5 .LBB2_119-.Ltmp65, $3  }
0x21a: {  	v32 =	vbroadcast v32, $0x0;
	v31 =	vld.idx.msk [tilespmem:v29+s14+$0x0], $0xffff;
	_ =	sdelay $0x1  }
0x21b: {  	v29 =	vadd.s32 v15, v32  }
0x21c: {  	v32 =	vmov s17;
	s17 =	sadd.s32 $0x10, s17  }
.LBB2_120:
0x21d: {  	_ = 	snop  }
0x21e: {  	v32 =	vmul.u32 $0x27, v32;
	s16 =	sadd.s32 @p4 $0x10, s16;
	s17 =	simm.s32 $0x6A00  }
0x21f: {  	s17 =	smov.u32 @p4 s16  }
0x220: {  	v32 =	vadd.s32 v1, v32;
	[tilespmem:s17+$0x0] =	vst @p3 v31  }
0x221: {  	v31 =	vbroadcast v32, $0x0;
	v29 =	vld.idx.msk @p2 [tilespmem:v29+s14+$0x0], $0xffff;
	_ =	sdelay $0x1  }
0x222: {  	v31 =	vadd.s32 v15, v31;
	_ =	sdelay $0x1  }
0x223: {  	s16 =	sadd.s32 @p3 $0x10, s17;
	s17 =	simm.s32 $0x6A00  }
0x224: {  	s17 =	smov.u32 @p3 s16;
	v29 =	vpsel p2, v29, v30  }
0x225: {  	[tilespmem:s17+$0x0] =	vst @p2 v29  }
0x226: {  	v29 =	vld.idx.msk [tilespmem:v31+s14+$0x0], $0xffff  }
.Ltmp66:
0x227: {  	_ = 	snop;
	(pc) =	sbr.rel @!p1 .LBB2_121-.Ltmp66, $4  }
0x228: {  	_ = 	snop  }
0x229: {  	s14 =	sadd.s32 @p2 $0x10, s17  }
0x22a: {  	s15 =	smov.u32 @p2 s14  }
0x22b: {  	s16 =	simm.s32 $0x6C00;
	[tilespmem:s15+$0x0] =	vst v29  }
0x22c: {  	v28 =	vmul.u32 $0x27, v28;
	p2 =	por $0x1, $0x1  }
.Ltmp67:
0x22d: {  	_ = 	snop;
	(pc) =	sbr.rel @!p2 .LBB2_123-.Ltmp67, $3  }
0x22e: {  	v28 =	vadd.s32 v1, v28  }
0x22f: {  	v28 =	vbroadcast v28, $0x0;
	_ =	sdelay $0x1  }
0x230: {  	s14 =	simm.s32 $0x20;
	p1 =	por $0x1, $0x1;
	v29 =	vadd.s32 v16, v28;
	v28 =	vmov s13  }
0x231: {  	v28 =	vmul.u32 $0x27, v28;
	p3 =	por $0x1, $0x1  }
.Ltmp68:
0x232: {  	_ = 	snop;
	(pc) =	sbr.rel @!p3 .LBB2_125-.Ltmp68, $4  }
0x233: {  	v28 =	vadd.s32 v1, v28  }
0x234: {  	v28 =	vbroadcast v28, $0x0  }
0x235: {  	s13 =	simm.s32 $0x0  }
0x236: {  	p2 =	por $0x1, $0x1;
	v30 =	vld.idx.msk [tilespmem:v29+s13+$0x0], $0xffff;
	v29 =	vadd.s32 v16, v28;
	v28 =	vmov s14;
	s14 =	simm.s32 $0x30  }
0x237: {  	_ = 	snop  }
0x238: {  	v28 =	vmul.u32 $0x27, v28  }
0x239: {  	p3 =	por $0x1, $0x1  }
.Ltmp69:
0x23a: {  	v28 =	vadd.s32 v1, v28;
	(pc) =	sbr.rel @!p3 .LBB2_127-.Ltmp69, $4  }
0x23b: {  	v28 =	vbroadcast v28, $0x0;
	[tilespmem:s16+$0x0] =	vst v30  }
0x23c: {  	v31 =	vld.idx.msk [tilespmem:v29+s13+$0x0], $0xffff  }
0x23d: {  	v29 =	vadd.s32 v16, v28  }
0x23e: {  	p0 =	por $0x1, $0x1;
	v28 =	vmov s14;
	s14 =	simm.s32 $0x40;
	s13 =	simm.s32 $0x6C00  }
.LBB2_128:
0x23f: {  	p3 =	sne.s32 s14, $0x1F0;
	v28 =	vmul.u32 $0x27, v28  }
0x240: {  	s13 =	sadd.s32 $0x10, s13  }
.Ltmp70:
0x241: {  	s15 =	simm.s32 $0x0;
	v28 =	vadd.s32 v1, v28;
	[tilespmem:s13+$0x0] =	vst v31;
	(pc) =	sbr.rel @p3 .LBB2_128-.Ltmp70, $3  }
0x242: {  	v28 =	vbroadcast v28, $0x0;
	v31 =	vld.idx.msk [tilespmem:v29+s15+$0x0], $0xffff;
	_ =	sdelay $0x1  }
0x243: {  	v29 =	vadd.s32 v16, v28  }
0x244: {  	v28 =	vmov s14;
	s14 =	sadd.s32 $0x10, s14  }
.LBB2_129:
0x245: {  	_ = 	snop  }
0x246: {  	v28 =	vmul.u32 $0x27, v28;
	s13 =	sadd.s32 @p0 $0x10, s13;
	s14 =	simm.s32 $0x6C00  }
0x247: {  	s14 =	smov.u32 @p0 s13  }
0x248: {  	s13 =	simm.s32 @p1 $0x0;
	v28 =	vadd.s32 v1, v28;
	[tilespmem:s14+$0x0] =	vst @p2 v31  }
0x249: {  	v28 =	vbroadcast v28, $0x0;
	v29 =	vld.idx.msk @p1 [tilespmem:v29+s13+$0x0], $0xffff;
	_ =	sdelay $0x1  }
0x24a: {  	v28 =	vadd.s32 v16, v28;
	_ =	sdelay $0x1  }
0x24b: {  	s15 =	simm.s32 $0x6C00;
	s13 =	sadd.s32 @p2 $0x10, s14  }
0x24c: {  	s15 =	smov.u32 @p2 s13;
	v29 =	vpsel p1, v29, v30  }
0x24d: {  	s14 =	simm.s32 $0x0;
	s13 =	sadd.s32 @p1 $0x10, s15;
	[tilespmem:s15+$0x0] =	vst @p1 v29  }
0x24e: {  	s16 =	smov.u32 @p1 s13;
	p1 =	por $0x1, $0x1;
	v28 =	vld.idx.msk [tilespmem:v28+s14+$0x0], $0xffff  }
.Ltmp71:
0x24f: {  	_ = 	snop;
	(pc) =	sbr.rel @!p1 .LBB2_130-.Ltmp71, $3  }
0x250: {  	_ =	sdelay $0x1  }
0x251: {  	p3 =	por $0x0, $0x0;
	p0 =	por $0x0, $0x0  }
0x252: {  	p2 =	por $0x0, $0x0;
	s13 =	simm.s32 $0x10;
	s15 =	simm.s32 $0x6E00;
	[tilespmem:s16+$0x0] =	vst v28;
	v28 =	vmov s14  }
0x253: {  	v29 =	vmul.u32 $0x27, v28;
	p4 =	por $0x1, $0x1  }
.Ltmp72:
0x254: {  	_ = 	snop;
	(pc) =	sbr.rel @!p4 .LBB2_132-.Ltmp72, $3  }
0x255: {  	v29 =	vadd.s32 v1, v29  }
0x256: {  	v29 =	vbroadcast v29, $0x0;
	_ =	sdelay $0x1  }
0x257: {  	v32 =	vmov s13;
	s16 =	simm.s32 $0x20;
	p2 =	por $0x1, $0x1;
	v29 =	vadd.s32 v17, v29  }
0x258: {  	v30 =	vmul.u32 $0x27, v32;
	p4 =	por $0x1, $0x1  }
.Ltmp73:
0x259: {  	_ = 	snop;
	(pc) =	sbr.rel @!p4 .LBB2_134-.Ltmp73, $3  }
0x25a: {  	v30 =	vadd.s32 v1, v30  }
0x25b: {  	v31 =	vbroadcast v30, $0x0;
	_ =	sdelay $0x1  }
0x25c: {  	v32 =	vmov s16;
	s16 =	simm.s32 $0x30;
	p3 =	por $0x1, $0x1;
	v30 =	vld.idx.msk [tilespmem:v29+s14+$0x0], $0xffff;
	v29 =	vadd.s32 v17, v31  }
0x25d: {  	_ = 	snop  }
0x25e: {  	v31 =	vmul.u32 $0x27, v32  }
0x25f: {  	p5 =	por $0x1, $0x1  }
.Ltmp74:
0x260: {  	v31 =	vadd.s32 v1, v31;
	(pc) =	sbr.rel @!p5 .LBB2_136-.Ltmp74, $4  }
0x261: {  	v63 =	vbroadcast v31, $0x0;
	[tilespmem:s15+$0x0] =	vst v30  }
0x262: {  	v31 =	vld.idx.msk [tilespmem:v29+s14+$0x0], $0xffff  }
0x263: {  	v29 =	vadd.s32 v17, v63  }
0x264: {  	v32 =	vmov s16;
	s17 =	simm.s32 $0x40;
	p4 =	por $0x1, $0x1;
	s16 =	simm.s32 $0x6E00  }
.LBB2_137:
0x265: {  	p5 =	sne.s32 s17, $0x1F0;
	v32 =	vmul.u32 $0x27, v32  }
0x266: {  	s16 =	sadd.s32 $0x10, s16  }
.Ltmp75:
0x267: {  	v32 =	vadd.s32 v1, v32;
	[tilespmem:s16+$0x0] =	vst v31;
	(pc) =	sbr.rel @p5 .LBB2_137-.Ltmp75, $3  }
0x268: {  	v32 =	vbroadcast v32, $0x0;
	v31 =	vld.idx.msk [tilespmem:v29+s14+$0x0], $0xffff;
	_ =	sdelay $0x1  }
0x269: {  	v29 =	vadd.s32 v17, v32  }
0x26a: {  	v32 =	vmov s17;
	s17 =	sadd.s32 $0x10, s17  }
.LBB2_138:
0x26b: {  	_ = 	snop  }
0x26c: {  	v32 =	vmul.u32 $0x27, v32;
	s16 =	sadd.s32 @p4 $0x10, s16;
	s17 =	simm.s32 $0x6E00  }
0x26d: {  	s17 =	smov.u32 @p4 s16  }
0x26e: {  	v32 =	vadd.s32 v1, v32;
	[tilespmem:s17+$0x0] =	vst @p3 v31  }
0x26f: {  	v31 =	vbroadcast v32, $0x0;
	v29 =	vld.idx.msk @p2 [tilespmem:v29+s14+$0x0], $0xffff;
	_ =	sdelay $0x1  }
0x270: {  	v31 =	vadd.s32 v17, v31;
	_ =	sdelay $0x1  }
0x271: {  	s16 =	sadd.s32 @p3 $0x10, s17;
	s17 =	simm.s32 $0x6E00  }
0x272: {  	s17 =	smov.u32 @p3 s16;
	v29 =	vpsel p2, v29, v30  }
0x273: {  	[tilespmem:s17+$0x0] =	vst @p2 v29  }
0x274: {  	v29 =	vld.idx.msk [tilespmem:v31+s14+$0x0], $0xffff  }
.Ltmp76:
0x275: {  	_ = 	snop;
	(pc) =	sbr.rel @!p1 .LBB2_139-.Ltmp76, $4  }
0x276: {  	_ = 	snop  }
0x277: {  	s14 =	sadd.s32 @p2 $0x10, s17  }
0x278: {  	s15 =	smov.u32 @p2 s14  }
0x279: {  	s16 =	simm.s32 $0x7000;
	[tilespmem:s15+$0x0] =	vst v29  }
0x27a: {  	v28 =	vmul.u32 $0x27, v28;
	p2 =	por $0x1, $0x1  }
.Ltmp77:
0x27b: {  	_ = 	snop;
	(pc) =	sbr.rel @!p2 .LBB2_141-.Ltmp77, $3  }
0x27c: {  	v28 =	vadd.s32 v1, v28  }
0x27d: {  	v28 =	vbroadcast v28, $0x0;
	_ =	sdelay $0x1  }
0x27e: {  	s14 =	simm.s32 $0x20;
	p1 =	por $0x1, $0x1;
	v29 =	vadd.s32 v18, v28;
	v28 =	vmov s13  }
0x27f: {  	v28 =	vmul.u32 $0x27, v28;
	p3 =	por $0x1, $0x1  }
.Ltmp78:
0x280: {  	_ = 	snop;
	(pc) =	sbr.rel @!p3 .LBB2_143-.Ltmp78, $4  }
0x281: {  	v28 =	vadd.s32 v1, v28  }
0x282: {  	v28 =	vbroadcast v28, $0x0  }
0x283: {  	s13 =	simm.s32 $0x0  }
0x284: {  	p2 =	por $0x1, $0x1;
	v30 =	vld.idx.msk [tilespmem:v29+s13+$0x0], $0xffff;
	v29 =	vadd.s32 v18, v28;
	v28 =	vmov s14;
	s14 =	simm.s32 $0x30  }
0x285: {  	_ = 	snop  }
0x286: {  	v28 =	vmul.u32 $0x27, v28  }
0x287: {  	p3 =	por $0x1, $0x1  }
.Ltmp79:
0x288: {  	v28 =	vadd.s32 v1, v28;
	(pc) =	sbr.rel @!p3 .LBB2_145-.Ltmp79, $4  }
0x289: {  	v28 =	vbroadcast v28, $0x0;
	[tilespmem:s16+$0x0] =	vst v30  }
0x28a: {  	v31 =	vld.idx.msk [tilespmem:v29+s13+$0x0], $0xffff  }
0x28b: {  	v29 =	vadd.s32 v18, v28  }
0x28c: {  	p0 =	por $0x1, $0x1;
	v28 =	vmov s14;
	s14 =	simm.s32 $0x40;
	s13 =	simm.s32 $0x7000  }
.LBB2_146:
0x28d: {  	p3 =	sne.s32 s14, $0x1F0;
	v28 =	vmul.u32 $0x27, v28  }
0x28e: {  	s13 =	sadd.s32 $0x10, s13  }
.Ltmp80:
0x28f: {  	s15 =	simm.s32 $0x0;
	v28 =	vadd.s32 v1, v28;
	[tilespmem:s13+$0x0] =	vst v31;
	(pc) =	sbr.rel @p3 .LBB2_146-.Ltmp80, $3  }
0x290: {  	v28 =	vbroadcast v28, $0x0;
	v31 =	vld.idx.msk [tilespmem:v29+s15+$0x0], $0xffff;
	_ =	sdelay $0x1  }
0x291: {  	v29 =	vadd.s32 v18, v28  }
0x292: {  	v28 =	vmov s14;
	s14 =	sadd.s32 $0x10, s14  }
.LBB2_147:
0x293: {  	_ = 	snop  }
0x294: {  	v28 =	vmul.u32 $0x27, v28;
	s13 =	sadd.s32 @p0 $0x10, s13;
	s14 =	simm.s32 $0x7000  }
0x295: {  	s14 =	smov.u32 @p0 s13  }
0x296: {  	s13 =	simm.s32 @p1 $0x0;
	v28 =	vadd.s32 v1, v28;
	[tilespmem:s14+$0x0] =	vst @p2 v31  }
0x297: {  	v28 =	vbroadcast v28, $0x0;
	v29 =	vld.idx.msk @p1 [tilespmem:v29+s13+$0x0], $0xffff;
	_ =	sdelay $0x1  }
0x298: {  	v28 =	vadd.s32 v18, v28;
	_ =	sdelay $0x1  }
0x299: {  	s15 =	simm.s32 $0x7000;
	s13 =	sadd.s32 @p2 $0x10, s14  }
0x29a: {  	s15 =	smov.u32 @p2 s13;
	v29 =	vpsel p1, v29, v30  }
0x29b: {  	s14 =	simm.s32 $0x0;
	s13 =	sadd.s32 @p1 $0x10, s15;
	[tilespmem:s15+$0x0] =	vst @p1 v29  }
0x29c: {  	s16 =	smov.u32 @p1 s13;
	p1 =	por $0x1, $0x1;
	v28 =	vld.idx.msk [tilespmem:v28+s14+$0x0], $0xffff  }
.Ltmp81:
0x29d: {  	_ = 	snop;
	(pc) =	sbr.rel @!p1 .LBB2_148-.Ltmp81, $3  }
0x29e: {  	_ =	sdelay $0x1  }
0x29f: {  	p3 =	por $0x0, $0x0;
	p0 =	por $0x0, $0x0  }
0x2a0: {  	p2 =	por $0x0, $0x0;
	s13 =	simm.s32 $0x10;
	s15 =	simm.s32 $0x7200;
	[tilespmem:s16+$0x0] =	vst v28;
	v28 =	vmov s14  }
0x2a1: {  	v29 =	vmul.u32 $0x27, v28;
	p4 =	por $0x1, $0x1  }
.Ltmp82:
0x2a2: {  	_ = 	snop;
	(pc) =	sbr.rel @!p4 .LBB2_150-.Ltmp82, $3  }
0x2a3: {  	v29 =	vadd.s32 v1, v29  }
0x2a4: {  	v29 =	vbroadcast v29, $0x0;
	_ =	sdelay $0x1  }
0x2a5: {  	v32 =	vmov s13;
	s16 =	simm.s32 $0x20;
	p2 =	por $0x1, $0x1;
	v29 =	vadd.s32 v19, v29  }
0x2a6: {  	v30 =	vmul.u32 $0x27, v32;
	p4 =	por $0x1, $0x1  }
.Ltmp83:
0x2a7: {  	_ = 	snop;
	(pc) =	sbr.rel @!p4 .LBB2_152-.Ltmp83, $3  }
0x2a8: {  	v30 =	vadd.s32 v1, v30  }
0x2a9: {  	v31 =	vbroadcast v30, $0x0;
	_ =	sdelay $0x1  }
0x2aa: {  	v32 =	vmov s16;
	s16 =	simm.s32 $0x30;
	p3 =	por $0x1, $0x1;
	v30 =	vld.idx.msk [tilespmem:v29+s14+$0x0], $0xffff;
	v29 =	vadd.s32 v19, v31  }
0x2ab: {  	_ = 	snop  }
0x2ac: {  	v31 =	vmul.u32 $0x27, v32  }
0x2ad: {  	p5 =	por $0x1, $0x1  }
.Ltmp84:
0x2ae: {  	v31 =	vadd.s32 v1, v31;
	(pc) =	sbr.rel @!p5 .LBB2_154-.Ltmp84, $4  }
0x2af: {  	v63 =	vbroadcast v31, $0x0;
	[tilespmem:s15+$0x0] =	vst v30  }
0x2b0: {  	v31 =	vld.idx.msk [tilespmem:v29+s14+$0x0], $0xffff  }
0x2b1: {  	v29 =	vadd.s32 v19, v63  }
0x2b2: {  	v32 =	vmov s16;
	s17 =	simm.s32 $0x40;
	p4 =	por $0x1, $0x1;
	s16 =	simm.s32 $0x7200  }
.LBB2_155:
0x2b3: {  	p5 =	sne.s32 s17, $0x1F0;
	v32 =	vmul.u32 $0x27, v32  }
0x2b4: {  	s16 =	sadd.s32 $0x10, s16  }
.Ltmp85:
0x2b5: {  	v32 =	vadd.s32 v1, v32;
	[tilespmem:s16+$0x0] =	vst v31;
	(pc) =	sbr.rel @p5 .LBB2_155-.Ltmp85, $3  }
0x2b6: {  	v32 =	vbroadcast v32, $0x0;
	v31 =	vld.idx.msk [tilespmem:v29+s14+$0x0], $0xffff;
	_ =	sdelay $0x1  }
0x2b7: {  	v29 =	vadd.s32 v19, v32  }
0x2b8: {  	v32 =	vmov s17;
	s17 =	sadd.s32 $0x10, s17  }
.LBB2_156:
0x2b9: {  	_ = 	snop  }
0x2ba: {  	v32 =	vmul.u32 $0x27, v32;
	s16 =	sadd.s32 @p4 $0x10, s16;
	s17 =	simm.s32 $0x7200  }
0x2bb: {  	s17 =	smov.u32 @p4 s16  }
0x2bc: {  	v32 =	vadd.s32 v1, v32;
	[tilespmem:s17+$0x0] =	vst @p3 v31  }
0x2bd: {  	v31 =	vbroadcast v32, $0x0;
	v29 =	vld.idx.msk @p2 [tilespmem:v29+s14+$0x0], $0xffff;
	_ =	sdelay $0x1  }
0x2be: {  	v31 =	vadd.s32 v19, v31;
	_ =	sdelay $0x1  }
0x2bf: {  	s16 =	sadd.s32 @p3 $0x10, s17;
	s17 =	simm.s32 $0x7200  }
0x2c0: {  	s17 =	smov.u32 @p3 s16;
	v29 =	vpsel p2, v29, v30  }
0x2c1: {  	[tilespmem:s17+$0x0] =	vst @p2 v29  }
0x2c2: {  	v29 =	vld.idx.msk [tilespmem:v31+s14+$0x0], $0xffff  }
.Ltmp86:
0x2c3: {  	_ = 	snop;
	(pc) =	sbr.rel @!p1 .LBB2_157-.Ltmp86, $4  }
0x2c4: {  	_ = 	snop  }
0x2c5: {  	s14 =	sadd.s32 @p2 $0x10, s17  }
0x2c6: {  	s15 =	smov.u32 @p2 s14  }
0x2c7: {  	s16 =	simm.s32 $0x7400;
	[tilespmem:s15+$0x0] =	vst v29  }
0x2c8: {  	v28 =	vmul.u32 $0x27, v28;
	p2 =	por $0x1, $0x1  }
.Ltmp87:
0x2c9: {  	_ = 	snop;
	(pc) =	sbr.rel @!p2 .LBB2_159-.Ltmp87, $3  }
0x2ca: {  	v28 =	vadd.s32 v1, v28  }
0x2cb: {  	v28 =	vbroadcast v28, $0x0;
	_ =	sdelay $0x1  }
0x2cc: {  	s14 =	simm.s32 $0x20;
	p1 =	por $0x1, $0x1;
	v29 =	vadd.s32 v20, v28;
	v28 =	vmov s13  }
0x2cd: {  	v28 =	vmul.u32 $0x27, v28;
	p3 =	por $0x1, $0x1  }
.Ltmp88:
0x2ce: {  	_ = 	snop;
	(pc) =	sbr.rel @!p3 .LBB2_161-.Ltmp88, $4  }
0x2cf: {  	v28 =	vadd.s32 v1, v28  }
0x2d0: {  	v28 =	vbroadcast v28, $0x0  }
0x2d1: {  	s13 =	simm.s32 $0x0  }
0x2d2: {  	p2 =	por $0x1, $0x1;
	v30 =	vld.idx.msk [tilespmem:v29+s13+$0x0], $0xffff;
	v29 =	vadd.s32 v20, v28;
	v28 =	vmov s14;
	s14 =	simm.s32 $0x30  }
0x2d3: {  	_ = 	snop  }
0x2d4: {  	v28 =	vmul.u32 $0x27, v28  }
0x2d5: {  	p3 =	por $0x1, $0x1  }
.Ltmp89:
0x2d6: {  	v28 =	vadd.s32 v1, v28;
	(pc) =	sbr.rel @!p3 .LBB2_163-.Ltmp89, $4  }
0x2d7: {  	v28 =	vbroadcast v28, $0x0;
	[tilespmem:s16+$0x0] =	vst v30  }
0x2d8: {  	v31 =	vld.idx.msk [tilespmem:v29+s13+$0x0], $0xffff  }
0x2d9: {  	v29 =	vadd.s32 v20, v28  }
0x2da: {  	p0 =	por $0x1, $0x1;
	v28 =	vmov s14;
	s14 =	simm.s32 $0x40;
	s13 =	simm.s32 $0x7400  }
.LBB2_164:
0x2db: {  	p3 =	sne.s32 s14, $0x1F0;
	v28 =	vmul.u32 $0x27, v28  }
0x2dc: {  	s13 =	sadd.s32 $0x10, s13  }
.Ltmp90:
0x2dd: {  	s15 =	simm.s32 $0x0;
	v28 =	vadd.s32 v1, v28;
	[tilespmem:s13+$0x0] =	vst v31;
	(pc) =	sbr.rel @p3 .LBB2_164-.Ltmp90, $3  }
0x2de: {  	v28 =	vbroadcast v28, $0x0;
	v31 =	vld.idx.msk [tilespmem:v29+s15+$0x0], $0xffff;
	_ =	sdelay $0x1  }
0x2df: {  	v29 =	vadd.s32 v20, v28  }
0x2e0: {  	v28 =	vmov s14;
	s14 =	sadd.s32 $0x10, s14  }
.LBB2_165:
0x2e1: {  	_ = 	snop  }
0x2e2: {  	v28 =	vmul.u32 $0x27, v28;
	s13 =	sadd.s32 @p0 $0x10, s13;
	s14 =	simm.s32 $0x7400  }
0x2e3: {  	s14 =	smov.u32 @p0 s13  }
0x2e4: {  	s13 =	simm.s32 @p1 $0x0;
	v28 =	vadd.s32 v1, v28;
	[tilespmem:s14+$0x0] =	vst @p2 v31  }
0x2e5: {  	v28 =	vbroadcast v28, $0x0;
	v29 =	vld.idx.msk @p1 [tilespmem:v29+s13+$0x0], $0xffff;
	_ =	sdelay $0x1  }
0x2e6: {  	v28 =	vadd.s32 v20, v28;
	_ =	sdelay $0x1  }
0x2e7: {  	s15 =	simm.s32 $0x7400;
	s13 =	sadd.s32 @p2 $0x10, s14  }
0x2e8: {  	s15 =	smov.u32 @p2 s13;
	v29 =	vpsel p1, v29, v30  }
0x2e9: {  	s14 =	simm.s32 $0x0;
	s13 =	sadd.s32 @p1 $0x10, s15;
	[tilespmem:s15+$0x0] =	vst @p1 v29  }
0x2ea: {  	s16 =	smov.u32 @p1 s13;
	p1 =	por $0x1, $0x1;
	v28 =	vld.idx.msk [tilespmem:v28+s14+$0x0], $0xffff  }
.Ltmp91:
0x2eb: {  	_ = 	snop;
	(pc) =	sbr.rel @!p1 .LBB2_166-.Ltmp91, $3  }
0x2ec: {  	_ =	sdelay $0x1  }
0x2ed: {  	p3 =	por $0x0, $0x0;
	p0 =	por $0x0, $0x0  }
0x2ee: {  	p2 =	por $0x0, $0x0;
	s13 =	simm.s32 $0x10;
	s15 =	simm.s32 $0x7600;
	[tilespmem:s16+$0x0] =	vst v28;
	v28 =	vmov s14  }
0x2ef: {  	v29 =	vmul.u32 $0x27, v28;
	p4 =	por $0x1, $0x1  }
.Ltmp92:
0x2f0: {  	_ = 	snop;
	(pc) =	sbr.rel @!p4 .LBB2_168-.Ltmp92, $3  }
0x2f1: {  	v29 =	vadd.s32 v1, v29  }
0x2f2: {  	v29 =	vbroadcast v29, $0x0;
	_ =	sdelay $0x1  }
0x2f3: {  	v32 =	vmov s13;
	s16 =	simm.s32 $0x20;
	p2 =	por $0x1, $0x1;
	v29 =	vadd.s32 v21, v29  }
0x2f4: {  	v30 =	vmul.u32 $0x27, v32;
	p4 =	por $0x1, $0x1  }
.Ltmp93:
0x2f5: {  	_ = 	snop;
	(pc) =	sbr.rel @!p4 .LBB2_170-.Ltmp93, $3  }
0x2f6: {  	v30 =	vadd.s32 v1, v30  }
0x2f7: {  	v31 =	vbroadcast v30, $0x0;
	_ =	sdelay $0x1  }
0x2f8: {  	v32 =	vmov s16;
	s16 =	simm.s32 $0x30;
	p3 =	por $0x1, $0x1;
	v30 =	vld.idx.msk [tilespmem:v29+s14+$0x0], $0xffff;
	v29 =	vadd.s32 v21, v31  }
0x2f9: {  	_ = 	snop  }
0x2fa: {  	v31 =	vmul.u32 $0x27, v32  }
0x2fb: {  	p5 =	por $0x1, $0x1  }
.Ltmp94:
0x2fc: {  	v31 =	vadd.s32 v1, v31;
	(pc) =	sbr.rel @!p5 .LBB2_172-.Ltmp94, $4  }
0x2fd: {  	v63 =	vbroadcast v31, $0x0;
	[tilespmem:s15+$0x0] =	vst v30  }
0x2fe: {  	v31 =	vld.idx.msk [tilespmem:v29+s14+$0x0], $0xffff  }
0x2ff: {  	v29 =	vadd.s32 v21, v63  }
0x300: {  	v32 =	vmov s16;
	s17 =	simm.s32 $0x40;
	p4 =	por $0x1, $0x1;
	s16 =	simm.s32 $0x7600  }
.LBB2_173:
0x301: {  	p5 =	sne.s32 s17, $0x1F0;
	v32 =	vmul.u32 $0x27, v32  }
0x302: {  	s16 =	sadd.s32 $0x10, s16  }
.Ltmp95:
0x303: {  	v32 =	vadd.s32 v1, v32;
	[tilespmem:s16+$0x0] =	vst v31;
	(pc) =	sbr.rel @p5 .LBB2_173-.Ltmp95, $3  }
0x304: {  	v32 =	vbroadcast v32, $0x0;
	v31 =	vld.idx.msk [tilespmem:v29+s14+$0x0], $0xffff;
	_ =	sdelay $0x1  }
0x305: {  	v29 =	vadd.s32 v21, v32  }
0x306: {  	v32 =	vmov s17;
	s17 =	sadd.s32 $0x10, s17  }
.LBB2_174:
0x307: {  	_ = 	snop  }
0x308: {  	v32 =	vmul.u32 $0x27, v32;
	s16 =	sadd.s32 @p4 $0x10, s16;
	s17 =	simm.s32 $0x7600  }
0x309: {  	s17 =	smov.u32 @p4 s16  }
0x30a: {  	v32 =	vadd.s32 v1, v32;
	[tilespmem:s17+$0x0] =	vst @p3 v31  }
0x30b: {  	v31 =	vbroadcast v32, $0x0;
	v29 =	vld.idx.msk @p2 [tilespmem:v29+s14+$0x0], $0xffff;
	_ =	sdelay $0x1  }
0x30c: {  	v31 =	vadd.s32 v21, v31;
	_ =	sdelay $0x1  }
0x30d: {  	s16 =	sadd.s32 @p3 $0x10, s17;
	s17 =	simm.s32 $0x7600  }
0x30e: {  	s17 =	smov.u32 @p3 s16;
	v29 =	vpsel p2, v29, v30  }
0x30f: {  	[tilespmem:s17+$0x0] =	vst @p2 v29  }
0x310: {  	v29 =	vld.idx.msk [tilespmem:v31+s14+$0x0], $0xffff  }
.Ltmp96:
0x311: {  	_ = 	snop;
	(pc) =	sbr.rel @!p1 .LBB2_175-.Ltmp96, $4  }
0x312: {  	_ = 	snop  }
0x313: {  	s14 =	sadd.s32 @p2 $0x10, s17  }
0x314: {  	s15 =	smov.u32 @p2 s14  }
0x315: {  	s16 =	simm.s32 $0x7800;
	[tilespmem:s15+$0x0] =	vst v29  }
0x316: {  	v28 =	vmul.u32 $0x27, v28;
	p2 =	por $0x1, $0x1  }
.Ltmp97:
0x317: {  	_ = 	snop;
	(pc) =	sbr.rel @!p2 .LBB2_177-.Ltmp97, $3  }
0x318: {  	v28 =	vadd.s32 v1, v28  }
0x319: {  	v28 =	vbroadcast v28, $0x0;
	_ =	sdelay $0x1  }
0x31a: {  	s14 =	simm.s32 $0x20;
	p1 =	por $0x1, $0x1;
	v29 =	vadd.s32 v22, v28;
	v28 =	vmov s13  }
0x31b: {  	v28 =	vmul.u32 $0x27, v28;
	p3 =	por $0x1, $0x1  }
.Ltmp98:
0x31c: {  	_ = 	snop;
	(pc) =	sbr.rel @!p3 .LBB2_179-.Ltmp98, $4  }
0x31d: {  	v28 =	vadd.s32 v1, v28  }
0x31e: {  	v28 =	vbroadcast v28, $0x0  }
0x31f: {  	s13 =	simm.s32 $0x0  }
0x320: {  	p2 =	por $0x1, $0x1;
	v30 =	vld.idx.msk [tilespmem:v29+s13+$0x0], $0xffff;
	v29 =	vadd.s32 v22, v28;
	v28 =	vmov s14;
	s14 =	simm.s32 $0x30  }
0x321: {  	_ = 	snop  }
0x322: {  	v28 =	vmul.u32 $0x27, v28  }
0x323: {  	p3 =	por $0x1, $0x1  }
.Ltmp99:
0x324: {  	v28 =	vadd.s32 v1, v28;
	(pc) =	sbr.rel @!p3 .LBB2_181-.Ltmp99, $4  }
0x325: {  	v28 =	vbroadcast v28, $0x0;
	[tilespmem:s16+$0x0] =	vst v30  }
0x326: {  	v31 =	vld.idx.msk [tilespmem:v29+s13+$0x0], $0xffff  }
0x327: {  	v29 =	vadd.s32 v22, v28  }
0x328: {  	p0 =	por $0x1, $0x1;
	v28 =	vmov s14;
	s14 =	simm.s32 $0x40;
	s13 =	simm.s32 $0x7800  }
.LBB2_182:
0x329: {  	p3 =	sne.s32 s14, $0x1F0;
	v28 =	vmul.u32 $0x27, v28  }
0x32a: {  	s13 =	sadd.s32 $0x10, s13  }
.Ltmp100:
0x32b: {  	s15 =	simm.s32 $0x0;
	v28 =	vadd.s32 v1, v28;
	[tilespmem:s13+$0x0] =	vst v31;
	(pc) =	sbr.rel @p3 .LBB2_182-.Ltmp100, $3  }
0x32c: {  	v28 =	vbroadcast v28, $0x0;
	v31 =	vld.idx.msk [tilespmem:v29+s15+$0x0], $0xffff;
	_ =	sdelay $0x1  }
0x32d: {  	v29 =	vadd.s32 v22, v28  }
0x32e: {  	v28 =	vmov s14;
	s14 =	sadd.s32 $0x10, s14  }
.LBB2_183:
0x32f: {  	_ = 	snop  }
0x330: {  	v28 =	vmul.u32 $0x27, v28;
	s13 =	sadd.s32 @p0 $0x10, s13;
	s14 =	simm.s32 $0x7800  }
0x331: {  	s14 =	smov.u32 @p0 s13  }
0x332: {  	s13 =	simm.s32 @p1 $0x0;
	v28 =	vadd.s32 v1, v28;
	[tilespmem:s14+$0x0] =	vst @p2 v31  }
0x333: {  	v28 =	vbroadcast v28, $0x0;
	v29 =	vld.idx.msk @p1 [tilespmem:v29+s13+$0x0], $0xffff;
	_ =	sdelay $0x1  }
0x334: {  	v28 =	vadd.s32 v22, v28;
	_ =	sdelay $0x1  }
0x335: {  	s15 =	simm.s32 $0x7800;
	s13 =	sadd.s32 @p2 $0x10, s14  }
0x336: {  	s15 =	smov.u32 @p2 s13;
	v29 =	vpsel p1, v29, v30  }
0x337: {  	s14 =	simm.s32 $0x0;
	s13 =	sadd.s32 @p1 $0x10, s15;
	[tilespmem:s15+$0x0] =	vst @p1 v29  }
0x338: {  	s16 =	smov.u32 @p1 s13;
	p1 =	por $0x1, $0x1;
	v28 =	vld.idx.msk [tilespmem:v28+s14+$0x0], $0xffff  }
.Ltmp101:
0x339: {  	_ = 	snop;
	(pc) =	sbr.rel @!p1 .LBB2_184-.Ltmp101, $3  }
0x33a: {  	_ =	sdelay $0x1  }
0x33b: {  	p3 =	por $0x0, $0x0;
	p0 =	por $0x0, $0x0  }
0x33c: {  	p2 =	por $0x0, $0x0;
	s13 =	simm.s32 $0x10;
	s15 =	simm.s32 $0x7A00;
	[tilespmem:s16+$0x0] =	vst v28;
	v28 =	vmov s14  }
0x33d: {  	v29 =	vmul.u32 $0x27, v28;
	p4 =	por $0x1, $0x1  }
.Ltmp102:
0x33e: {  	_ = 	snop;
	(pc) =	sbr.rel @!p4 .LBB2_186-.Ltmp102, $3  }
0x33f: {  	v29 =	vadd.s32 v1, v29  }
0x340: {  	v29 =	vbroadcast v29, $0x0;
	_ =	sdelay $0x1  }
0x341: {  	v32 =	vmov s13;
	s16 =	simm.s32 $0x20;
	p2 =	por $0x1, $0x1;
	v29 =	vadd.s32 v23, v29  }
0x342: {  	v30 =	vmul.u32 $0x27, v32;
	p4 =	por $0x1, $0x1  }
.Ltmp103:
0x343: {  	_ = 	snop;
	(pc) =	sbr.rel @!p4 .LBB2_188-.Ltmp103, $3  }
0x344: {  	v30 =	vadd.s32 v1, v30  }
0x345: {  	v31 =	vbroadcast v30, $0x0;
	_ =	sdelay $0x1  }
0x346: {  	v32 =	vmov s16;
	s16 =	simm.s32 $0x30;
	p3 =	por $0x1, $0x1;
	v30 =	vld.idx.msk [tilespmem:v29+s14+$0x0], $0xffff;
	v29 =	vadd.s32 v23, v31  }
0x347: {  	_ = 	snop  }
0x348: {  	v31 =	vmul.u32 $0x27, v32  }
0x349: {  	p5 =	por $0x1, $0x1  }
.Ltmp104:
0x34a: {  	v31 =	vadd.s32 v1, v31;
	(pc) =	sbr.rel @!p5 .LBB2_190-.Ltmp104, $4  }
0x34b: {  	v63 =	vbroadcast v31, $0x0;
	[tilespmem:s15+$0x0] =	vst v30  }
0x34c: {  	v31 =	vld.idx.msk [tilespmem:v29+s14+$0x0], $0xffff  }
0x34d: {  	v29 =	vadd.s32 v23, v63  }
0x34e: {  	v32 =	vmov s16;
	s17 =	simm.s32 $0x40;
	p4 =	por $0x1, $0x1;
	s16 =	simm.s32 $0x7A00  }
.LBB2_191:
0x34f: {  	p5 =	sne.s32 s17, $0x1F0;
	v32 =	vmul.u32 $0x27, v32  }
0x350: {  	s16 =	sadd.s32 $0x10, s16  }
.Ltmp105:
0x351: {  	v32 =	vadd.s32 v1, v32;
	[tilespmem:s16+$0x0] =	vst v31;
	(pc) =	sbr.rel @p5 .LBB2_191-.Ltmp105, $3  }
0x352: {  	v32 =	vbroadcast v32, $0x0;
	v31 =	vld.idx.msk [tilespmem:v29+s14+$0x0], $0xffff;
	_ =	sdelay $0x1  }
0x353: {  	v29 =	vadd.s32 v23, v32  }
0x354: {  	v32 =	vmov s17;
	s17 =	sadd.s32 $0x10, s17  }
.LBB2_192:
0x355: {  	_ = 	snop  }
0x356: {  	v32 =	vmul.u32 $0x27, v32;
	s16 =	sadd.s32 @p4 $0x10, s16;
	s17 =	simm.s32 $0x7A00  }
0x357: {  	s17 =	smov.u32 @p4 s16  }
0x358: {  	v32 =	vadd.s32 v1, v32;
	[tilespmem:s17+$0x0] =	vst @p3 v31  }
0x359: {  	v31 =	vbroadcast v32, $0x0;
	v29 =	vld.idx.msk @p2 [tilespmem:v29+s14+$0x0], $0xffff;
	_ =	sdelay $0x1  }
0x35a: {  	v31 =	vadd.s32 v23, v31;
	_ =	sdelay $0x1  }
0x35b: {  	s16 =	sadd.s32 @p3 $0x10, s17;
	s17 =	simm.s32 $0x7A00  }
0x35c: {  	s17 =	smov.u32 @p3 s16;
	v29 =	vpsel p2, v29, v30  }
0x35d: {  	[tilespmem:s17+$0x0] =	vst @p2 v29  }
0x35e: {  	v29 =	vld.idx.msk [tilespmem:v31+s14+$0x0], $0xffff  }
.Ltmp106:
0x35f: {  	_ = 	snop;
	(pc) =	sbr.rel @!p1 .LBB2_193-.Ltmp106, $4  }
0x360: {  	_ = 	snop  }
0x361: {  	s14 =	sadd.s32 @p2 $0x10, s17  }
0x362: {  	s15 =	smov.u32 @p2 s14  }
0x363: {  	s16 =	simm.s32 $0x7C00;
	[tilespmem:s15+$0x0] =	vst v29  }
0x364: {  	v28 =	vmul.u32 $0x27, v28;
	p2 =	por $0x1, $0x1  }
.Ltmp107:
0x365: {  	_ = 	snop;
	(pc) =	sbr.rel @!p2 .LBB2_195-.Ltmp107, $3  }
0x366: {  	v28 =	vadd.s32 v1, v28  }
0x367: {  	v28 =	vbroadcast v28, $0x0;
	_ =	sdelay $0x1  }
0x368: {  	s14 =	simm.s32 $0x20;
	p1 =	por $0x1, $0x1;
	v29 =	vadd.s32 v24, v28;
	v28 =	vmov s13  }
0x369: {  	v28 =	vmul.u32 $0x27, v28;
	p3 =	por $0x1, $0x1  }
.Ltmp108:
0x36a: {  	_ = 	snop;
	(pc) =	sbr.rel @!p3 .LBB2_197-.Ltmp108, $4  }
0x36b: {  	v28 =	vadd.s32 v1, v28  }
0x36c: {  	v28 =	vbroadcast v28, $0x0  }
0x36d: {  	s13 =	simm.s32 $0x0  }
0x36e: {  	p2 =	por $0x1, $0x1;
	v30 =	vld.idx.msk [tilespmem:v29+s13+$0x0], $0xffff;
	v29 =	vadd.s32 v24, v28;
	v28 =	vmov s14;
	s14 =	simm.s32 $0x30  }
0x36f: {  	_ = 	snop  }
0x370: {  	v28 =	vmul.u32 $0x27, v28  }
0x371: {  	p3 =	por $0x1, $0x1  }
.Ltmp109:
0x372: {  	v28 =	vadd.s32 v1, v28;
	(pc) =	sbr.rel @!p3 .LBB2_199-.Ltmp109, $4  }
0x373: {  	v28 =	vbroadcast v28, $0x0;
	[tilespmem:s16+$0x0] =	vst v30  }
0x374: {  	v31 =	vld.idx.msk [tilespmem:v29+s13+$0x0], $0xffff  }
0x375: {  	v29 =	vadd.s32 v24, v28  }
0x376: {  	p0 =	por $0x1, $0x1;
	v28 =	vmov s14;
	s14 =	simm.s32 $0x40;
	s13 =	simm.s32 $0x7C00  }
.LBB2_200:
0x377: {  	p3 =	sne.s32 s14, $0x1F0;
	v28 =	vmul.u32 $0x27, v28  }
0x378: {  	s13 =	sadd.s32 $0x10, s13  }
.Ltmp110:
0x379: {  	s15 =	simm.s32 $0x0;
	v28 =	vadd.s32 v1, v28;
	[tilespmem:s13+$0x0] =	vst v31;
	(pc) =	sbr.rel @p3 .LBB2_200-.Ltmp110, $3  }
0x37a: {  	v28 =	vbroadcast v28, $0x0;
	v31 =	vld.idx.msk [tilespmem:v29+s15+$0x0], $0xffff;
	_ =	sdelay $0x1  }
0x37b: {  	v29 =	vadd.s32 v24, v28  }
0x37c: {  	v28 =	vmov s14;
	s14 =	sadd.s32 $0x10, s14  }
.LBB2_201:
0x37d: {  	_ = 	snop  }
0x37e: {  	v28 =	vmul.u32 $0x27, v28;
	s13 =	sadd.s32 @p0 $0x10, s13;
	s14 =	simm.s32 $0x7C00  }
0x37f: {  	s14 =	smov.u32 @p0 s13  }
0x380: {  	s13 =	simm.s32 @p1 $0x0;
	v28 =	vadd.s32 v1, v28;
	[tilespmem:s14+$0x0] =	vst @p2 v31  }
0x381: {  	v28 =	vbroadcast v28, $0x0;
	v29 =	vld.idx.msk @p1 [tilespmem:v29+s13+$0x0], $0xffff;
	_ =	sdelay $0x1  }
0x382: {  	v28 =	vadd.s32 v24, v28;
	_ =	sdelay $0x1  }
0x383: {  	s15 =	simm.s32 $0x7C00;
	s13 =	sadd.s32 @p2 $0x10, s14  }
0x384: {  	s15 =	smov.u32 @p2 s13;
	v29 =	vpsel p1, v29, v30  }
0x385: {  	s14 =	simm.s32 $0x0;
	s13 =	sadd.s32 @p1 $0x10, s15;
	[tilespmem:s15+$0x0] =	vst @p1 v29  }
0x386: {  	s16 =	smov.u32 @p1 s13;
	p1 =	por $0x1, $0x1;
	v28 =	vld.idx.msk [tilespmem:v28+s14+$0x0], $0xffff  }
.Ltmp111:
0x387: {  	_ = 	snop;
	(pc) =	sbr.rel @!p1 .LBB2_202-.Ltmp111, $3  }
0x388: {  	_ =	sdelay $0x1  }
0x389: {  	p3 =	por $0x0, $0x0;
	p0 =	por $0x0, $0x0  }
0x38a: {  	p2 =	por $0x0, $0x0;
	s13 =	simm.s32 $0x10;
	s15 =	simm.s32 $0x7E00;
	[tilespmem:s16+$0x0] =	vst v28;
	v28 =	vmov s14  }
0x38b: {  	v29 =	vmul.u32 $0x27, v28;
	p4 =	por $0x1, $0x1  }
.Ltmp112:
0x38c: {  	_ = 	snop;
	(pc) =	sbr.rel @!p4 .LBB2_204-.Ltmp112, $3  }
0x38d: {  	v29 =	vadd.s32 v1, v29  }
0x38e: {  	v29 =	vbroadcast v29, $0x0;
	_ =	sdelay $0x1  }
0x38f: {  	v32 =	vmov s13;
	s16 =	simm.s32 $0x20;
	p2 =	por $0x1, $0x1;
	v29 =	vadd.s32 v25, v29  }
0x390: {  	v30 =	vmul.u32 $0x27, v32;
	p4 =	por $0x1, $0x1  }
.Ltmp113:
0x391: {  	_ = 	snop;
	(pc) =	sbr.rel @!p4 .LBB2_206-.Ltmp113, $3  }
0x392: {  	v30 =	vadd.s32 v1, v30  }
0x393: {  	v31 =	vbroadcast v30, $0x0;
	_ =	sdelay $0x1  }
0x394: {  	v32 =	vmov s16;
	s16 =	simm.s32 $0x30;
	p3 =	por $0x1, $0x1;
	v30 =	vld.idx.msk [tilespmem:v29+s14+$0x0], $0xffff;
	v29 =	vadd.s32 v25, v31  }
0x395: {  	_ = 	snop  }
0x396: {  	v31 =	vmul.u32 $0x27, v32  }
0x397: {  	p5 =	por $0x1, $0x1  }
.Ltmp114:
0x398: {  	v31 =	vadd.s32 v1, v31;
	(pc) =	sbr.rel @!p5 .LBB2_208-.Ltmp114, $4  }
0x399: {  	v63 =	vbroadcast v31, $0x0;
	[tilespmem:s15+$0x0] =	vst v30  }
0x39a: {  	v31 =	vld.idx.msk [tilespmem:v29+s14+$0x0], $0xffff  }
0x39b: {  	v29 =	vadd.s32 v25, v63  }
0x39c: {  	v32 =	vmov s16;
	s17 =	simm.s32 $0x40;
	p4 =	por $0x1, $0x1;
	s16 =	simm.s32 $0x7E00  }
.LBB2_209:
0x39d: {  	p5 =	sne.s32 s17, $0x1F0;
	v32 =	vmul.u32 $0x27, v32  }
0x39e: {  	s16 =	sadd.s32 $0x10, s16  }
.Ltmp115:
0x39f: {  	v32 =	vadd.s32 v1, v32;
	[tilespmem:s16+$0x0] =	vst v31;
	(pc) =	sbr.rel @p5 .LBB2_209-.Ltmp115, $3  }
0x3a0: {  	v32 =	vbroadcast v32, $0x0;
	v31 =	vld.idx.msk [tilespmem:v29+s14+$0x0], $0xffff;
	_ =	sdelay $0x1  }
0x3a1: {  	v29 =	vadd.s32 v25, v32  }
0x3a2: {  	v32 =	vmov s17;
	s17 =	sadd.s32 $0x10, s17  }
.LBB2_210:
0x3a3: {  	_ = 	snop  }
0x3a4: {  	v32 =	vmul.u32 $0x27, v32;
	s16 =	sadd.s32 @p4 $0x10, s16;
	s17 =	simm.s32 $0x7E00  }
0x3a5: {  	s17 =	smov.u32 @p4 s16  }
0x3a6: {  	v32 =	vadd.s32 v1, v32;
	[tilespmem:s17+$0x0] =	vst @p3 v31  }
0x3a7: {  	v31 =	vbroadcast v32, $0x0;
	v29 =	vld.idx.msk @p2 [tilespmem:v29+s14+$0x0], $0xffff;
	_ =	sdelay $0x1  }
0x3a8: {  	v31 =	vadd.s32 v25, v31;
	_ =	sdelay $0x1  }
0x3a9: {  	s16 =	sadd.s32 @p3 $0x10, s17;
	s17 =	simm.s32 $0x7E00  }
0x3aa: {  	s17 =	smov.u32 @p3 s16;
	v29 =	vpsel p2, v29, v30  }
0x3ab: {  	[tilespmem:s17+$0x0] =	vst @p2 v29  }
0x3ac: {  	v29 =	vld.idx.msk [tilespmem:v31+s14+$0x0], $0xffff  }
.Ltmp116:
0x3ad: {  	_ = 	snop;
	(pc) =	sbr.rel @!p1 .LBB2_211-.Ltmp116, $4  }
0x3ae: {  	_ = 	snop  }
0x3af: {  	s14 =	sadd.s32 @p2 $0x10, s17  }
0x3b0: {  	s15 =	smov.u32 @p2 s14  }
0x3b1: {  	s14 =	simm.s32 $0x8000;
	[tilespmem:s15+$0x0] =	vst v29  }
0x3b2: {  	v28 =	vmul.u32 $0x27, v28;
	p2 =	por $0x1, $0x1  }
.Ltmp117:
0x3b3: {  	_ = 	snop;
	(pc) =	sbr.rel @!p2 .LBB2_213-.Ltmp117, $3  }
0x3b4: {  	v28 =	vadd.s32 v1, v28  }
0x3b5: {  	v28 =	vbroadcast v28, $0x0;
	_ =	sdelay $0x1  }
0x3b6: {  	s15 =	simm.s32 $0x20;
	p1 =	por $0x1, $0x1;
	v29 =	vadd.s32 v26, v28;
	v28 =	vmov s13  }
0x3b7: {  	v28 =	vmul.u32 $0x27, v28;
	p3 =	por $0x1, $0x1  }
.Ltmp118:
0x3b8: {  	_ = 	snop;
	(pc) =	sbr.rel @!p3 .LBB2_215-.Ltmp118, $4  }
0x3b9: {  	v28 =	vadd.s32 v1, v28  }
0x3ba: {  	v28 =	vbroadcast v28, $0x0  }
0x3bb: {  	s13 =	simm.s32 $0x0  }
0x3bc: {  	p2 =	por $0x1, $0x1;
	v30 =	vld.idx.msk [tilespmem:v29+s13+$0x0], $0xffff;
	v29 =	vadd.s32 v26, v28;
	v28 =	vmov s15;
	s15 =	simm.s32 $0x30  }
0x3bd: {  	_ = 	snop  }
0x3be: {  	v28 =	vmul.u32 $0x27, v28  }
0x3bf: {  	p3 =	por $0x1, $0x1  }
.Ltmp119:
0x3c0: {  	v28 =	vadd.s32 v1, v28;
	(pc) =	sbr.rel @!p3 .LBB2_217-.Ltmp119, $4  }
0x3c1: {  	v28 =	vbroadcast v28, $0x0;
	[tilespmem:s14+$0x0] =	vst v30  }
0x3c2: {  	v31 =	vld.idx.msk [tilespmem:v29+s13+$0x0], $0xffff  }
0x3c3: {  	v29 =	vadd.s32 v26, v28  }
0x3c4: {  	p0 =	por $0x1, $0x1;
	v28 =	vmov s15;
	s15 =	simm.s32 $0x40;
	s13 =	simm.s32 $0x8000  }
.LBB2_218:
0x3c5: {  	p3 =	sne.s32 s15, $0x1F0;
	v28 =	vmul.u32 $0x27, v28  }
0x3c6: {  	s13 =	sadd.s32 $0x10, s13  }
.Ltmp120:
0x3c7: {  	s16 =	simm.s32 $0x0;
	v28 =	vadd.s32 v1, v28;
	[tilespmem:s13+$0x0] =	vst v31;
	(pc) =	sbr.rel @p3 .LBB2_218-.Ltmp120, $3  }
0x3c8: {  	v28 =	vbroadcast v28, $0x0;
	v31 =	vld.idx.msk [tilespmem:v29+s16+$0x0], $0xffff;
	_ =	sdelay $0x1  }
0x3c9: {  	v29 =	vadd.s32 v26, v28  }
0x3ca: {  	v28 =	vmov s15;
	s15 =	sadd.s32 $0x10, s15  }
.LBB2_219:
0x3cb: {  	_ = 	snop  }
0x3cc: {  	v28 =	vmul.u32 $0x27, v28;
	s13 =	sadd.s32 @p0 $0x10, s13;
	s15 =	simm.s32 $0x8000  }
0x3cd: {  	s15 =	smov.u32 @p0 s13  }
0x3ce: {  	s13 =	simm.s32 @p1 $0x0;
	v28 =	vadd.s32 v1, v28;
	[tilespmem:s15+$0x0] =	vst @p2 v31  }
0x3cf: {  	v28 =	vbroadcast v28, $0x0;
	v29 =	vld.idx.msk @p1 [tilespmem:v29+s13+$0x0], $0xffff;
	_ =	sdelay $0x1  }
0x3d0: {  	v28 =	vadd.s32 v26, v28;
	_ =	sdelay $0x1  }
0x3d1: {  	s13 =	sadd.s32 @p2 $0x10, s15;
	s15 =	simm.s32 $0x8000  }
0x3d2: {  	s15 =	smov.u32 @p2 s13;
	v29 =	vpsel p1, v29, v30  }
0x3d3: {  	s13 =	simm.s32 $0x0;
	[tilespmem:s15+$0x0] =	vst @p1 v29  }
0x3d4: {  	p3 =	por $0x1, $0x1;
	v28 =	vld.idx.msk [tilespmem:v28+s13+$0x0], $0xffff  }
.Ltmp121:
0x3d5: {  	_ = 	snop;
	(pc) =	sbr.rel @!p3 .LBB2_220-.Ltmp121, $4  }
0x3d6: {  	_ = 	snop  }
0x3d7: {  	s15 =	sadd.s32 @p1 $0x10, s15  }
0x3d8: {  	s16 =	simm.s32 $0x10;
	p0 =	por $0x0, $0x0;
	s14 =	smov.u32 @p1 s15  }
0x3d9: {  	p2 =	por $0x0, $0x0;
	v30 =	vmov s13;
	s15 =	simm.s32 $0x8200;
	p1 =	por $0x0, $0x0;
	[tilespmem:s14+$0x0] =	vst v28  }
0x3da: {  	v28 =	vmul.u32 $0x27, v30;
	p3 =	por $0x1, $0x1  }
.Ltmp122:
0x3db: {  	_ = 	snop;
	(pc) =	sbr.rel @!p3 .LBB2_222-.Ltmp122, $3  }
0x3dc: {  	v28 =	vadd.s32 v1, v28  }
0x3dd: {  	v28 =	vbroadcast v28, $0x0;
	_ =	sdelay $0x1  }
0x3de: {  	v30 =	vmov s16;
	s14 =	simm.s32 $0x20;
	p0 =	por $0x1, $0x1;
	v28 =	vadd.s32 v27, v28  }
0x3df: {  	v29 =	vmul.u32 $0x27, v30;
	p3 =	por $0x1, $0x1  }
.Ltmp123:
0x3e0: {  	_ = 	snop;
	(pc) =	sbr.rel @!p3 .LBB2_224-.Ltmp123, $3  }
0x3e1: {  	v29 =	vadd.s32 v1, v29  }
0x3e2: {  	v30 =	vbroadcast v29, $0x0;
	_ =	sdelay $0x1  }
0x3e3: {  	p1 =	por $0x1, $0x1;
	v29 =	vld.idx.msk [tilespmem:v28+s13+$0x0], $0xffff;
	v28 =	vadd.s32 v27, v30;
	v30 =	vmov s14;
	s14 =	simm.s32 $0x30  }
0x3e4: {  	_ = 	snop  }
0x3e5: {  	v30 =	vmul.u32 $0x27, v30  }
0x3e6: {  	p3 =	por $0x1, $0x1  }
.Ltmp124:
0x3e7: {  	v30 =	vadd.s32 v1, v30;
	(pc) =	sbr.rel @!p3 .LBB2_226-.Ltmp124, $4  }
0x3e8: {  	v30 =	vbroadcast v30, $0x0;
	[tilespmem:s15+$0x0] =	vst v29  }
0x3e9: {  	v31 =	vld.idx.msk [tilespmem:v28+s13+$0x0], $0xffff  }
0x3ea: {  	v28 =	vadd.s32 v27, v30  }
0x3eb: {  	s16 =	simm.s32 $0x40;
	p2 =	por $0x1, $0x1;
	v30 =	vmov s14;
	s14 =	simm.s32 $0x8200  }
.LBB2_227:
0x3ec: {  	p3 =	sne.s32 s16, $0x1F0;
	v30 =	vmul.u32 $0x27, v30  }
0x3ed: {  	s14 =	sadd.s32 $0x10, s14  }
.Ltmp125:
0x3ee: {  	v30 =	vadd.s32 v1, v30;
	[tilespmem:s14+$0x0] =	vst v31;
	(pc) =	sbr.rel @p3 .LBB2_227-.Ltmp125, $3  }
0x3ef: {  	v30 =	vbroadcast v30, $0x0;
	v31 =	vld.idx.msk [tilespmem:v28+s13+$0x0], $0xffff;
	_ =	sdelay $0x1  }
0x3f0: {  	v28 =	vadd.s32 v27, v30  }
0x3f1: {  	v30 =	vmov s16;
	s16 =	sadd.s32 $0x10, s16  }
.LBB2_228:
0x3f2: {  	_ = 	snop  }
0x3f3: {  	v30 =	vmul.u32 $0x27, v30;
	s14 =	sadd.s32 @p2 $0x10, s14;
	s16 =	simm.s32 $0x8200  }
0x3f4: {  	s16 =	smov.u32 @p2 s14  }
0x3f5: {  	v30 =	vadd.s32 v1, v30;
	[tilespmem:s16+$0x0] =	vst @p1 v31  }
0x3f6: {  	v30 =	vbroadcast v30, $0x0;
	v28 =	vld.idx.msk @p0 [tilespmem:v28+s13+$0x0], $0xffff;
	_ =	sdelay $0x1  }
0x3f7: {  	v30 =	vadd.s32 v27, v30;
	_ =	sdelay $0x1  }
0x3f8: {  	s14 =	sadd.s32 @p1 $0x10, s16;
	s16 =	simm.s32 $0x8200  }
0x3f9: {  	s16 =	smov.u32 @p1 s14;
	v28 =	vpsel p0, v28, v29  }
0x3fa: {  	[tilespmem:s16+$0x0] =	vst @p0 v28  }
0x3fb: {  	v28 =	vld.idx.msk [tilespmem:v30+s13+$0x0], $0xffff;
	_ =	sdelay $0x2  }
0x3fc: {  	s14 =	sadd.s32 @p0 $0x10, s16  }
0x3fd: {  	s15 =	smov.u32 @p0 s14  }
0x3fe: {  	s14 =	simm.s32 $0x5000;
	[tilespmem:s15+$0x0] =	vst v28;
	s15 =	simm.s32 $0x0  }
.LBB2_229:
0x3ff: {  	s17 =	simm.s32 $0x8400;
	s16 =	sadd.s32 $0x0, s14  }
0x400: {  	[tilespmem:s17], [sflag:$0x1] =	stream.indirect.gather [hbm4b:s2+s9], $0x80, s16, s9, $0xb8;
	[tilespmem:$0x17400] =	vst v63  }
0x401: {  	s18 =	simm.s32 $0x800;
	s19 =	smov.u32 s2;
	s16 =	simm.s32 $0x0  }
.LBB2_230:
0x402: {  	p0 =	sne.s32 s18, $0xC800  }
.Ltmp126:
0x403: {  	_ = 	snop;
	(pc) =	sbr.rel @p0 .LBB2_230-.Ltmp126, $4  }
0x404: {  	_ = 	snop  }
0x405: {  	s20 =	sshra.s32 s18, $0x2;
	s18 =	sadd.s32 $0x800, s18  }
0x406: {  	s17 =	sadd.s32 $0x800, s17;
	s19 =	sadd.s32 $0x186A80, s19;
	s20 =	sadd.s32 s20, s14  }
0x407: {  	[tilespmem:s17], [sflag:$0x1] =	stream.indirect.gather [hbm4b:s19+s9], $0x80, s20, s9, $0xb8;
	[tilespmem:$0x17400] =	vst v63  }
0x408: {  	s17 =	sadd.s32 s1, s13  }
0x409: {  	v28 =	vadd.s32 s17, v0;
	_ =	sdelay $0x4  }
0x40a: {  	v28 =	vld.idx.msk [tilespmem:v28+s4+$0x0], $0xffff  }
0x40b: {  	s18 =	sadd.s32 $0x27, s13  }
0x40c: {  	s19 =	simm.s32 $0x1000;
	s17 =	simm.s32 $0x800;
	s20 =	sadd.s32 s1, s18  }
.LBB2_232:
0x40d: {  	p0 =	sne.s32 s19, $0x7800;
	v29 =	vadd.s32 s20, v0;
	_ =	sdelay $0x1  }
0x40e: {  	v28 =	vcvt.s32.f32 v28  }
0x40f: {  	s20 =	sshra.s32 s16, $0x2;
	s16 =	smov.u32 s17;
	s17 =	smov.u32 s19  }
.Ltmp127:
0x410: {  	[tilespmem:s20+$0x15400] =	vst v28;
	(pc) =	sbr.rel @p0 .LBB2_232-.Ltmp127, $3  }
0x411: {  	v28 =	vld.idx.msk [tilespmem:v29+s4+$0x0], $0xffff;
	_ =	sdelay $0x1  }
0x412: {  	s18 =	sadd.s32 $0x27, s18  }
0x413: {  	s19 =	sadd.s32 $0x800, s19;
	s20 =	sadd.s32 s1, s18  }
0x414: {  	v29 =	vadd.s32 s20, v0;
	_ =	sdelay $0x1  }
0x415: {  	v28 =	vcvt.s32.f32 v28  }
0x416: {  	s16 =	sshra.s32 s16, $0x2  }
0x417: {  	[tilespmem:s16+$0x15400] =	vst v28  }
0x418: {  	v28 =	vld.idx.msk [tilespmem:v29+s4+$0x0], $0xffff;
	_ =	sdelay $0x4  }
0x419: {  	v28 =	vcvt.s32.f32 v28  }
0x41a: {  	s30 =	sshra.s32 s17, $0x2  }
0x41b: {  	[tilespmem:s30+$0x15400] =	vst v28  }
0x41c: {  	_ =	swait.ge [sflag:s10], $0x800  }
0x41d: {  	[sflag:s10] =	ssyncset.done $0x0  }
0x41e: {  	[sflag:s10] =	ssyncadd.s32 $0xFFFFF800  }
0x41f: {  	_ =	swait.ge [sflag:s10], $0x800  }
0x420: {  	[sflag:s10] =	ssyncset.done $0x0  }
0x421: {  	[sflag:s10] =	ssyncadd.s32 $0xFFFFF800  }
0x422: {  	_ =	swait.ge [sflag:s10], $0x800  }
0x423: {  	[sflag:s10] =	ssyncset.done $0x0  }
0x424: {  	[sflag:s10] =	ssyncadd.s32 $0xFFFFF800  }
0x425: {  	_ =	swait.ge [sflag:s10], $0x800  }
0x426: {  	[sflag:s10] =	ssyncset.done $0x0  }
0x427: {  	[sflag:s10] =	ssyncadd.s32 $0xFFFFF800  }
0x428: {  	_ =	swait.ge [sflag:s10], $0x800  }
0x429: {  	[sflag:s10] =	ssyncset.done $0x0  }
0x42a: {  	[sflag:s10] =	ssyncadd.s32 $0xFFFFF800  }
0x42b: {  	_ =	swait.ge [sflag:s10], $0x800  }
0x42c: {  	[sflag:s10] =	ssyncset.done $0x0  }
0x42d: {  	[sflag:s10] =	ssyncadd.s32 $0xFFFFF800  }
0x42e: {  	_ =	swait.ge [sflag:s10], $0x800  }
0x42f: {  	[sflag:s10] =	ssyncset.done $0x0  }
0x430: {  	[sflag:s10] =	ssyncadd.s32 $0xFFFFF800  }
0x431: {  	_ =	swait.ge [sflag:s10], $0x800  }
0x432: {  	[sflag:s10] =	ssyncset.done $0x0  }
0x433: {  	[sflag:s10] =	ssyncadd.s32 $0xFFFFF800  }
0x434: {  	_ =	swait.ge [sflag:s10], $0x800  }
0x435: {  	[sflag:s10] =	ssyncset.done $0x0  }
0x436: {  	[sflag:s10] =	ssyncadd.s32 $0xFFFFF800  }
0x437: {  	_ =	swait.ge [sflag:s10], $0x800  }
0x438: {  	[sflag:s10] =	ssyncset.done $0x0  }
0x439: {  	[sflag:s10] =	ssyncadd.s32 $0xFFFFF800  }
0x43a: {  	_ =	swait.ge [sflag:s10], $0x800  }
0x43b: {  	[sflag:s10] =	ssyncset.done $0x0  }
0x43c: {  	[sflag:s10] =	ssyncadd.s32 $0xFFFFF800  }
0x43d: {  	_ =	swait.ge [sflag:s10], $0x800  }
0x43e: {  	[sflag:s10] =	ssyncset.done $0x0  }
0x43f: {  	[sflag:s10] =	ssyncadd.s32 $0xFFFFF800  }
0x440: {  	_ =	swait.ge [sflag:s10], $0x800  }
0x441: {  	[sflag:s10] =	ssyncset.done $0x0  }
0x442: {  	[sflag:s10] =	ssyncadd.s32 $0xFFFFF800  }
0x443: {  	_ =	swait.ge [sflag:s10], $0x800  }
0x444: {  	[sflag:s10] =	ssyncset.done $0x0  }
0x445: {  	[sflag:s10] =	ssyncadd.s32 $0xFFFFF800  }
0x446: {  	_ =	swait.ge [sflag:s10], $0x800  }
0x447: {  	[sflag:s10] =	ssyncset.done $0x0  }
0x448: {  	[sflag:s10] =	ssyncadd.s32 $0xFFFFF800  }
0x449: {  	_ =	swait.ge [sflag:s10], $0x800  }
0x44a: {  	[sflag:s10] =	ssyncset.done $0x0  }
0x44b: {  	[sflag:s10] =	ssyncadd.s32 $0xFFFFF800  }
0x44c: {  	_ =	swait.ge [sflag:s10], $0x800  }
0x44d: {  	[sflag:s10] =	ssyncset.done $0x0  }
0x44e: {  	[sflag:s10] =	ssyncadd.s32 $0xFFFFF800  }
0x44f: {  	_ =	swait.ge [sflag:s10], $0x800  }
0x450: {  	[sflag:s10] =	ssyncset.done $0x0  }
0x451: {  	[sflag:s10] =	ssyncadd.s32 $0xFFFFF800  }
0x452: {  	_ =	swait.ge [sflag:s10], $0x800  }
0x453: {  	[sflag:s10] =	ssyncset.done $0x0  }
0x454: {  	[sflag:s10] =	ssyncadd.s32 $0xFFFFF800  }
0x455: {  	_ =	swait.ge [sflag:s10], $0x800  }
0x456: {  	[sflag:s10] =	ssyncset.done $0x0  }
0x457: {  	[sflag:s10] =	ssyncadd.s32 $0xFFFFF800  }
0x458: {  	_ =	swait.ge [sflag:s10], $0x800  }
0x459: {  	[sflag:s10] =	ssyncset.done $0x0  }
0x45a: {  	[sflag:s10] =	ssyncadd.s32 $0xFFFFF800  }
0x45b: {  	_ =	swait.ge [sflag:s10], $0x800  }
0x45c: {  	[sflag:s10] =	ssyncset.done $0x0  }
0x45d: {  	[sflag:s10] =	ssyncadd.s32 $0xFFFFF800  }
0x45e: {  	_ =	swait.ge [sflag:s10], $0x800  }
0x45f: {  	[sflag:s10] =	ssyncset.done $0x0  }
0x460: {  	[sflag:s10] =	ssyncadd.s32 $0xFFFFF800  }
0x461: {  	_ =	swait.ge [sflag:s10], $0x800  }
0x462: {  	[sflag:s10] =	ssyncset.done $0x0  }
0x463: {  	[sflag:s10] =	ssyncadd.s32 $0xFFFFF800  }
0x464: {  	_ =	swait.ge [sflag:s10], $0x800  }
0x465: {  	[sflag:s10] =	ssyncset.done $0x0  }
0x466: {  	[sflag:s10] =	ssyncadd.s32 $0xFFFFF800  }
0x467: {  	_ =	swait.ge [sflag:s10], $0x800  }
0x468: {  	[sflag:s10] =	ssyncset.done $0x0  }
0x469: {  	[sflag:s10] =	ssyncadd.s32 $0xFFFFF800  }
0x46a: {  	v28 =	vld [tilespmem:$0x8400]  }
0x46b: {  	v29 =	vld [tilespmem:$0x8480]  }
0x46c: {  	v30 =	vld [tilespmem:$0x8500]  }
0x46d: {  	v31 =	vld [tilespmem:$0x8580]  }
0x46e: {  	v32 =	vld [tilespmem:$0x8600]  }
0x46f: {  	[tilespmem:$0x1540D] =	vst v28;
	v28 =	vld [tilespmem:$0x8680]  }
0x470: {  	[tilespmem:$0x1560D] =	vst v29;
	v29 =	vld [tilespmem:$0x8700]  }
0x471: {  	v44 =	vld [tilespmem:$0x8780];
	[tilespmem:$0x1580D] =	vst v30  }
0x472: {  	v45 =	vld [tilespmem:$0x8800];
	[tilespmem:$0x15A0D] =	vst v31  }
0x473: {  	v46 =	vld [tilespmem:$0x8880];
	[tilespmem:$0x15C0D] =	vst v32  }
0x474: {  	[tilespmem:$0x15E0D] =	vst v28;
	v28 =	vld [tilespmem:$0x8900]  }
0x475: {  	[tilespmem:$0x1600D] =	vst v29;
	v29 =	vld [tilespmem:$0x8980]  }
0x476: {  	v47 =	vld [tilespmem:$0x8A00];
	[tilespmem:$0x1620D] =	vst v44  }
0x477: {  	v48 =	vld [tilespmem:$0x8A80];
	[tilespmem:$0x1640D] =	vst v45  }
0x478: {  	v49 =	vld [tilespmem:$0x8B00];
	[tilespmem:$0x1660D] =	vst v46  }
0x479: {  	[tilespmem:$0x1680D] =	vst v28;
	v28 =	vld [tilespmem:$0x8B80]  }
0x47a: {  	[tilespmem:$0x16A0D] =	vst v29;
	v29 =	vld [tilespmem:$0x8C00]  }
0x47b: {  	v50 =	vld [tilespmem:$0x8C80];
	[tilespmem:$0x16C0D] =	vst v47  }
0x47c: {  	v51 =	vld [tilespmem:$0x8D00];
	[tilespmem:$0x16E0D] =	vst v48  }
0x47d: {  	v52 =	vld [tilespmem:$0x8D80];
	[tilespmem:$0x1700D] =	vst v49  }
0x47e: {  	[tilespmem:$0x1720D] =	vst v28;
	v28 =	vld [tilespmem:$0x8E00]  }
0x47f: {  	[tilespmem:$0x1541D] =	vst v29;
	v29 =	vld [tilespmem:$0x8E80]  }
0x480: {  	v53 =	vld [tilespmem:$0x8F00];
	[tilespmem:$0x1561D] =	vst v50  }
0x481: {  	v54 =	vld [tilespmem:$0x8F80];
	[tilespmem:$0x1581D] =	vst v51  }
0x482: {  	v55 =	vld [tilespmem:$0x9000];
	[tilespmem:$0x15A1D] =	vst v52  }
0x483: {  	[tilespmem:$0x15C1D] =	vst v28;
	v28 =	vld [tilespmem:$0x9080]  }
0x484: {  	[tilespmem:$0x15E1D] =	vst v29;
	v29 =	vld [tilespmem:$0x9100]  }
0x485: {  	v56 =	vld [tilespmem:$0x9180];
	[tilespmem:$0x1601D] =	vst v53  }
0x486: {  	v57 =	vld [tilespmem:$0x9200];
	[tilespmem:$0x1621D] =	vst v54  }
0x487: {  	v58 =	vld [tilespmem:$0x9280];
	[tilespmem:$0x1641D] =	vst v55  }
0x488: {  	[tilespmem:$0x1661D] =	vst v28;
	v28 =	vld [tilespmem:$0x9300]  }
0x489: {  	[tilespmem:$0x1681D] =	vst v29;
	v29 =	vld [tilespmem:$0x9380]  }
0x48a: {  	v59 =	vld [tilespmem:$0x9400];
	[tilespmem:$0x16A1D] =	vst v56  }
0x48b: {  	v60 =	vld [tilespmem:$0x9480];
	[tilespmem:$0x16C1D] =	vst v57  }
0x48c: {  	v61 =	vld [tilespmem:$0x9500];
	[tilespmem:$0x16E1D] =	vst v58  }
0x48d: {  	[tilespmem:$0x1701D] =	vst v28;
	v28 =	vld [tilespmem:$0x9580]  }
0x48e: {  	[tilespmem:$0x1721D] =	vst v29;
	v29 =	vld [tilespmem:$0x9600]  }
0x48f: {  	v62 =	vld [tilespmem:$0x9680];
	[tilespmem:$0x1542D] =	vst v59  }
0x490: {  	v63 =	vld [tilespmem:$0x9700];
	[tilespmem:$0x1562D] =	vst v60  }
0x491: {  	v36 =	vld [tilespmem:$0x9780];
	[tilespmem:$0x1582D] =	vst v61  }
0x492: {  	[tilespmem:$0x15A2D] =	vst v28;
	v28 =	vld [tilespmem:$0x9800]  }
0x493: {  	[tilespmem:$0x15C2D] =	vst v29;
	v29 =	vld [tilespmem:$0x9880]  }
0x494: {  	v37 =	vld [tilespmem:$0x9900];
	[tilespmem:$0x15E2D] =	vst v62  }
0x495: {  	v38 =	vld [tilespmem:$0x9980];
	[tilespmem:$0x1602D] =	vst v63  }
0x496: {  	v39 =	vld [tilespmem:$0x9A00];
	[tilespmem:$0x1622D] =	vst v36  }
0x497: {  	[tilespmem:$0x1642D] =	vst v28;
	v28 =	vld [tilespmem:$0x9A80]  }
0x498: {  	[tilespmem:$0x1662D] =	vst v29;
	v29 =	vld [tilespmem:$0x9B00]  }
0x499: {  	v40 =	vld [tilespmem:$0x9B80];
	[tilespmem:$0x1682D] =	vst v37  }
0x49a: {  	v41 =	vld [tilespmem:$0x9C00];
	[tilespmem:$0x16A2D] =	vst v38  }
0x49b: {  	v42 =	vld [tilespmem:$0x9C80];
	[tilespmem:$0x16C2D] =	vst v39  }
0x49c: {  	[tilespmem:$0x16E2D] =	vst v28;
	v28 =	vld [tilespmem:$0x9D00]  }
0x49d: {  	[tilespmem:$0x1702D] =	vst v29;
	v29 =	vld [tilespmem:$0x9D80]  }
0x49e: {  	v43 =	vld [tilespmem:$0x9E00];
	[tilespmem:$0x1722D] =	vst v40  }
0x49f: {  	[tilespmem:$0x1543D] =	vst v41;
	v44 =	vld [tilespmem:$0x9E80]  }
0x4a0: {  	[tilespmem:$0x1563D] =	vst v42;
	v45 =	vld [tilespmem:$0x9F00]  }
0x4a1: {  	[tilespmem:$0x1583D] =	vst v28;
	v28 =	vld [tilespmem:$0x9F80]  }
0x4a2: {  	[tilespmem:$0x15A3D] =	vst v29;
	v29 =	vld [tilespmem:$0xA000]  }
0x4a3: {  	[tilespmem:$0x15C3D] =	vst v43;
	v46 =	vld [tilespmem:$0xA080]  }
0x4a4: {  	v47 =	vld [tilespmem:$0xA100];
	[tilespmem:$0x15E3D] =	vst v44  }
0x4a5: {  	v48 =	vld [tilespmem:$0xA180];
	[tilespmem:$0x1603D] =	vst v45  }
0x4a6: {  	[tilespmem:$0x1623D] =	vst v28;
	v28 =	vld [tilespmem:$0xA200]  }
0x4a7: {  	[tilespmem:$0x1643D] =	vst v29;
	v29 =	vld [tilespmem:$0xA280]  }
0x4a8: {  	v49 =	vld [tilespmem:$0xA300];
	[tilespmem:$0x1663D] =	vst v46  }
0x4a9: {  	v50 =	vld [tilespmem:$0xA380];
	[tilespmem:$0x1683D] =	vst v47  }
0x4aa: {  	v51 =	vld [tilespmem:$0xA400];
	[tilespmem:$0x16A3D] =	vst v48  }
0x4ab: {  	[tilespmem:$0x16C3D] =	vst v28;
	v28 =	vld [tilespmem:$0xA480]  }
0x4ac: {  	[tilespmem:$0x16E3D] =	vst v29;
	v29 =	vld [tilespmem:$0xA500]  }
0x4ad: {  	v52 =	vld [tilespmem:$0xA580];
	[tilespmem:$0x1703D] =	vst v49  }
0x4ae: {  	v53 =	vld [tilespmem:$0xA600];
	[tilespmem:$0x1723D] =	vst v50  }
0x4af: {  	v54 =	vld [tilespmem:$0xA680];
	[tilespmem:$0x1544D] =	vst v51  }
0x4b0: {  	[tilespmem:$0x1564D] =	vst v28;
	v28 =	vld [tilespmem:$0xA700]  }
0x4b1: {  	[tilespmem:$0x1584D] =	vst v29;
	v29 =	vld [tilespmem:$0xA780]  }
0x4b2: {  	v55 =	vld [tilespmem:$0xA800];
	[tilespmem:$0x15A4D] =	vst v52  }
0x4b3: {  	v56 =	vld [tilespmem:$0xA880];
	[tilespmem:$0x15C4D] =	vst v53  }
0x4b4: {  	v57 =	vld [tilespmem:$0xA900];
	[tilespmem:$0x15E4D] =	vst v54  }
0x4b5: {  	[tilespmem:$0x1604D] =	vst v28;
	v28 =	vld [tilespmem:$0xA980]  }
0x4b6: {  	[tilespmem:$0x1624D] =	vst v29;
	v29 =	vld [tilespmem:$0xAA00]  }
0x4b7: {  	v58 =	vld [tilespmem:$0xAA80];
	[tilespmem:$0x1644D] =	vst v55  }
0x4b8: {  	v59 =	vld [tilespmem:$0xAB00];
	[tilespmem:$0x1664D] =	vst v56  }
0x4b9: {  	v60 =	vld [tilespmem:$0xAB80];
	[tilespmem:$0x1684D] =	vst v57  }
0x4ba: {  	[tilespmem:$0x16A4D] =	vst v28;
	v28 =	vld [tilespmem:$0xAC00]  }
0x4bb: {  	[tilespmem:$0x16C4D] =	vst v29;
	v29 =	vld [tilespmem:$0xAC80]  }
0x4bc: {  	v61 =	vld [tilespmem:$0xAD00];
	[tilespmem:$0x16E4D] =	vst v58  }
0x4bd: {  	v62 =	vld [tilespmem:$0xAD80];
	[tilespmem:$0x1704D] =	vst v59  }
0x4be: {  	v63 =	vld [tilespmem:$0xAE00];
	[tilespmem:$0x1724D] =	vst v60  }
0x4bf: {  	[tilespmem:$0x1545D] =	vst v28;
	v28 =	vld [tilespmem:$0xAE80]  }
0x4c0: {  	[tilespmem:$0x1565D] =	vst v29;
	v29 =	vld [tilespmem:$0xAF00]  }
0x4c1: {  	v36 =	vld [tilespmem:$0xAF80];
	[tilespmem:$0x1585D] =	vst v61  }
0x4c2: {  	v37 =	vld [tilespmem:$0xB000];
	[tilespmem:$0x15A5D] =	vst v62  }
0x4c3: {  	v38 =	vld [tilespmem:$0xB080];
	[tilespmem:$0x15C5D] =	vst v63  }
0x4c4: {  	[tilespmem:$0x15E5D] =	vst v28;
	v28 =	vld [tilespmem:$0xB100]  }
0x4c5: {  	[tilespmem:$0x1605D] =	vst v29;
	v29 =	vld [tilespmem:$0xB180]  }
0x4c6: {  	v39 =	vld [tilespmem:$0xB200];
	[tilespmem:$0x1625D] =	vst v36  }
0x4c7: {  	v40 =	vld [tilespmem:$0xB280];
	[tilespmem:$0x1645D] =	vst v37  }
0x4c8: {  	v41 =	vld [tilespmem:$0xB300];
	[tilespmem:$0x1665D] =	vst v38  }
0x4c9: {  	[tilespmem:$0x1685D] =	vst v28;
	v28 =	vld [tilespmem:$0xB380]  }
0x4ca: {  	[tilespmem:$0x16A5D] =	vst v29;
	v29 =	vld [tilespmem:$0xB400]  }
0x4cb: {  	v42 =	vld [tilespmem:$0xB480];
	[tilespmem:$0x16C5D] =	vst v39  }
0x4cc: {  	v43 =	vld [tilespmem:$0xB500];
	[tilespmem:$0x16E5D] =	vst v40  }
0x4cd: {  	[tilespmem:$0x1705D] =	vst v41;
	v44 =	vld [tilespmem:$0xB580]  }
0x4ce: {  	[tilespmem:$0x1725D] =	vst v28;
	v28 =	vld [tilespmem:$0xB600]  }
0x4cf: {  	[tilespmem:$0x1546D] =	vst v29;
	v29 =	vld [tilespmem:$0xB680]  }
0x4d0: {  	[tilespmem:$0x1566D] =	vst v42;
	v45 =	vld [tilespmem:$0xB700]  }
0x4d1: {  	[tilespmem:$0x1586D] =	vst v43;
	v46 =	vld [tilespmem:$0xB780]  }
0x4d2: {  	v47 =	vld [tilespmem:$0xB800];
	[tilespmem:$0x15A6D] =	vst v44  }
0x4d3: {  	[tilespmem:$0x15C6D] =	vst v28;
	v28 =	vld [tilespmem:$0xB880]  }
0x4d4: {  	[tilespmem:$0x15E6D] =	vst v29;
	v29 =	vld [tilespmem:$0xB900]  }
0x4d5: {  	v48 =	vld [tilespmem:$0xB980];
	[tilespmem:$0x1606D] =	vst v45  }
0x4d6: {  	v49 =	vld [tilespmem:$0xBA00];
	[tilespmem:$0x1626D] =	vst v46  }
0x4d7: {  	v50 =	vld [tilespmem:$0xBA80];
	[tilespmem:$0x1646D] =	vst v47  }
0x4d8: {  	[tilespmem:$0x1666D] =	vst v28;
	v28 =	vld [tilespmem:$0xBB00]  }
0x4d9: {  	[tilespmem:$0x1686D] =	vst v29;
	v29 =	vld [tilespmem:$0xBB80]  }
0x4da: {  	v51 =	vld [tilespmem:$0xBC00];
	[tilespmem:$0x16A6D] =	vst v48  }
0x4db: {  	v52 =	vld [tilespmem:$0xBC80];
	[tilespmem:$0x16C6D] =	vst v49  }
0x4dc: {  	v53 =	vld [tilespmem:$0xBD00];
	[tilespmem:$0x16E6D] =	vst v50  }
0x4dd: {  	[tilespmem:$0x1706D] =	vst v28;
	v28 =	vld [tilespmem:$0xBD80]  }
0x4de: {  	[tilespmem:$0x1726D] =	vst v29;
	v29 =	vld [tilespmem:$0xBE00]  }
0x4df: {  	v54 =	vld [tilespmem:$0xBE80];
	[tilespmem:$0x1547D] =	vst v51  }
0x4e0: {  	v55 =	vld [tilespmem:$0xBF00];
	[tilespmem:$0x1567D] =	vst v52  }
0x4e1: {  	v56 =	vld [tilespmem:$0xBF80];
	[tilespmem:$0x1587D] =	vst v53  }
0x4e2: {  	[tilespmem:$0x15A7D] =	vst v28;
	v28 =	vld [tilespmem:$0xC000]  }
0x4e3: {  	[tilespmem:$0x15C7D] =	vst v29;
	v29 =	vld [tilespmem:$0xC080]  }
0x4e4: {  	v57 =	vld [tilespmem:$0xC100];
	[tilespmem:$0x15E7D] =	vst v54  }
0x4e5: {  	v58 =	vld [tilespmem:$0xC180];
	[tilespmem:$0x1607D] =	vst v55  }
0x4e6: {  	v59 =	vld [tilespmem:$0xC200];
	[tilespmem:$0x1627D] =	vst v56  }
0x4e7: {  	[tilespmem:$0x1647D] =	vst v28;
	v28 =	vld [tilespmem:$0xC280]  }
0x4e8: {  	[tilespmem:$0x1667D] =	vst v29;
	v29 =	vld [tilespmem:$0xC300]  }
0x4e9: {  	v60 =	vld [tilespmem:$0xC380];
	[tilespmem:$0x1687D] =	vst v57  }
0x4ea: {  	v61 =	vld [tilespmem:$0xC400];
	[tilespmem:$0x16A7D] =	vst v58  }
0x4eb: {  	v62 =	vld [tilespmem:$0xC480];
	[tilespmem:$0x16C7D] =	vst v59  }
0x4ec: {  	[tilespmem:$0x16E7D] =	vst v28;
	v28 =	vld [tilespmem:$0xC500]  }
0x4ed: {  	[tilespmem:$0x1707D] =	vst v29;
	v29 =	vld [tilespmem:$0xC580]  }
0x4ee: {  	v63 =	vld [tilespmem:$0xC600];
	[tilespmem:$0x1727D] =	vst v60  }
0x4ef: {  	v36 =	vld [tilespmem:$0xC680];
	[tilespmem:$0x1548D] =	vst v61  }
0x4f0: {  	v37 =	vld [tilespmem:$0xC700];
	[tilespmem:$0x1568D] =	vst v62  }
0x4f1: {  	[tilespmem:$0x1588D] =	vst v28;
	v28 =	vld [tilespmem:$0xC780]  }
0x4f2: {  	[tilespmem:$0x15A8D] =	vst v29;
	v29 =	vld [tilespmem:$0xC800]  }
0x4f3: {  	v38 =	vld [tilespmem:$0xC880];
	[tilespmem:$0x15C8D] =	vst v63  }
0x4f4: {  	v39 =	vld [tilespmem:$0xC900];
	[tilespmem:$0x15E8D] =	vst v36  }
0x4f5: {  	v40 =	vld [tilespmem:$0xC980];
	[tilespmem:$0x1608D] =	vst v37  }
0x4f6: {  	[tilespmem:$0x1628D] =	vst v28;
	v28 =	vld [tilespmem:$0xCA00]  }
0x4f7: {  	[tilespmem:$0x1648D] =	vst v29;
	v29 =	vld [tilespmem:$0xCA80]  }
0x4f8: {  	v41 =	vld [tilespmem:$0xCB00];
	[tilespmem:$0x1668D] =	vst v38  }
0x4f9: {  	v42 =	vld [tilespmem:$0xCB80];
	[tilespmem:$0x1688D] =	vst v39  }
0x4fa: {  	v43 =	vld [tilespmem:$0xCC00];
	[tilespmem:$0x16A8D] =	vst v40  }
0x4fb: {  	[tilespmem:$0x16C8D] =	vst v28;
	v28 =	vld [tilespmem:$0xCC80]  }
0x4fc: {  	[tilespmem:$0x16E8D] =	vst v29;
	v29 =	vld [tilespmem:$0xCD00]  }
0x4fd: {  	[tilespmem:$0x1708D] =	vst v41;
	v44 =	vld [tilespmem:$0xCD80]  }
0x4fe: {  	[tilespmem:$0x1728D] =	vst v42;
	v45 =	vld [tilespmem:$0xCE00]  }
0x4ff: {  	[tilespmem:$0x1549D] =	vst v43;
	v46 =	vld [tilespmem:$0xCE80]  }
0x500: {  	[tilespmem:$0x1569D] =	vst v28;
	v28 =	vld [tilespmem:$0xCF00]  }
0x501: {  	[tilespmem:$0x1589D] =	vst v29;
	v29 =	vld [tilespmem:$0xCF80]  }
0x502: {  	v47 =	vld [tilespmem:$0xD000];
	[tilespmem:$0x15A9D] =	vst v44  }
0x503: {  	v48 =	vld [tilespmem:$0xD080];
	[tilespmem:$0x15C9D] =	vst v45  }
0x504: {  	v49 =	vld [tilespmem:$0xD100];
	[tilespmem:$0x15E9D] =	vst v46  }
0x505: {  	[tilespmem:$0x1609D] =	vst v28;
	v28 =	vld [tilespmem:$0xD180]  }
0x506: {  	[tilespmem:$0x1629D] =	vst v29;
	v29 =	vld [tilespmem:$0xD200]  }
0x507: {  	v50 =	vld [tilespmem:$0xD280];
	[tilespmem:$0x1649D] =	vst v47  }
0x508: {  	v51 =	vld [tilespmem:$0xD300];
	[tilespmem:$0x1669D] =	vst v48  }
0x509: {  	v52 =	vld [tilespmem:$0xD380];
	[tilespmem:$0x1689D] =	vst v49  }
0x50a: {  	[tilespmem:$0x16A9D] =	vst v28;
	v28 =	vld [tilespmem:$0xD400]  }
0x50b: {  	[tilespmem:$0x16C9D] =	vst v29;
	v29 =	vld [tilespmem:$0xD480]  }
0x50c: {  	v53 =	vld [tilespmem:$0xD500];
	[tilespmem:$0x16E9D] =	vst v50  }
0x50d: {  	v54 =	vld [tilespmem:$0xD580];
	[tilespmem:$0x1709D] =	vst v51  }
0x50e: {  	v55 =	vld [tilespmem:$0xD600];
	[tilespmem:$0x1729D] =	vst v52  }
0x50f: {  	[tilespmem:$0x154AD] =	vst v28;
	v28 =	vld [tilespmem:$0xD680]  }
0x510: {  	[tilespmem:$0x156AD] =	vst v29;
	v29 =	vld [tilespmem:$0xD700]  }
0x511: {  	v56 =	vld [tilespmem:$0xD780];
	[tilespmem:$0x158AD] =	vst v53  }
0x512: {  	[tilespmem:$0x15AAD] =	vst v54  }
0x513: {  	[tilespmem:$0x15CAD] =	vst v55  }
0x514: {  	[tilespmem:$0x15EAD] =	vst v28  }
0x515: {  	[tilespmem:$0x160AD] =	vst v29  }
0x516: {  	[tilespmem:$0x162AD] =	vst v56  }
0x517: {  	v28 =	vld [tilespmem:$0xD800]  }
0x518: {  	v29 =	vld [tilespmem:$0xD880]  }
0x519: {  	v30 =	vld [tilespmem:$0xD900]  }
0x51a: {  	v57 =	vld [tilespmem:$0xD980]  }
0x51b: {  	v58 =	vld [tilespmem:$0xDA00]  }
0x51c: {  	v59 =	vld [tilespmem:$0xDB80];
	[tilespmem:$0x164AD] =	vst v28  }
0x51d: {  	v28 =	vld [tilespmem:$0xDA80];
	[tilespmem:$0x166AD] =	vst v29  }
0x51e: {  	v29 =	vld [tilespmem:$0xDB00];
	[tilespmem:$0x168AD] =	vst v30  }
0x51f: {  	v60 =	vld [tilespmem:$0xDC00];
	[tilespmem:$0x16AAD] =	vst v57  }
0x520: {  	v61 =	vld [tilespmem:$0xDC80];
	[tilespmem:$0x16CAD] =	vst v58  }
0x521: {  	v62 =	vld [tilespmem:$0xDE00];
	[tilespmem:$0x172AD] =	vst v59  }
0x522: {  	[tilespmem:$0x16EAD] =	vst v28;
	v28 =	vld [tilespmem:$0xDD00]  }
0x523: {  	[tilespmem:$0x170AD] =	vst v29;
	v29 =	vld [tilespmem:$0xDD80]  }
0x524: {  	v63 =	vld [tilespmem:$0xDE80];
	[tilespmem:$0x154BD] =	vst v60  }
0x525: {  	v36 =	vld [tilespmem:$0xDF00];
	[tilespmem:$0x156BD] =	vst v61  }
0x526: {  	v37 =	vld [tilespmem:$0xE080];
	[tilespmem:$0x15CBD] =	vst v62  }
0x527: {  	[tilespmem:$0x158BD] =	vst v28;
	v28 =	vld [tilespmem:$0xDF80]  }
0x528: {  	[tilespmem:$0x15ABD] =	vst v29;
	v29 =	vld [tilespmem:$0xE000]  }
0x529: {  	v38 =	vld [tilespmem:$0xE100];
	[tilespmem:$0x15EBD] =	vst v63  }
0x52a: {  	v39 =	vld [tilespmem:$0xE180];
	[tilespmem:$0x160BD] =	vst v36  }
0x52b: {  	v40 =	vld [tilespmem:$0xE300];
	[tilespmem:$0x166BD] =	vst v37  }
0x52c: {  	[tilespmem:$0x162BD] =	vst v28;
	v28 =	vld [tilespmem:$0xE200]  }
0x52d: {  	[tilespmem:$0x164BD] =	vst v29;
	v29 =	vld [tilespmem:$0xE280]  }
0x52e: {  	v41 =	vld [tilespmem:$0xE380];
	[tilespmem:$0x168BD] =	vst v38  }
0x52f: {  	v42 =	vld [tilespmem:$0xE400];
	[tilespmem:$0x16ABD] =	vst v39  }
0x530: {  	v43 =	vld [tilespmem:$0xE580];
	[tilespmem:$0x170BD] =	vst v40  }
0x531: {  	[tilespmem:$0x16CBD] =	vst v28;
	v28 =	vld [tilespmem:$0xE480]  }
0x532: {  	[tilespmem:$0x16EBD] =	vst v29;
	v29 =	vld [tilespmem:$0xE500]  }
0x533: {  	v44 =	vld [tilespmem:$0xE600];
	[tilespmem:$0x172BD] =	vst v41  }
0x534: {  	v45 =	vld [tilespmem:$0xE680];
	[tilespmem:$0x154CD] =	vst v42  }
0x535: {  	v46 =	vld [tilespmem:$0xE800];
	[tilespmem:$0x15ACD] =	vst v43  }
0x536: {  	[tilespmem:$0x156CD] =	vst v28;
	v28 =	vld [tilespmem:$0xE700]  }
0x537: {  	[tilespmem:$0x158CD] =	vst v29;
	v29 =	vld [tilespmem:$0xE780]  }
0x538: {  	v47 =	vld [tilespmem:$0xE880];
	[tilespmem:$0x15CCD] =	vst v44  }
0x539: {  	v48 =	vld [tilespmem:$0xE900];
	[tilespmem:$0x15ECD] =	vst v45  }
0x53a: {  	v49 =	vld [tilespmem:$0xEA80];
	[tilespmem:$0x164CD] =	vst v46  }
0x53b: {  	[tilespmem:$0x160CD] =	vst v28;
	v28 =	vld [tilespmem:$0xE980]  }
0x53c: {  	[tilespmem:$0x162CD] =	vst v29;
	v29 =	vld [tilespmem:$0xEA00]  }
0x53d: {  	v50 =	vld [tilespmem:$0xEB00];
	[tilespmem:$0x166CD] =	vst v47  }
0x53e: {  	v51 =	vld [tilespmem:$0xEB80];
	[tilespmem:$0x168CD] =	vst v48  }
0x53f: {  	v52 =	vld [tilespmem:$0xED00];
	[tilespmem:$0x16ECD] =	vst v49  }
0x540: {  	[tilespmem:$0x16ACD] =	vst v28;
	v28 =	vld [tilespmem:$0xEC00]  }
0x541: {  	[tilespmem:$0x16CCD] =	vst v29;
	v29 =	vld [tilespmem:$0xEC80]  }
0x542: {  	v53 =	vld [tilespmem:$0xED80];
	[tilespmem:$0x170CD] =	vst v50  }
0x543: {  	v54 =	vld [tilespmem:$0xEE00];
	[tilespmem:$0x172CD] =	vst v51  }
0x544: {  	v55 =	vld [tilespmem:$0xEF80];
	[tilespmem:$0x158DD] =	vst v52  }
0x545: {  	[tilespmem:$0x154DD] =	vst v28;
	v28 =	vld [tilespmem:$0xEE80]  }
0x546: {  	[tilespmem:$0x156DD] =	vst v29;
	v29 =	vld [tilespmem:$0xEF00]  }
0x547: {  	v56 =	vld [tilespmem:$0xF000];
	[tilespmem:$0x15ADD] =	vst v53  }
0x548: {  	[tilespmem:$0x15CDD] =	vst v54;
	v57 =	vld [tilespmem:$0xF080]  }
0x549: {  	[tilespmem:$0x162DD] =	vst v55;
	v58 =	vld [tilespmem:$0xF200]  }
0x54a: {  	[tilespmem:$0x15EDD] =	vst v28;
	v28 =	vld [tilespmem:$0xF100]  }
0x54b: {  	[tilespmem:$0x160DD] =	vst v29;
	v29 =	vld [tilespmem:$0xF180]  }
0x54c: {  	[tilespmem:$0x164DD] =	vst v56;
	v59 =	vld [tilespmem:$0xF280]  }
0x54d: {  	v60 =	vld [tilespmem:$0xF300];
	[tilespmem:$0x166DD] =	vst v57  }
0x54e: {  	v61 =	vld [tilespmem:$0xF480];
	[tilespmem:$0x16CDD] =	vst v58  }
0x54f: {  	[tilespmem:$0x168DD] =	vst v28;
	v28 =	vld [tilespmem:$0xF380]  }
0x550: {  	[tilespmem:$0x16ADD] =	vst v29;
	v29 =	vld [tilespmem:$0xF400]  }
0x551: {  	v62 =	vld [tilespmem:$0xF500];
	[tilespmem:$0x16EDD] =	vst v59  }
0x552: {  	v63 =	vld [tilespmem:$0xF580];
	[tilespmem:$0x170DD] =	vst v60  }
0x553: {  	v36 =	vld [tilespmem:$0xF700];
	[tilespmem:$0x156ED] =	vst v61  }
0x554: {  	[tilespmem:$0x172DD] =	vst v28;
	v28 =	vld [tilespmem:$0xF600]  }
0x555: {  	[tilespmem:$0x154ED] =	vst v29;
	v29 =	vld [tilespmem:$0xF680]  }
0x556: {  	v37 =	vld [tilespmem:$0xF780];
	[tilespmem:$0x158ED] =	vst v62  }
0x557: {  	v38 =	vld [tilespmem:$0xF800];
	[tilespmem:$0x15AED] =	vst v63  }
0x558: {  	v39 =	vld [tilespmem:$0xF980];
	[tilespmem:$0x160ED] =	vst v36  }
0x559: {  	[tilespmem:$0x15CED] =	vst v28;
	v28 =	vld [tilespmem:$0xF880]  }
0x55a: {  	[tilespmem:$0x15EED] =	vst v29;
	v29 =	vld [tilespmem:$0xF900]  }
0x55b: {  	v40 =	vld [tilespmem:$0xFA00];
	[tilespmem:$0x162ED] =	vst v37  }
0x55c: {  	v41 =	vld [tilespmem:$0xFA80];
	[tilespmem:$0x164ED] =	vst v38  }
0x55d: {  	v42 =	vld [tilespmem:$0xFC00];
	[tilespmem:$0x16AED] =	vst v39  }
0x55e: {  	[tilespmem:$0x166ED] =	vst v28;
	v28 =	vld [tilespmem:$0xFB00]  }
0x55f: {  	[tilespmem:$0x168ED] =	vst v29;
	v29 =	vld [tilespmem:$0xFB80]  }
0x560: {  	v43 =	vld [tilespmem:$0xFC80];
	[tilespmem:$0x16CED] =	vst v40  }
0x561: {  	v44 =	vld [tilespmem:$0xFD00];
	[tilespmem:$0x16EED] =	vst v41  }
0x562: {  	v45 =	vld [tilespmem:$0xFE80];
	[tilespmem:$0x154FD] =	vst v42  }
0x563: {  	[tilespmem:$0x170ED] =	vst v28;
	v28 =	vld [tilespmem:$0xFD80]  }
0x564: {  	[tilespmem:$0x172ED] =	vst v29;
	v29 =	vld [tilespmem:$0xFE00]  }
0x565: {  	v46 =	vld [tilespmem:$0xFF00];
	[tilespmem:$0x156FD] =	vst v43  }
0x566: {  	v47 =	vld [tilespmem:$0xFF80];
	[tilespmem:$0x158FD] =	vst v44  }
0x567: {  	v48 =	vld [tilespmem:$0x10100];
	[tilespmem:$0x15EFD] =	vst v45  }
0x568: {  	[tilespmem:$0x15AFD] =	vst v28;
	v28 =	vld [tilespmem:$0x10000]  }
0x569: {  	[tilespmem:$0x15CFD] =	vst v29;
	v29 =	vld [tilespmem:$0x10080]  }
0x56a: {  	v49 =	vld [tilespmem:$0x10180];
	[tilespmem:$0x160FD] =	vst v46  }
0x56b: {  	v50 =	vld [tilespmem:$0x10200];
	[tilespmem:$0x162FD] =	vst v47  }
0x56c: {  	v51 =	vld [tilespmem:$0x10380];
	[tilespmem:$0x168FD] =	vst v48  }
0x56d: {  	[tilespmem:$0x164FD] =	vst v28;
	v28 =	vld [tilespmem:$0x10280]  }
0x56e: {  	[tilespmem:$0x166FD] =	vst v29;
	v29 =	vld [tilespmem:$0x10300]  }
0x56f: {  	v52 =	vld [tilespmem:$0x10400];
	[tilespmem:$0x16AFD] =	vst v49  }
0x570: {  	v53 =	vld [tilespmem:$0x10480];
	[tilespmem:$0x16CFD] =	vst v50  }
0x571: {  	v54 =	vld [tilespmem:$0x10600];
	[tilespmem:$0x172FD] =	vst v51  }
0x572: {  	[tilespmem:$0x16EFD] =	vst v28;
	v28 =	vld [tilespmem:$0x10500]  }
0x573: {  	[tilespmem:$0x170FD] =	vst v29;
	v29 =	vld [tilespmem:$0x10580]  }
0x574: {  	v55 =	vld [tilespmem:$0x10680];
	[tilespmem:$0x1550D] =	vst v52  }
0x575: {  	v56 =	vld [tilespmem:$0x10700];
	[tilespmem:$0x1570D] =	vst v53  }
0x576: {  	[tilespmem:$0x15D0D] =	vst v54;
	v57 =	vld [tilespmem:$0x10880]  }
0x577: {  	[tilespmem:$0x1590D] =	vst v28;
	v28 =	vld [tilespmem:$0x10780]  }
0x578: {  	[tilespmem:$0x15B0D] =	vst v29;
	v29 =	vld [tilespmem:$0x10800]  }
0x579: {  	[tilespmem:$0x15F0D] =	vst v55;
	v58 =	vld [tilespmem:$0x10900]  }
0x57a: {  	[tilespmem:$0x1610D] =	vst v56;
	v59 =	vld [tilespmem:$0x10980]  }
0x57b: {  	v60 =	vld [tilespmem:$0x10B00];
	[tilespmem:$0x1670D] =	vst v57  }
0x57c: {  	[tilespmem:$0x1630D] =	vst v28;
	v28 =	vld [tilespmem:$0x10A00]  }
0x57d: {  	[tilespmem:$0x1650D] =	vst v29;
	v29 =	vld [tilespmem:$0x10A80]  }
0x57e: {  	v61 =	vld [tilespmem:$0x10B80];
	[tilespmem:$0x1690D] =	vst v58  }
0x57f: {  	v62 =	vld [tilespmem:$0x10C00];
	[tilespmem:$0x16B0D] =	vst v59  }
0x580: {  	v63 =	vld [tilespmem:$0x10D80];
	[tilespmem:$0x1710D] =	vst v60  }
0x581: {  	[tilespmem:$0x16D0D] =	vst v28;
	v28 =	vld [tilespmem:$0x10C80]  }
0x582: {  	[tilespmem:$0x16F0D] =	vst v29;
	v29 =	vld [tilespmem:$0x10D00]  }
0x583: {  	v36 =	vld [tilespmem:$0x10E00];
	[tilespmem:$0x1730D] =	vst v61  }
0x584: {  	v37 =	vld [tilespmem:$0x10E80];
	[tilespmem:$0x1551D] =	vst v62  }
0x585: {  	v38 =	vld [tilespmem:$0x11000];
	[tilespmem:$0x15B1D] =	vst v63  }
0x586: {  	[tilespmem:$0x1571D] =	vst v28;
	v28 =	vld [tilespmem:$0x10F00]  }
0x587: {  	[tilespmem:$0x1591D] =	vst v29;
	v29 =	vld [tilespmem:$0x10F80]  }
0x588: {  	v39 =	vld [tilespmem:$0x11080];
	[tilespmem:$0x15D1D] =	vst v36  }
0x589: {  	v40 =	vld [tilespmem:$0x11100];
	[tilespmem:$0x15F1D] =	vst v37  }
0x58a: {  	v41 =	vld [tilespmem:$0x11280];
	[tilespmem:$0x1651D] =	vst v38  }
0x58b: {  	[tilespmem:$0x1611D] =	vst v28;
	v28 =	vld [tilespmem:$0x11180]  }
0x58c: {  	[tilespmem:$0x1631D] =	vst v29;
	v29 =	vld [tilespmem:$0x11200]  }
0x58d: {  	v42 =	vld [tilespmem:$0x11300];
	[tilespmem:$0x1671D] =	vst v39  }
0x58e: {  	v43 =	vld [tilespmem:$0x11380];
	[tilespmem:$0x1691D] =	vst v40  }
0x58f: {  	v44 =	vld [tilespmem:$0x11500];
	[tilespmem:$0x16F1D] =	vst v41  }
0x590: {  	[tilespmem:$0x16B1D] =	vst v28;
	v28 =	vld [tilespmem:$0x11400]  }
0x591: {  	[tilespmem:$0x16D1D] =	vst v29;
	v29 =	vld [tilespmem:$0x11480]  }
0x592: {  	v45 =	vld [tilespmem:$0x11580];
	[tilespmem:$0x1711D] =	vst v42  }
0x593: {  	v46 =	vld [tilespmem:$0x11600];
	[tilespmem:$0x1731D] =	vst v43  }
0x594: {  	v47 =	vld [tilespmem:$0x11780];
	[tilespmem:$0x1592D] =	vst v44  }
0x595: {  	[tilespmem:$0x1552D] =	vst v28;
	v28 =	vld [tilespmem:$0x11680]  }
0x596: {  	[tilespmem:$0x1572D] =	vst v29;
	v29 =	vld [tilespmem:$0x11700]  }
0x597: {  	v48 =	vld [tilespmem:$0x11800];
	[tilespmem:$0x15B2D] =	vst v45  }
0x598: {  	v49 =	vld [tilespmem:$0x11880];
	[tilespmem:$0x15D2D] =	vst v46  }
0x599: {  	v50 =	vld [tilespmem:$0x11A00];
	[tilespmem:$0x1632D] =	vst v47  }
0x59a: {  	[tilespmem:$0x15F2D] =	vst v28;
	v28 =	vld [tilespmem:$0x11900]  }
0x59b: {  	[tilespmem:$0x1612D] =	vst v29;
	v29 =	vld [tilespmem:$0x11980]  }
0x59c: {  	v51 =	vld [tilespmem:$0x11A80];
	[tilespmem:$0x1652D] =	vst v48  }
0x59d: {  	v52 =	vld [tilespmem:$0x11B00];
	[tilespmem:$0x1672D] =	vst v49  }
0x59e: {  	v53 =	vld [tilespmem:$0x11C80];
	[tilespmem:$0x16D2D] =	vst v50  }
0x59f: {  	[tilespmem:$0x1692D] =	vst v28;
	v28 =	vld [tilespmem:$0x11B80]  }
0x5a0: {  	[tilespmem:$0x16B2D] =	vst v29;
	v29 =	vld [tilespmem:$0x11C00]  }
0x5a1: {  	v54 =	vld [tilespmem:$0x11D00];
	[tilespmem:$0x16F2D] =	vst v51  }
0x5a2: {  	v55 =	vld [tilespmem:$0x11D80];
	[tilespmem:$0x1712D] =	vst v52  }
0x5a3: {  	v56 =	vld [tilespmem:$0x11F00];
	[tilespmem:$0x1573D] =	vst v53  }
0x5a4: {  	[tilespmem:$0x1732D] =	vst v28;
	v28 =	vld [tilespmem:$0x11E00]  }
0x5a5: {  	[tilespmem:$0x1553D] =	vst v29;
	v29 =	vld [tilespmem:$0x11E80]  }
0x5a6: {  	[tilespmem:$0x1593D] =	vst v54;
	v57 =	vld [tilespmem:$0x11F80]  }
0x5a7: {  	[tilespmem:$0x15B3D] =	vst v55;
	v58 =	vld [tilespmem:$0x12000]  }
0x5a8: {  	[tilespmem:$0x1613D] =	vst v56;
	v59 =	vld [tilespmem:$0x12180]  }
0x5a9: {  	[tilespmem:$0x15D3D] =	vst v28;
	v28 =	vld [tilespmem:$0x12080]  }
0x5aa: {  	[tilespmem:$0x15F3D] =	vst v29;
	v29 =	vld [tilespmem:$0x12100]  }
0x5ab: {  	v60 =	vld [tilespmem:$0x12200];
	[tilespmem:$0x1633D] =	vst v57  }
0x5ac: {  	v61 =	vld [tilespmem:$0x12280];
	[tilespmem:$0x1653D] =	vst v58  }
0x5ad: {  	v62 =	vld [tilespmem:$0x12400];
	[tilespmem:$0x16B3D] =	vst v59  }
0x5ae: {  	[tilespmem:$0x1673D] =	vst v28;
	v28 =	vld [tilespmem:$0x12300]  }
0x5af: {  	[tilespmem:$0x1693D] =	vst v29;
	v29 =	vld [tilespmem:$0x12380]  }
0x5b0: {  	v63 =	vld [tilespmem:$0x12480];
	[tilespmem:$0x16D3D] =	vst v60  }
0x5b1: {  	v36 =	vld [tilespmem:$0x12500];
	[tilespmem:$0x16F3D] =	vst v61  }
0x5b2: {  	v37 =	vld [tilespmem:$0x12680];
	[tilespmem:$0x1554D] =	vst v62  }
0x5b3: {  	[tilespmem:$0x1713D] =	vst v28;
	v28 =	vld [tilespmem:$0x12580]  }
0x5b4: {  	[tilespmem:$0x1733D] =	vst v29;
	v29 =	vld [tilespmem:$0x12600]  }
0x5b5: {  	v38 =	vld [tilespmem:$0x12700];
	[tilespmem:$0x1574D] =	vst v63  }
0x5b6: {  	v39 =	vld [tilespmem:$0x12780];
	[tilespmem:$0x1594D] =	vst v36  }
0x5b7: {  	v40 =	vld [tilespmem:$0x12900];
	[tilespmem:$0x15F4D] =	vst v37  }
0x5b8: {  	[tilespmem:$0x15B4D] =	vst v28;
	v28 =	vld [tilespmem:$0x12800]  }
0x5b9: {  	[tilespmem:$0x15D4D] =	vst v29;
	v29 =	vld [tilespmem:$0x12880]  }
0x5ba: {  	v41 =	vld [tilespmem:$0x12980];
	[tilespmem:$0x1614D] =	vst v38  }
0x5bb: {  	v42 =	vld [tilespmem:$0x12A00];
	[tilespmem:$0x1634D] =	vst v39  }
0x5bc: {  	v43 =	vld [tilespmem:$0x12B80];
	[tilespmem:$0x1694D] =	vst v40  }
0x5bd: {  	[tilespmem:$0x1654D] =	vst v28;
	v28 =	vld [tilespmem:$0x12A80]  }
0x5be: {  	[tilespmem:$0x1674D] =	vst v29;
	v29 =	vld [tilespmem:$0x12B00]  }
0x5bf: {  	v44 =	vld [tilespmem:$0x12C00];
	[tilespmem:$0x16B4D] =	vst v41  }
0x5c0: {  	v45 =	vld [tilespmem:$0x12C80];
	[tilespmem:$0x16D4D] =	vst v42  }
0x5c1: {  	v46 =	vld [tilespmem:$0x12E00];
	[tilespmem:$0x1734D] =	vst v43  }
0x5c2: {  	[tilespmem:$0x16F4D] =	vst v28;
	v28 =	vld [tilespmem:$0x12D00]  }
0x5c3: {  	[tilespmem:$0x1714D] =	vst v29;
	v29 =	vld [tilespmem:$0x12D80]  }
0x5c4: {  	v47 =	vld [tilespmem:$0x12E80];
	[tilespmem:$0x1555D] =	vst v44  }
0x5c5: {  	v48 =	vld [tilespmem:$0x12F00];
	[tilespmem:$0x1575D] =	vst v45  }
0x5c6: {  	v49 =	vld [tilespmem:$0x13080];
	[tilespmem:$0x15D5D] =	vst v46  }
0x5c7: {  	[tilespmem:$0x1595D] =	vst v28;
	v28 =	vld [tilespmem:$0x12F80]  }
0x5c8: {  	[tilespmem:$0x15B5D] =	vst v29;
	v29 =	vld [tilespmem:$0x13000]  }
0x5c9: {  	v50 =	vld [tilespmem:$0x13100];
	[tilespmem:$0x15F5D] =	vst v47  }
0x5ca: {  	v51 =	vld [tilespmem:$0x13180];
	[tilespmem:$0x1615D] =	vst v48  }
0x5cb: {  	v52 =	vld [tilespmem:$0x13300];
	[tilespmem:$0x1675D] =	vst v49  }
0x5cc: {  	[tilespmem:$0x1635D] =	vst v28;
	v28 =	vld [tilespmem:$0x13200]  }
0x5cd: {  	[tilespmem:$0x1655D] =	vst v29;
	v29 =	vld [tilespmem:$0x13280]  }
0x5ce: {  	v53 =	vld [tilespmem:$0x13380];
	[tilespmem:$0x1695D] =	vst v50  }
0x5cf: {  	v54 =	vld [tilespmem:$0x13400];
	[tilespmem:$0x16B5D] =	vst v51  }
0x5d0: {  	v55 =	vld [tilespmem:$0x13580];
	[tilespmem:$0x1715D] =	vst v52  }
0x5d1: {  	[tilespmem:$0x16D5D] =	vst v28;
	v28 =	vld [tilespmem:$0x13480]  }
0x5d2: {  	[tilespmem:$0x16F5D] =	vst v29;
	v29 =	vld [tilespmem:$0x13500]  }
0x5d3: {  	v56 =	vld [tilespmem:$0x13600];
	[tilespmem:$0x1735D] =	vst v53  }
0x5d4: {  	[tilespmem:$0x1556D] =	vst v54;
	v57 =	vld [tilespmem:$0x13680]  }
0x5d5: {  	[tilespmem:$0x15B6D] =	vst v55;
	v58 =	vld [tilespmem:$0x13800]  }
0x5d6: {  	[tilespmem:$0x1576D] =	vst v28;
	v28 =	vld [tilespmem:$0x13700]  }
0x5d7: {  	[tilespmem:$0x1596D] =	vst v29;
	v29 =	vld [tilespmem:$0x13780]  }
0x5d8: {  	[tilespmem:$0x15D6D] =	vst v56;
	v59 =	vld [tilespmem:$0x13880]  }
0x5d9: {  	v60 =	vld [tilespmem:$0x13900];
	[tilespmem:$0x15F6D] =	vst v57  }
0x5da: {  	v61 =	vld [tilespmem:$0x13A80];
	[tilespmem:$0x1656D] =	vst v58  }
0x5db: {  	[tilespmem:$0x1616D] =	vst v28;
	v28 =	vld [tilespmem:$0x13980]  }
0x5dc: {  	[tilespmem:$0x1636D] =	vst v29;
	v29 =	vld [tilespmem:$0x13A00]  }
0x5dd: {  	v62 =	vld [tilespmem:$0x13B00];
	[tilespmem:$0x1676D] =	vst v59  }
0x5de: {  	v63 =	vld [tilespmem:$0x13B80];
	[tilespmem:$0x1696D] =	vst v60  }
0x5df: {  	v36 =	vld [tilespmem:$0x13D00];
	[tilespmem:$0x16F6D] =	vst v61  }
0x5e0: {  	[tilespmem:$0x16B6D] =	vst v28;
	v28 =	vld [tilespmem:$0x13C00]  }
0x5e1: {  	[tilespmem:$0x16D6D] =	vst v29;
	v29 =	vld [tilespmem:$0x13C80]  }
0x5e2: {  	v37 =	vld [tilespmem:$0x13D80];
	[tilespmem:$0x1716D] =	vst v62  }
0x5e3: {  	v38 =	vld [tilespmem:$0x13E00];
	[tilespmem:$0x1736D] =	vst v63  }
0x5e4: {  	v39 =	vld [tilespmem:$0x13F80];
	[tilespmem:$0x1597D] =	vst v36  }
0x5e5: {  	[tilespmem:$0x1557D] =	vst v28;
	v28 =	vld [tilespmem:$0x13E80]  }
0x5e6: {  	[tilespmem:$0x1577D] =	vst v29;
	v29 =	vld [tilespmem:$0x13F00]  }
0x5e7: {  	v40 =	vld [tilespmem:$0x14000];
	[tilespmem:$0x15B7D] =	vst v37  }
0x5e8: {  	v41 =	vld [tilespmem:$0x14080];
	[tilespmem:$0x15D7D] =	vst v38  }
0x5e9: {  	v42 =	vld [tilespmem:$0x14200];
	[tilespmem:$0x1637D] =	vst v39  }
0x5ea: {  	[tilespmem:$0x15F7D] =	vst v28;
	v28 =	vld [tilespmem:$0x14100]  }
0x5eb: {  	[tilespmem:$0x1617D] =	vst v29;
	v29 =	vld [tilespmem:$0x14180]  }
0x5ec: {  	v43 =	vld [tilespmem:$0x14280];
	[tilespmem:$0x1657D] =	vst v40  }
0x5ed: {  	v44 =	vld [tilespmem:$0x14300];
	[tilespmem:$0x1677D] =	vst v41  }
0x5ee: {  	v45 =	vld [tilespmem:$0x14480];
	[tilespmem:$0x16D7D] =	vst v42  }
0x5ef: {  	[tilespmem:$0x1697D] =	vst v28;
	v28 =	vld [tilespmem:$0x14380]  }
0x5f0: {  	[tilespmem:$0x16B7D] =	vst v29;
	v29 =	vld [tilespmem:$0x14400]  }
0x5f1: {  	v46 =	vld [tilespmem:$0x14500];
	[tilespmem:$0x16F7D] =	vst v43  }
0x5f2: {  	v47 =	vld [tilespmem:$0x14580];
	[tilespmem:$0x1717D] =	vst v44  }
0x5f3: {  	v48 =	vld [tilespmem:$0x14700];
	[tilespmem:$0x1578D] =	vst v45  }
0x5f4: {  	[tilespmem:$0x1737D] =	vst v28;
	v28 =	vld [tilespmem:$0x14600]  }
0x5f5: {  	[tilespmem:$0x1558D] =	vst v29;
	v29 =	vld [tilespmem:$0x14680]  }
0x5f6: {  	v49 =	vld [tilespmem:$0x14780];
	[tilespmem:$0x1598D] =	vst v46  }
0x5f7: {  	v50 =	vld [tilespmem:$0x14800];
	[tilespmem:$0x15B8D] =	vst v47  }
0x5f8: {  	v51 =	vld [tilespmem:$0x14980];
	[tilespmem:$0x1618D] =	vst v48  }
0x5f9: {  	[tilespmem:$0x15D8D] =	vst v28;
	v28 =	vld [tilespmem:$0x14880]  }
0x5fa: {  	[tilespmem:$0x15F8D] =	vst v29;
	v29 =	vld [tilespmem:$0x14900]  }
0x5fb: {  	v52 =	vld [tilespmem:$0x14A00];
	[tilespmem:$0x1638D] =	vst v49  }
0x5fc: {  	v53 =	vld [tilespmem:$0x14A80];
	[tilespmem:$0x1658D] =	vst v50  }
0x5fd: {  	v54 =	vld [tilespmem:$0x14C00];
	[tilespmem:$0x16B8D] =	vst v51  }
0x5fe: {  	[tilespmem:$0x1678D] =	vst v28;
	v28 =	vld [tilespmem:$0x14B00]  }
0x5ff: {  	[tilespmem:$0x1698D] =	vst v29;
	v29 =	vld [tilespmem:$0x14B80]  }
0x600: {  	v55 =	vld [tilespmem:$0x14C80];
	[tilespmem:$0x16D8D] =	vst v52  }
0x601: {  	v56 =	vld [tilespmem:$0x14D00];
	[tilespmem:$0x16F8D] =	vst v53  }
0x602: {  	[tilespmem:$0x1559D] =	vst v54;
	v57 =	vld [tilespmem:$0x14E80]  }
0x603: {  	[tilespmem:$0x1718D] =	vst v28;
	v28 =	vld [tilespmem:$0x14D80]  }
0x604: {  	[tilespmem:$0x1738D] =	vst v29;
	v29 =	vld [tilespmem:$0x14E00]  }
0x605: {  	[tilespmem:$0x1579D] =	vst v55;
	v58 =	vld [tilespmem:$0x14F00]  }
0x606: {  	[tilespmem:$0x1599D] =	vst v56;
	v59 =	vld [tilespmem:$0x14F80]  }
0x607: {  	v60 =	vld [tilespmem:$0x15100];
	[tilespmem:$0x15F9D] =	vst v57  }
0x608: {  	[tilespmem:$0x15B9D] =	vst v28;
	v28 =	vld [tilespmem:$0x15000]  }
0x609: {  	[tilespmem:$0x15D9D] =	vst v29;
	v29 =	vld [tilespmem:$0x15080]  }
0x60a: {  	v61 =	vld [tilespmem:$0x15180];
	[tilespmem:$0x1619D] =	vst v58  }
0x60b: {  	v62 =	vld [tilespmem:$0x15200];
	[tilespmem:$0x1639D] =	vst v59  }
0x60c: {  	v63 =	vld [tilespmem:$0x15380];
	[tilespmem:$0x1699D] =	vst v60  }
0x60d: {  	[tilespmem:$0x1659D] =	vst v28;
	v28 =	vld [tilespmem:$0x15280]  }
0x60e: {  	[tilespmem:$0x1679D] =	vst v29;
	v29 =	vld [tilespmem:$0x15300]  }
0x60f: {  	[tilespmem:$0x16B9D] =	vst v61  }
0x610: {  	[tilespmem:$0x16D9D] =	vst v62  }
0x611: {  	s31 =	sshll.u32 s15, $0xA;
	s15 =	sadd.s32 $0x1, s15;
	[tilespmem:$0x1739D] =	vst v63  }
0x612: {  	p0 =	sne.s32 s15, $0x20;
	[tilespmem:$0x16F9D] =	vst v28  }
.Ltmp128:
0x613: {  	s16 =	sadd.s32 s31, s6;
	[tilespmem:$0x1719D] =	vst v29;
	(pc) =	sbr.rel @p0 .LBB2_229-.Ltmp128, $4  }
0x614: {  	[hbm4b:s16+s4] =	stream.linear.scatter [tilespmem:s11], [sflag:$0x2], $0x2000, $0x38;
	[tilespmem:$0x17400] =	vst v63  }
0x615: {  	_ =	swait.ge [sflag:s8], $0x2000  }
0x616: {  	[sflag:s8] =	ssyncset.done $0x0  }
0x617: {  	s14 =	sadd.s32 $0x10, s14;
	s13 =	sadd.s32 $0x270, s13;
	[sflag:s8] =	ssyncadd.s32 $0xFFFFE000  }
0x618: {  	s12 =	sadd.s32 $0x1, s12  }
0x619: {  	p0 =	sne.s32 s12, s7  }
.Ltmp129:
0x61a: {  	_ = 	snop;
	(pc) =	sbr.rel @p0 .LBB2_1-.Ltmp129, $4  }
.Ltmp130:
0x61b: {  	_ = 	snop;
	(pc) =	sbr.rel @!p0 .LBB2_235-.Ltmp130, $4  }
0x61c: {  	_ = 	snop  }
0x61d: {  	_ = 	snop  }
0x61e: {  	_ = 	snop  }
0x61f: {  	_ = 	snop  }
.LBB2_4:
.Ltmp131:
0x620: {  	(pc) =	sbr.rel .LBB2_12-.Ltmp131, $2  }
0x621: {  	_ =	sdelay $0x2  }
0x622: {  	v32 =	vmov v28;
	s16 =	simm.s32 $0x5200;
	p4 =	por $0x0, $0x0  }
.LBB2_13:
.Ltmp132:
0x623: {  	(pc) =	sbr.rel .LBB2_21-.Ltmp132, $2  }
0x624: {  	_ =	sdelay $0x2  }
0x625: {  	s13 =	simm.s32 $0x5400;
	p1 =	por $0x0, $0x0;
	p2 =	por $0x0, $0x0  }
.LBB2_22:
.Ltmp133:
0x626: {  	(pc) =	sbr.rel .LBB2_30-.Ltmp133, $2  }
0x627: {  	_ =	sdelay $0x2  }
0x628: {  	v32 =	vmov v28;
	s16 =	simm.s32 $0x5600;
	p4 =	por $0x0, $0x0  }
.LBB2_31:
.Ltmp134:
0x629: {  	(pc) =	sbr.rel .LBB2_39-.Ltmp134, $2  }
0x62a: {  	_ =	sdelay $0x2  }
0x62b: {  	s13 =	simm.s32 $0x5800;
	p1 =	por $0x0, $0x0;
	p2 =	por $0x0, $0x0  }
.LBB2_40:
.Ltmp135:
0x62c: {  	(pc) =	sbr.rel .LBB2_48-.Ltmp135, $2  }
0x62d: {  	_ =	sdelay $0x2  }
0x62e: {  	v32 =	vmov v28;
	s16 =	simm.s32 $0x5A00;
	p4 =	por $0x0, $0x0  }
.LBB2_49:
.Ltmp136:
0x62f: {  	(pc) =	sbr.rel .LBB2_57-.Ltmp136, $2  }
0x630: {  	_ =	sdelay $0x2  }
0x631: {  	s13 =	simm.s32 $0x5C00;
	p1 =	por $0x0, $0x0;
	p2 =	por $0x0, $0x0  }
.LBB2_58:
.Ltmp137:
0x632: {  	(pc) =	sbr.rel .LBB2_66-.Ltmp137, $2  }
0x633: {  	_ =	sdelay $0x2  }
0x634: {  	v32 =	vmov v28;
	s16 =	simm.s32 $0x5E00;
	p4 =	por $0x0, $0x0  }
.LBB2_67:
.Ltmp138:
0x635: {  	(pc) =	sbr.rel .LBB2_75-.Ltmp138, $2  }
0x636: {  	_ =	sdelay $0x2  }
0x637: {  	s13 =	simm.s32 $0x6000;
	p1 =	por $0x0, $0x0;
	p2 =	por $0x0, $0x0  }
.LBB2_76:
.Ltmp139:
0x638: {  	(pc) =	sbr.rel .LBB2_84-.Ltmp139, $2  }
0x639: {  	_ =	sdelay $0x2  }
0x63a: {  	v32 =	vmov v28;
	s16 =	simm.s32 $0x6200;
	p4 =	por $0x0, $0x0  }
.LBB2_85:
.Ltmp140:
0x63b: {  	(pc) =	sbr.rel .LBB2_93-.Ltmp140, $2  }
0x63c: {  	_ =	sdelay $0x2  }
0x63d: {  	s13 =	simm.s32 $0x6400;
	p1 =	por $0x0, $0x0;
	p2 =	por $0x0, $0x0  }
.LBB2_94:
.Ltmp141:
0x63e: {  	(pc) =	sbr.rel .LBB2_102-.Ltmp141, $2  }
0x63f: {  	_ =	sdelay $0x2  }
0x640: {  	v32 =	vmov v28;
	s16 =	simm.s32 $0x6600;
	p4 =	por $0x0, $0x0  }
.LBB2_103:
.Ltmp142:
0x641: {  	(pc) =	sbr.rel .LBB2_111-.Ltmp142, $2  }
0x642: {  	_ =	sdelay $0x2  }
0x643: {  	s13 =	simm.s32 $0x6800;
	p1 =	por $0x0, $0x0;
	p2 =	por $0x0, $0x0  }
.LBB2_112:
.Ltmp143:
0x644: {  	(pc) =	sbr.rel .LBB2_120-.Ltmp143, $2  }
0x645: {  	_ =	sdelay $0x2  }
0x646: {  	v32 =	vmov v28;
	s16 =	simm.s32 $0x6A00;
	p4 =	por $0x0, $0x0  }
.LBB2_121:
.Ltmp144:
0x647: {  	(pc) =	sbr.rel .LBB2_129-.Ltmp144, $2  }
0x648: {  	_ =	sdelay $0x2  }
0x649: {  	s13 =	simm.s32 $0x6C00;
	p1 =	por $0x0, $0x0;
	p2 =	por $0x0, $0x0  }
.LBB2_130:
.Ltmp145:
0x64a: {  	(pc) =	sbr.rel .LBB2_138-.Ltmp145, $2  }
0x64b: {  	_ =	sdelay $0x2  }
0x64c: {  	v32 =	vmov v28;
	s16 =	simm.s32 $0x6E00;
	p4 =	por $0x0, $0x0  }
.LBB2_139:
.Ltmp146:
0x64d: {  	(pc) =	sbr.rel .LBB2_147-.Ltmp146, $2  }
0x64e: {  	_ =	sdelay $0x2  }
0x64f: {  	s13 =	simm.s32 $0x7000;
	p1 =	por $0x0, $0x0;
	p2 =	por $0x0, $0x0  }
.LBB2_148:
.Ltmp147:
0x650: {  	(pc) =	sbr.rel .LBB2_156-.Ltmp147, $2  }
0x651: {  	_ =	sdelay $0x2  }
0x652: {  	v32 =	vmov v28;
	s16 =	simm.s32 $0x7200;
	p4 =	por $0x0, $0x0  }
.LBB2_157:
.Ltmp148:
0x653: {  	(pc) =	sbr.rel .LBB2_165-.Ltmp148, $2  }
0x654: {  	_ =	sdelay $0x2  }
0x655: {  	s13 =	simm.s32 $0x7400;
	p1 =	por $0x0, $0x0;
	p2 =	por $0x0, $0x0  }
.LBB2_166:
.Ltmp149:
0x656: {  	(pc) =	sbr.rel .LBB2_174-.Ltmp149, $2  }
0x657: {  	_ =	sdelay $0x2  }
0x658: {  	v32 =	vmov v28;
	s16 =	simm.s32 $0x7600;
	p4 =	por $0x0, $0x0  }
.LBB2_175:
.Ltmp150:
0x659: {  	(pc) =	sbr.rel .LBB2_183-.Ltmp150, $2  }
0x65a: {  	_ =	sdelay $0x2  }
0x65b: {  	s13 =	simm.s32 $0x7800;
	p1 =	por $0x0, $0x0;
	p2 =	por $0x0, $0x0  }
.LBB2_184:
.Ltmp151:
0x65c: {  	(pc) =	sbr.rel .LBB2_192-.Ltmp151, $2  }
0x65d: {  	_ =	sdelay $0x2  }
0x65e: {  	v32 =	vmov v28;
	s16 =	simm.s32 $0x7A00;
	p4 =	por $0x0, $0x0  }
.LBB2_193:
.Ltmp152:
0x65f: {  	(pc) =	sbr.rel .LBB2_201-.Ltmp152, $2  }
0x660: {  	_ =	sdelay $0x2  }
0x661: {  	s13 =	simm.s32 $0x7C00;
	p1 =	por $0x0, $0x0;
	p2 =	por $0x0, $0x0  }
.LBB2_202:
.Ltmp153:
0x662: {  	(pc) =	sbr.rel .LBB2_210-.Ltmp153, $2  }
0x663: {  	_ =	sdelay $0x2  }
0x664: {  	v32 =	vmov v28;
	s16 =	simm.s32 $0x7E00;
	p4 =	por $0x0, $0x0  }
.LBB2_211:
.Ltmp154:
0x665: {  	(pc) =	sbr.rel .LBB2_219-.Ltmp154, $2  }
0x666: {  	_ =	sdelay $0x2  }
0x667: {  	s13 =	simm.s32 $0x8000;
	p1 =	por $0x0, $0x0;
	p2 =	por $0x0, $0x0  }
.LBB2_220:
.Ltmp155:
0x668: {  	(pc) =	sbr.rel .LBB2_228-.Ltmp155, $2  }
0x669: {  	_ =	sdelay $0x2  }
0x66a: {  	s14 =	simm.s32 $0x8200  }
.LBB2_6:
.Ltmp156:
0x66b: {  	(pc) =	sbr.rel .LBB2_12-.Ltmp156, $2  }
0x66c: {  	_ =	sdelay $0x2  }
0x66d: {  	s16 =	simm.s32 $0x5200;
	p4 =	por $0x0, $0x0  }
.LBB2_15:
.Ltmp157:
0x66e: {  	(pc) =	sbr.rel .LBB2_21-.Ltmp157, $2  }
0x66f: {  	_ =	sdelay $0x2  }
0x670: {  	s13 =	simm.s32 $0x5400;
	p2 =	por $0x0, $0x0  }
.LBB2_24:
.Ltmp158:
0x671: {  	(pc) =	sbr.rel .LBB2_30-.Ltmp158, $2  }
0x672: {  	_ =	sdelay $0x2  }
0x673: {  	s16 =	simm.s32 $0x5600;
	p4 =	por $0x0, $0x0  }
.LBB2_33:
.Ltmp159:
0x674: {  	(pc) =	sbr.rel .LBB2_39-.Ltmp159, $2  }
0x675: {  	_ =	sdelay $0x2  }
0x676: {  	s13 =	simm.s32 $0x5800;
	p2 =	por $0x0, $0x0  }
.LBB2_42:
.Ltmp160:
0x677: {  	(pc) =	sbr.rel .LBB2_48-.Ltmp160, $2  }
0x678: {  	_ =	sdelay $0x2  }
0x679: {  	s16 =	simm.s32 $0x5A00;
	p4 =	por $0x0, $0x0  }
.LBB2_51:
.Ltmp161:
0x67a: {  	(pc) =	sbr.rel .LBB2_57-.Ltmp161, $2  }
0x67b: {  	_ =	sdelay $0x2  }
0x67c: {  	s13 =	simm.s32 $0x5C00;
	p2 =	por $0x0, $0x0  }
.LBB2_60:
.Ltmp162:
0x67d: {  	(pc) =	sbr.rel .LBB2_66-.Ltmp162, $2  }
0x67e: {  	_ =	sdelay $0x2  }
0x67f: {  	s16 =	simm.s32 $0x5E00;
	p4 =	por $0x0, $0x0  }
.LBB2_69:
.Ltmp163:
0x680: {  	(pc) =	sbr.rel .LBB2_75-.Ltmp163, $2  }
0x681: {  	_ =	sdelay $0x2  }
0x682: {  	s13 =	simm.s32 $0x6000;
	p2 =	por $0x0, $0x0  }
.LBB2_78:
.Ltmp164:
0x683: {  	(pc) =	sbr.rel .LBB2_84-.Ltmp164, $2  }
0x684: {  	_ =	sdelay $0x2  }
0x685: {  	s16 =	simm.s32 $0x6200;
	p4 =	por $0x0, $0x0  }
.LBB2_87:
.Ltmp165:
0x686: {  	(pc) =	sbr.rel .LBB2_93-.Ltmp165, $2  }
0x687: {  	_ =	sdelay $0x2  }
0x688: {  	s13 =	simm.s32 $0x6400;
	p2 =	por $0x0, $0x0  }
.LBB2_96:
.Ltmp166:
0x689: {  	(pc) =	sbr.rel .LBB2_102-.Ltmp166, $2  }
0x68a: {  	_ =	sdelay $0x2  }
0x68b: {  	s16 =	simm.s32 $0x6600;
	p4 =	por $0x0, $0x0  }
.LBB2_105:
.Ltmp167:
0x68c: {  	(pc) =	sbr.rel .LBB2_111-.Ltmp167, $2  }
0x68d: {  	_ =	sdelay $0x2  }
0x68e: {  	s13 =	simm.s32 $0x6800;
	p2 =	por $0x0, $0x0  }
.LBB2_114:
.Ltmp168:
0x68f: {  	(pc) =	sbr.rel .LBB2_120-.Ltmp168, $2  }
0x690: {  	_ =	sdelay $0x2  }
0x691: {  	s16 =	simm.s32 $0x6A00;
	p4 =	por $0x0, $0x0  }
.LBB2_123:
.Ltmp169:
0x692: {  	(pc) =	sbr.rel .LBB2_129-.Ltmp169, $2  }
0x693: {  	_ =	sdelay $0x2  }
0x694: {  	s13 =	simm.s32 $0x6C00;
	p2 =	por $0x0, $0x0  }
.LBB2_132:
.Ltmp170:
0x695: {  	(pc) =	sbr.rel .LBB2_138-.Ltmp170, $2  }
0x696: {  	_ =	sdelay $0x2  }
0x697: {  	s16 =	simm.s32 $0x6E00;
	p4 =	por $0x0, $0x0  }
.LBB2_141:
.Ltmp171:
0x698: {  	(pc) =	sbr.rel .LBB2_147-.Ltmp171, $2  }
0x699: {  	_ =	sdelay $0x2  }
0x69a: {  	s13 =	simm.s32 $0x7000;
	p2 =	por $0x0, $0x0  }
.LBB2_150:
.Ltmp172:
0x69b: {  	(pc) =	sbr.rel .LBB2_156-.Ltmp172, $2  }
0x69c: {  	_ =	sdelay $0x2  }
0x69d: {  	s16 =	simm.s32 $0x7200;
	p4 =	por $0x0, $0x0  }
.LBB2_159:
.Ltmp173:
0x69e: {  	(pc) =	sbr.rel .LBB2_165-.Ltmp173, $2  }
0x69f: {  	_ =	sdelay $0x2  }
0x6a0: {  	s13 =	simm.s32 $0x7400;
	p2 =	por $0x0, $0x0  }
.LBB2_168:
.Ltmp174:
0x6a1: {  	(pc) =	sbr.rel .LBB2_174-.Ltmp174, $2  }
0x6a2: {  	_ =	sdelay $0x2  }
0x6a3: {  	s16 =	simm.s32 $0x7600;
	p4 =	por $0x0, $0x0  }
.LBB2_177:
.Ltmp175:
0x6a4: {  	(pc) =	sbr.rel .LBB2_183-.Ltmp175, $2  }
0x6a5: {  	_ =	sdelay $0x2  }
0x6a6: {  	s13 =	simm.s32 $0x7800;
	p2 =	por $0x0, $0x0  }
.LBB2_186:
.Ltmp176:
0x6a7: {  	(pc) =	sbr.rel .LBB2_192-.Ltmp176, $2  }
0x6a8: {  	_ =	sdelay $0x2  }
0x6a9: {  	s16 =	simm.s32 $0x7A00;
	p4 =	por $0x0, $0x0  }
.LBB2_195:
.Ltmp177:
0x6aa: {  	(pc) =	sbr.rel .LBB2_201-.Ltmp177, $2  }
0x6ab: {  	_ =	sdelay $0x2  }
0x6ac: {  	s13 =	simm.s32 $0x7C00;
	p2 =	por $0x0, $0x0  }
.LBB2_204:
.Ltmp178:
0x6ad: {  	(pc) =	sbr.rel .LBB2_210-.Ltmp178, $2  }
0x6ae: {  	_ =	sdelay $0x2  }
0x6af: {  	s16 =	simm.s32 $0x7E00;
	p4 =	por $0x0, $0x0  }
.LBB2_213:
.Ltmp179:
0x6b0: {  	(pc) =	sbr.rel .LBB2_219-.Ltmp179, $2  }
0x6b1: {  	_ =	sdelay $0x2  }
0x6b2: {  	s13 =	simm.s32 $0x8000;
	p2 =	por $0x0, $0x0  }
.LBB2_222:
.Ltmp180:
0x6b3: {  	(pc) =	sbr.rel .LBB2_228-.Ltmp180, $2  }
0x6b4: {  	_ =	sdelay $0x2  }
0x6b5: {  	s14 =	simm.s32 $0x8200  }
.LBB2_8:
.Ltmp181:
0x6b6: {  	_ = 	snop;
	(pc) =	sbr.rel .LBB2_12-.Ltmp181, $2  }
0x6b7: {  	_ =	sdelay $0x2  }
0x6b8: {  	s16 =	simm.s32 $0x5200;
	p4 =	por $0x0, $0x0;
	v31 =	vmov v30  }
.LBB2_17:
.Ltmp182:
0x6b9: {  	_ = 	snop;
	(pc) =	sbr.rel .LBB2_21-.Ltmp182, $2  }
0x6ba: {  	_ =	sdelay $0x2  }
0x6bb: {  	s13 =	simm.s32 $0x5400;
	v31 =	vmov v30  }
.LBB2_26:
.Ltmp183:
0x6bc: {  	_ = 	snop;
	(pc) =	sbr.rel .LBB2_30-.Ltmp183, $2  }
0x6bd: {  	_ =	sdelay $0x2  }
0x6be: {  	s16 =	simm.s32 $0x5600;
	p4 =	por $0x0, $0x0;
	v31 =	vmov v30  }
.LBB2_35:
.Ltmp184:
0x6bf: {  	_ = 	snop;
	(pc) =	sbr.rel .LBB2_39-.Ltmp184, $2  }
0x6c0: {  	_ =	sdelay $0x2  }
0x6c1: {  	s13 =	simm.s32 $0x5800;
	v31 =	vmov v30  }
.LBB2_44:
.Ltmp185:
0x6c2: {  	_ = 	snop;
	(pc) =	sbr.rel .LBB2_48-.Ltmp185, $2  }
0x6c3: {  	_ =	sdelay $0x2  }
0x6c4: {  	s16 =	simm.s32 $0x5A00;
	p4 =	por $0x0, $0x0;
	v31 =	vmov v30  }
.LBB2_53:
.Ltmp186:
0x6c5: {  	_ = 	snop;
	(pc) =	sbr.rel .LBB2_57-.Ltmp186, $2  }
0x6c6: {  	_ =	sdelay $0x2  }
0x6c7: {  	s13 =	simm.s32 $0x5C00;
	v31 =	vmov v30  }
.LBB2_62:
.Ltmp187:
0x6c8: {  	_ = 	snop;
	(pc) =	sbr.rel .LBB2_66-.Ltmp187, $2  }
0x6c9: {  	_ =	sdelay $0x2  }
0x6ca: {  	s16 =	simm.s32 $0x5E00;
	p4 =	por $0x0, $0x0;
	v31 =	vmov v30  }
.LBB2_71:
.Ltmp188:
0x6cb: {  	_ = 	snop;
	(pc) =	sbr.rel .LBB2_75-.Ltmp188, $2  }
0x6cc: {  	_ =	sdelay $0x2  }
0x6cd: {  	s13 =	simm.s32 $0x6000;
	v31 =	vmov v30  }
.LBB2_80:
.Ltmp189:
0x6ce: {  	_ = 	snop;
	(pc) =	sbr.rel .LBB2_84-.Ltmp189, $2  }
0x6cf: {  	_ =	sdelay $0x2  }
0x6d0: {  	s16 =	simm.s32 $0x6200;
	p4 =	por $0x0, $0x0;
	v31 =	vmov v30  }
.LBB2_89:
.Ltmp190:
0x6d1: {  	_ = 	snop;
	(pc) =	sbr.rel .LBB2_93-.Ltmp190, $2  }
0x6d2: {  	_ =	sdelay $0x2  }
0x6d3: {  	s13 =	simm.s32 $0x6400;
	v31 =	vmov v30  }
.LBB2_98:
.Ltmp191:
0x6d4: {  	_ = 	snop;
	(pc) =	sbr.rel .LBB2_102-.Ltmp191, $2  }
0x6d5: {  	_ =	sdelay $0x2  }
0x6d6: {  	s16 =	simm.s32 $0x6600;
	p4 =	por $0x0, $0x0;
	v31 =	vmov v30  }
.LBB2_107:
.Ltmp192:
0x6d7: {  	_ = 	snop;
	(pc) =	sbr.rel .LBB2_111-.Ltmp192, $2  }
0x6d8: {  	_ =	sdelay $0x2  }
0x6d9: {  	s13 =	simm.s32 $0x6800;
	v31 =	vmov v30  }
.LBB2_116:
.Ltmp193:
0x6da: {  	_ = 	snop;
	(pc) =	sbr.rel .LBB2_120-.Ltmp193, $2  }
0x6db: {  	_ =	sdelay $0x2  }
0x6dc: {  	s16 =	simm.s32 $0x6A00;
	p4 =	por $0x0, $0x0;
	v31 =	vmov v30  }
.LBB2_125:
.Ltmp194:
0x6dd: {  	_ = 	snop;
	(pc) =	sbr.rel .LBB2_129-.Ltmp194, $2  }
0x6de: {  	_ =	sdelay $0x2  }
0x6df: {  	s13 =	simm.s32 $0x6C00;
	v31 =	vmov v30  }
.LBB2_134:
.Ltmp195:
0x6e0: {  	_ = 	snop;
	(pc) =	sbr.rel .LBB2_138-.Ltmp195, $2  }
0x6e1: {  	_ =	sdelay $0x2  }
0x6e2: {  	s16 =	simm.s32 $0x6E00;
	p4 =	por $0x0, $0x0;
	v31 =	vmov v30  }
.LBB2_143:
.Ltmp196:
0x6e3: {  	_ = 	snop;
	(pc) =	sbr.rel .LBB2_147-.Ltmp196, $2  }
0x6e4: {  	_ =	sdelay $0x2  }
0x6e5: {  	s13 =	simm.s32 $0x7000;
	v31 =	vmov v30  }
.LBB2_152:
.Ltmp197:
0x6e6: {  	_ = 	snop;
	(pc) =	sbr.rel .LBB2_156-.Ltmp197, $2  }
0x6e7: {  	_ =	sdelay $0x2  }
0x6e8: {  	s16 =	simm.s32 $0x7200;
	p4 =	por $0x0, $0x0;
	v31 =	vmov v30  }
.LBB2_161:
.Ltmp198:
0x6e9: {  	_ = 	snop;
	(pc) =	sbr.rel .LBB2_165-.Ltmp198, $2  }
0x6ea: {  	_ =	sdelay $0x2  }
0x6eb: {  	s13 =	simm.s32 $0x7400;
	v31 =	vmov v30  }
.LBB2_170:
.Ltmp199:
0x6ec: {  	_ = 	snop;
	(pc) =	sbr.rel .LBB2_174-.Ltmp199, $2  }
0x6ed: {  	_ =	sdelay $0x2  }
0x6ee: {  	s16 =	simm.s32 $0x7600;
	p4 =	por $0x0, $0x0;
	v31 =	vmov v30  }
.LBB2_179:
.Ltmp200:
0x6ef: {  	_ = 	snop;
	(pc) =	sbr.rel .LBB2_183-.Ltmp200, $2  }
0x6f0: {  	_ =	sdelay $0x2  }
0x6f1: {  	s13 =	simm.s32 $0x7800;
	v31 =	vmov v30  }
.LBB2_188:
.Ltmp201:
0x6f2: {  	_ = 	snop;
	(pc) =	sbr.rel .LBB2_192-.Ltmp201, $2  }
0x6f3: {  	_ =	sdelay $0x2  }
0x6f4: {  	s16 =	simm.s32 $0x7A00;
	p4 =	por $0x0, $0x0;
	v31 =	vmov v30  }
.LBB2_197:
.Ltmp202:
0x6f5: {  	_ = 	snop;
	(pc) =	sbr.rel .LBB2_201-.Ltmp202, $2  }
0x6f6: {  	_ =	sdelay $0x2  }
0x6f7: {  	s13 =	simm.s32 $0x7C00;
	v31 =	vmov v30  }
.LBB2_206:
.Ltmp203:
0x6f8: {  	_ = 	snop;
	(pc) =	sbr.rel .LBB2_210-.Ltmp203, $2  }
0x6f9: {  	_ =	sdelay $0x2  }
0x6fa: {  	s16 =	simm.s32 $0x7E00;
	p4 =	por $0x0, $0x0;
	v31 =	vmov v30  }
.LBB2_215:
.Ltmp204:
0x6fb: {  	_ = 	snop;
	(pc) =	sbr.rel .LBB2_219-.Ltmp204, $2  }
0x6fc: {  	_ =	sdelay $0x2  }
0x6fd: {  	s13 =	simm.s32 $0x8000;
	v31 =	vmov v30  }
.LBB2_224:
.Ltmp205:
0x6fe: {  	_ = 	snop;
	(pc) =	sbr.rel .LBB2_228-.Ltmp205, $2  }
0x6ff: {  	_ =	sdelay $0x2  }
0x700: {  	s14 =	simm.s32 $0x8200;
	v31 =	vmov v29  }
.LBB2_10:
.Ltmp206:
0x701: {  	(pc) =	sbr.rel .LBB2_12-.Ltmp206, $2  }
0x702: {  	_ =	sdelay $0x2  }
0x703: {  	s16 =	simm.s32 $0x5200  }
.LBB2_19:
.Ltmp207:
0x704: {  	(pc) =	sbr.rel .LBB2_21-.Ltmp207, $2  }
0x705: {  	_ =	sdelay $0x2  }
0x706: {  	s13 =	simm.s32 $0x5400  }
.LBB2_28:
.Ltmp208:
0x707: {  	(pc) =	sbr.rel .LBB2_30-.Ltmp208, $2  }
0x708: {  	_ =	sdelay $0x2  }
0x709: {  	s16 =	simm.s32 $0x5600  }
.LBB2_37:
.Ltmp209:
0x70a: {  	(pc) =	sbr.rel .LBB2_39-.Ltmp209, $2  }
0x70b: {  	_ =	sdelay $0x2  }
0x70c: {  	s13 =	simm.s32 $0x5800  }
.LBB2_46:
.Ltmp210:
0x70d: {  	(pc) =	sbr.rel .LBB2_48-.Ltmp210, $2  }
0x70e: {  	_ =	sdelay $0x2  }
0x70f: {  	s16 =	simm.s32 $0x5A00  }
.LBB2_55:
.Ltmp211:
0x710: {  	(pc) =	sbr.rel .LBB2_57-.Ltmp211, $2  }
0x711: {  	_ =	sdelay $0x2  }
0x712: {  	s13 =	simm.s32 $0x5C00  }
.LBB2_64:
.Ltmp212:
0x713: {  	(pc) =	sbr.rel .LBB2_66-.Ltmp212, $2  }
0x714: {  	_ =	sdelay $0x2  }
0x715: {  	s16 =	simm.s32 $0x5E00  }
.LBB2_73:
.Ltmp213:
0x716: {  	(pc) =	sbr.rel .LBB2_75-.Ltmp213, $2  }
0x717: {  	_ =	sdelay $0x2  }
0x718: {  	s13 =	simm.s32 $0x6000  }
.LBB2_82:
.Ltmp214:
0x719: {  	(pc) =	sbr.rel .LBB2_84-.Ltmp214, $2  }
0x71a: {  	_ =	sdelay $0x2  }
0x71b: {  	s16 =	simm.s32 $0x6200  }
.LBB2_91:
.Ltmp215:
0x71c: {  	(pc) =	sbr.rel .LBB2_93-.Ltmp215, $2  }
0x71d: {  	_ =	sdelay $0x2  }
0x71e: {  	s13 =	simm.s32 $0x6400  }
.LBB2_100:
.Ltmp216:
0x71f: {  	(pc) =	sbr.rel .LBB2_102-.Ltmp216, $2  }
0x720: {  	_ =	sdelay $0x2  }
0x721: {  	s16 =	simm.s32 $0x6600  }
.LBB2_109:
.Ltmp217:
0x722: {  	(pc) =	sbr.rel .LBB2_111-.Ltmp217, $2  }
0x723: {  	_ =	sdelay $0x2  }
0x724: {  	s13 =	simm.s32 $0x6800  }
.LBB2_118:
.Ltmp218:
0x725: {  	(pc) =	sbr.rel .LBB2_120-.Ltmp218, $2  }
0x726: {  	_ =	sdelay $0x2  }
0x727: {  	s16 =	simm.s32 $0x6A00  }
.LBB2_127:
.Ltmp219:
0x728: {  	(pc) =	sbr.rel .LBB2_129-.Ltmp219, $2  }
0x729: {  	_ =	sdelay $0x2  }
0x72a: {  	s13 =	simm.s32 $0x6C00  }
.LBB2_136:
.Ltmp220:
0x72b: {  	(pc) =	sbr.rel .LBB2_138-.Ltmp220, $2  }
0x72c: {  	_ =	sdelay $0x2  }
0x72d: {  	s16 =	simm.s32 $0x6E00  }
.LBB2_145:
.Ltmp221:
0x72e: {  	(pc) =	sbr.rel .LBB2_147-.Ltmp221, $2  }
0x72f: {  	_ =	sdelay $0x2  }
0x730: {  	s13 =	simm.s32 $0x7000  }
.LBB2_154:
.Ltmp222:
0x731: {  	(pc) =	sbr.rel .LBB2_156-.Ltmp222, $2  }
0x732: {  	_ =	sdelay $0x2  }
0x733: {  	s16 =	simm.s32 $0x7200  }
.LBB2_163:
.Ltmp223:
0x734: {  	(pc) =	sbr.rel .LBB2_165-.Ltmp223, $2  }
0x735: {  	_ =	sdelay $0x2  }
0x736: {  	s13 =	simm.s32 $0x7400  }
.LBB2_172:
.Ltmp224:
0x737: {  	(pc) =	sbr.rel .LBB2_174-.Ltmp224, $2  }
0x738: {  	_ =	sdelay $0x2  }
0x739: {  	s16 =	simm.s32 $0x7600  }
.LBB2_181:
.Ltmp225:
0x73a: {  	(pc) =	sbr.rel .LBB2_183-.Ltmp225, $2  }
0x73b: {  	_ =	sdelay $0x2  }
0x73c: {  	s13 =	simm.s32 $0x7800  }
.LBB2_190:
.Ltmp226:
0x73d: {  	(pc) =	sbr.rel .LBB2_192-.Ltmp226, $2  }
0x73e: {  	_ =	sdelay $0x2  }
0x73f: {  	s16 =	simm.s32 $0x7A00  }
.LBB2_199:
.Ltmp227:
0x740: {  	(pc) =	sbr.rel .LBB2_201-.Ltmp227, $2  }
0x741: {  	_ =	sdelay $0x2  }
0x742: {  	s13 =	simm.s32 $0x7C00  }
.LBB2_208:
.Ltmp228:
0x743: {  	(pc) =	sbr.rel .LBB2_210-.Ltmp228, $2  }
0x744: {  	_ =	sdelay $0x2  }
0x745: {  	s16 =	simm.s32 $0x7E00  }
.LBB2_217:
.Ltmp229:
0x746: {  	(pc) =	sbr.rel .LBB2_219-.Ltmp229, $2  }
0x747: {  	_ =	sdelay $0x2  }
0x748: {  	s13 =	simm.s32 $0x8000  }
.LBB2_226:
.Ltmp230:
0x749: {  	(pc) =	sbr.rel .LBB2_228-.Ltmp230, $2  }
0x74a: {  	_ =	sdelay $0x2  }
0x74b: {  	s14 =	simm.s32 $0x8200  }
.LBB2_235:
0x74c: {  	_ =	sfence.sel $0x180000  }
0x74d: {  	[bflag:$0x0] =	sbarrier.arrive $0xFFFF  }
0x74e: {  	p0 =	sne.s32 s0, $0x0;
	_ =	strace $0x90000047  }
0x74f: {  	s0 =	sadd.s32 @!p0 $0x100000, s3;
	[bflag:$0x2] =	sbarrier.arrive $0xFFFF  }
0x750: {  	[sflag:s0] =	ssyncadd.tile.s32 @!p0 $0x1;
	_ =	shalt  }
.Lfunc_end2:
_tile_overlayer_lowered:
.L_overlay_start_2:
0x751: {  	(tag) =	ssettag $0x2  }
0x752: {  	s0 =	rddreg [dreg:$0x0];
	s2 =	stileid.u32  }
0x753: {  	s1 =	rddreg [dreg:$0x1];
	p0 =	sne.s32 s2, $0x0  }
0x754: {  	s3 =	rddreg [dreg:$0x2];
	[bflag:$0x3] =	sbarrier.arrive $0xFFFF;
	s2 =	simm.s32 @!p0 $0x1C02  }
0x755: {  	[timem:s3], [sflag:s2] =	dma.local @!p0 [hbm:s0], s1  }
0x756: {  	s0 =	simm.s32 @!p0 $0x2  }
0x757: {  	_ =	swait.ge @!p0 [sflag:s0], s1  }
0x758: {  	s1 =	ssub.s32 @!p0 $0x0, s1;
	[sflag:s0] =	ssyncset.done @!p0 $0x0  }
0x759: {  	[sflag:s0] =	ssyncadd.s32 @!p0 s1  }
0x75a: {  	[bflag:$0x3] =	sbarrier.arrive $0xFFFF  }
0x75b: {  	_ =	shalt  }

</sc_bundles>
